<compile_context>
chip_gen: v7x
topology: tpu7x:2x2x1
jax: 0.10.2.dev20260603
libtpu: 0.0.44.dev20260713+nightly
codegen_flags: <defaults>
</compile_context>

<pallas_src>
import functools

import jax
import jax.numpy as jnp
from jax import lax
from jax.experimental import pallas as pl
from jax.experimental.pallas import tpu as pltpu
from jax.experimental.pallas import tpu_sc as plsc

N = 10000
E = 320000
ND = 128
ED = 16
MD = 128
TD = ND + ED

NC = 2
NS = 16
NW = NC * NS
NSLAB = 1
ES = E // NSLAB
EPW = ES // NW
CH = 80
NFULL = EPW // CH
CHT = EPW - NFULL * CH

F32 = jnp.float32


def _tables_body(x_ref, mW1a_ref, mW1b_ref, eW1a_ref, eW1b_ref, mb1_ref,
                 eb1_ref, p_ref, q_ref, pe_ref, qe_ref):
    x = x_ref[...]
    p_ref[...] = jnp.dot(x, mW1a_ref[...], preferred_element_type=F32) + mb1_ref[...]
    q_ref[...] = jnp.dot(x, mW1b_ref[...], preferred_element_type=F32)
    pe_ref[...] = jnp.dot(x, eW1a_ref[...], preferred_element_type=F32) + eb1_ref[...]
    qe_ref[...] = jnp.dot(x, eW1b_ref[...], preferred_element_type=F32)


_BN1 = 2000


def _tables(x, mW1a, mW1b, eW1a, eW1b, mb1, eb1):
    full128 = pl.BlockSpec((ND, ND), lambda i: (0, 0))
    full16 = pl.BlockSpec((ND, ED), lambda i: (0, 0))
    return pl.pallas_call(
        _tables_body,
        grid=(N // _BN1,),
        in_specs=[
            pl.BlockSpec((_BN1, ND), lambda i: (i, 0)),
            full128, full128, full16, full16,
            pl.BlockSpec((1, ND), lambda i: (0, 0)),
            pl.BlockSpec((1, ED), lambda i: (0, 0)),
        ],
        out_specs=[
            pl.BlockSpec((_BN1, ND), lambda i: (i, 0)),
            pl.BlockSpec((_BN1, ND), lambda i: (i, 0)),
            pl.BlockSpec((_BN1, ED), lambda i: (i, 0)),
            pl.BlockSpec((_BN1, ED), lambda i: (i, 0)),
        ],
        out_shape=[
            jax.ShapeDtypeStruct((N, ND), F32),
            jax.ShapeDtypeStruct((N, ND), F32),
            jax.ShapeDtypeStruct((N, ED), F32),
            jax.ShapeDtypeStruct((N, ED), F32),
        ],
    )(x, mW1a, mW1b, eW1a, eW1b, mb1, eb1)


_sc_mesh = plsc.VectorSubcoreMesh(core_axis_name="c", subcore_axis_name="s")


def _gather_add_body(w, t_hbm, u_hbm, src_hbm, dst_hbm, g_hbm,
                     si_all, di_all, tr0, tr1, ur0, ur1, ob0, ob1, trt, urt,
                     gsT0, gsT1, gsU0, gsU1, ws0, ws1):
    TR, UR, OB = (tr0, tr1), (ur0, ur1), (ob0, ob1)
    GST, GSU, WS = (gsT0, gsT1), (gsU0, gsU1), (ws0, ws1)
    wid = lax.axis_index("s") * NC + lax.axis_index("c")
    base = pl.multiple_of(wid * EPW, 8)

    pltpu.sync_copy(src_hbm.at[pl.ds(base, EPW)], si_all)
    pltpu.sync_copy(dst_hbm.at[pl.ds(base, EPW)], di_all)

    def start(c, p):
        loff = pl.multiple_of(c * CH, 8)
        pltpu.async_copy(t_hbm.at[si_all.at[pl.ds(loff, CH)]], TR[p], GST[p])
        pltpu.async_copy(u_hbm.at[di_all.at[pl.ds(loff, CH)]], UR[p], GSU[p])

    def finish(c, p, drain):
        pltpu.make_async_copy(
            t_hbm.at[si_all.at[pl.ds(0, CH)]], TR[p], GST[p]).wait()
        pltpu.make_async_copy(
            u_hbm.at[di_all.at[pl.ds(0, CH)]], UR[p], GSU[p]).wait()

        @pl.when(drain)
        def _d():
            pltpu.make_async_copy(
                OB[p], g_hbm.at[pl.ds(base, CH)], WS[p]).wait()

        @pl.loop(0, CH)
        def _row(r):
            for cc in range(0, w, 16):
                slc = (pl.ds(r, 1), pl.ds(cc, 16))
                OB[p].at[slc][...] = TR[p].at[slc][...] + UR[p].at[slc][...]

        off = pl.multiple_of(base + c * CH, 8)
        pltpu.async_copy(OB[p], g_hbm.at[pl.ds(off, CH)], WS[p])

    start(0, 0)

    @pl.loop(0, NFULL // 2)
    def _pair(k):
        c0 = 2 * k
        start(c0 + 1, 1)
        finish(c0, 0, k >= 1)

        @pl.when(c0 + 2 < NFULL)
        def _s():
            start(c0 + 2, 0)

        finish(c0 + 1, 1, k >= 1)

    if NFULL % 2:
        finish(NFULL - 1, 0, jnp.bool_(True))

    pltpu.make_async_copy(OB[1], g_hbm.at[pl.ds(base, CH)], WS[1]).wait()
    pltpu.make_async_copy(OB[0], g_hbm.at[pl.ds(base, CH)], WS[0]).wait()

    if CHT:
        tl0 = pl.multiple_of(NFULL * CH, 8)
        cpt = pltpu.async_copy(t_hbm.at[si_all.at[pl.ds(tl0, CHT)]], trt,
                               GST[0])
        cpu = pltpu.async_copy(u_hbm.at[di_all.at[pl.ds(tl0, CHT)]], urt,
                               GSU[0])
        cpt.wait()
        cpu.wait()

        @pl.loop(0, CHT)
        def _trow(r):
            for cc in range(0, w, 16):
                slc = (pl.ds(r, 1), pl.ds(cc, 16))
                trt.at[slc][...] = trt.at[slc][...] + urt.at[slc][...]

        pltpu.sync_copy(trt, g_hbm.at[pl.ds(base + tl0, CHT)])


def _mk_gather(w, **kw):
    return pl.kernel(
        functools.partial(_gather_add_body, w),
        mesh=_sc_mesh,
        out_type=jax.ShapeDtypeStruct((ES, w), F32),
        scratch_types=[
            pltpu.VMEM((EPW,), jnp.int32),
            pltpu.VMEM((EPW,), jnp.int32),
            pltpu.VMEM((CH, w), F32),
            pltpu.VMEM((CH, w), F32),
            pltpu.VMEM((CH, w), F32),
            pltpu.VMEM((CH, w), F32),
            pltpu.VMEM((CH, w), F32),
            pltpu.VMEM((CH, w), F32),
            pltpu.VMEM((max(CHT, 8), w), F32),
            pltpu.VMEM((max(CHT, 8), w), F32),
            pltpu.SemaphoreType.DMA,
            pltpu.SemaphoreType.DMA,
            pltpu.SemaphoreType.DMA,
            pltpu.SemaphoreType.DMA,
            pltpu.SemaphoreType.DMA,
            pltpu.SemaphoreType.DMA,
        ],
        **kw,
    )


_sc_gather128 = _mk_gather(ND)
_sc_gather16 = _mk_gather(
    ED, compiler_params=pltpu.CompilerParams(use_tc_tiling_on_sc=False))


def _mlp_body(g_ref, get_ref, eft_ref, mW1c_ref, mW2_ref, mW3_ref,
              eW1cT_ref, eW2T_ref, mb2_ref, mb3_ref, eb2c_ref,
              m_ref, edt_ref):
    g = g_ref[...]
    eft = eft_ref[...]
    efW = lax.dot_general(eft, mW1c_ref[...],
                          (((0,), (0,)), ((), ())),
                          preferred_element_type=F32)
    m1 = jnp.maximum(g + efW, 0.0)
    bW2 = mW2_ref[...].astype(jnp.bfloat16)
    bW3 = mW3_ref[...].astype(jnp.bfloat16)
    m2 = jnp.maximum(
        jnp.dot(m1.astype(jnp.bfloat16), bW2, preferred_element_type=F32)
        + mb2_ref[...], 0.0)
    m_ref[...] = jnp.dot(m2.astype(jnp.bfloat16), bW3,
                         preferred_element_type=F32) + mb3_ref[...]
    ue_t = jnp.maximum(
        get_ref[...] + jnp.dot(eW1cT_ref[...], eft,
                               preferred_element_type=F32), 0.0)
    edt_ref[...] = jnp.dot(eW2T_ref[...], ue_t,
                           preferred_element_type=F32) + eb2c_ref[...]


_BE = 6400


def _edge_mlp(G, Get, eft, mW1c, mW2, mW3, eW1cT, eW2T, mb2, mb3, eb2c):
    return pl.pallas_call(
        _mlp_body,
        grid=(ES // _BE,),
        in_specs=[
            pl.BlockSpec((_BE, ND), lambda i: (i, 0)),
            pl.BlockSpec((ED, _BE), lambda i: (0, i)),
            pl.BlockSpec((ED, _BE), lambda i: (0, i)),
            pl.BlockSpec((ED, MD), lambda i: (0, 0)),
            pl.BlockSpec((MD, MD), lambda i: (0, 0)),
            pl.BlockSpec((MD, MD), lambda i: (0, 0)),
            pl.BlockSpec((ED, ED), lambda i: (0, 0)),
            pl.BlockSpec((ED, ED), lambda i: (0, 0)),
            pl.BlockSpec((1, MD), lambda i: (0, 0)),
            pl.BlockSpec((1, MD), lambda i: (0, 0)),
            pl.BlockSpec((ED, 1), lambda i: (0, 0)),
        ],
        out_specs=[
            pl.BlockSpec((_BE, MD), lambda i: (i, 0)),
            pl.BlockSpec((ED, _BE), lambda i: (0, i)),
        ],
        out_shape=[
            jax.ShapeDtypeStruct((ES, MD), F32),
            jax.ShapeDtypeStruct((ED, ES), F32),
        ],
    )(G, Get, eft, mW1c, mW2, mW3, eW1cT, eW2T, mb2, mb3, eb2c)


_RMAIN = 624
_RREM = N - NS * _RMAIN
_ZB = 104


@functools.partial(
    pl.kernel,
    mesh=_sc_mesh,
    out_type=jax.ShapeDtypeStruct((NC, N, MD), F32),
    scratch_types=[
        pltpu.VMEM((CH,), jnp.int32),
        pltpu.VMEM((CH,), jnp.int32),
        pltpu.VMEM((CH, MD), F32),
        pltpu.VMEM((CH, MD), F32),
        pltpu.VMEM((max(CHT, 8),), jnp.int32),
        pltpu.VMEM((max(CHT, 8), MD), F32),
        pltpu.VMEM((_ZB, MD), F32),
        pltpu.VMEM_SHARED((N, MD), F32),
        pltpu.SemaphoreType.DMA,
        pltpu.SemaphoreType.DMA,
        pltpu.SemaphoreType.DMA,
        pltpu.SemaphoreType.DMA,
    ],
)
def _sc_scatter(m_hbm, dst_hbm, out_hbm, idx0, idx1, rows0, rows1,
                idxt, rowst, zb_v, acc_sh, lsI0, lsI1, lsR0, lsR1):
    IDX, ROWS = (idx0, idx1), (rows0, rows1)
    LSI, LSR = (lsI0, lsI1), (lsR0, lsR1)
    cid = lax.axis_index("c")
    sid = lax.axis_index("s")

    @pl.loop(0, _ZB)
    def _zrow(r):
        for c in range(0, MD, 16):
            zb_v.at[(pl.ds(r, 1), pl.ds(c, 16))][...] = jnp.zeros((1, 16), F32)

    @pl.loop(0, _RMAIN // _ZB)
    def _zcp(k):
        z0 = pl.multiple_of(sid * _RMAIN + k * _ZB, 8)
        pltpu.sync_copy(zb_v, acc_sh.at[pl.ds(z0, _ZB)])

    @pl.when(sid == 0)
    def _zrem():
        pltpu.sync_copy(zb_v.at[pl.ds(0, _RREM)],
                        acc_sh.at[pl.ds(NS * _RMAIN, _RREM)])

    plsc.subcore_barrier()

    base = pl.multiple_of(cid * (ES // NC) + sid * EPW, 8)

    def load(c, p):
        off = pl.multiple_of(base + c * CH, 8)
        pltpu.async_copy(dst_hbm.at[pl.ds(off, CH)], IDX[p], LSI[p])
        pltpu.async_copy(m_hbm.at[pl.ds(off, CH)], ROWS[p], LSR[p])

    def flush(c, p):
        pltpu.make_async_copy(
            dst_hbm.at[pl.ds(base, CH)], IDX[p], LSI[p]).wait()
        pltpu.make_async_copy(
            m_hbm.at[pl.ds(base, CH)], ROWS[p], LSR[p]).wait()
        pltpu.sync_copy(ROWS[p], acc_sh.at[IDX[p]], add=True)

    load(0, 0)

    @pl.loop(0, NFULL // 2)
    def _pair(k):
        c0 = 2 * k
        load(c0 + 1, 1)
        flush(c0, 0)

        @pl.when(c0 + 2 < NFULL)
        def _s():
            load(c0 + 2, 0)

        flush(c0 + 1, 1)

    if NFULL % 2:
        flush(NFULL - 1, 0)

    if CHT:
        tl0 = pl.multiple_of(base + NFULL * CH, 8)
        pltpu.sync_copy(dst_hbm.at[pl.ds(tl0, CHT)], idxt)
        pltpu.sync_copy(m_hbm.at[pl.ds(tl0, CHT)], rowst)
        pltpu.sync_copy(rowst, acc_sh.at[idxt], add=True)

    plsc.subcore_barrier()

    @pl.loop(0, _RMAIN // _ZB)
    def _wb(k):
        z0 = pl.multiple_of(sid * _RMAIN + k * _ZB, 8)
        pltpu.sync_copy(acc_sh.at[pl.ds(z0, _ZB)], zb_v)
        pltpu.sync_copy(zb_v, out_hbm.at[cid].at[pl.ds(z0, _ZB)])

    @pl.when(sid == 0)
    def _wrem():
        pltpu.sync_copy(acc_sh.at[pl.ds(NS * _RMAIN, _RREM)],
                        rows0.at[pl.ds(0, _RREM)])
        pltpu.sync_copy(rows0.at[pl.ds(0, _RREM)],
                        out_hbm.at[cid].at[pl.ds(NS * _RMAIN, _RREM)])


def _node_body(nparts, x_ref, *refs):
    s_refs = refs[:nparts]
    nW1a_ref, nW1b_ref, nb1_ref, g_ref, b_ref, o_ref = refs[nparts:]
    x = x_ref[...]
    msg = s_refs[0][0] + s_refs[0][1]
    for s_ref in s_refs[1:]:
        msg = msg + (s_ref[0] + s_ref[1])
    h = jnp.maximum(
        jnp.dot(x, nW1a_ref[...], preferred_element_type=F32)
        + jnp.dot(msg, nW1b_ref[...], preferred_element_type=F32)
        + nb1_ref[...], 0.0)
    mu = jnp.mean(h, axis=1, keepdims=True)
    var = jnp.mean((h - mu) ** 2, axis=1, keepdims=True)
    hn = (h - mu) * lax.rsqrt(var + 1e-5)
    o_ref[...] = hn * g_ref[...] + b_ref[...]


_BN2 = 2000


def _node_update(x, partials, nW1a, nW1b, nb1, ln_g, ln_b):
    full = pl.BlockSpec((ND, ND), lambda i: (0, 0))
    part_spec = pl.BlockSpec((NC, _BN2, MD), lambda i: (0, i, 0))
    return pl.pallas_call(
        functools.partial(_node_body, len(partials)),
        grid=(N // _BN2,),
        in_specs=[
            pl.BlockSpec((_BN2, ND), lambda i: (i, 0)),
            *([part_spec] * len(partials)),
            full, full,
            pl.BlockSpec((1, ND), lambda i: (0, 0)),
            pl.BlockSpec((1, ND), lambda i: (0, 0)),
            pl.BlockSpec((1, ND), lambda i: (0, 0)),
        ],
        out_specs=pl.BlockSpec((_BN2, ND), lambda i: (i, 0)),
        out_shape=jax.ShapeDtypeStruct((N, ND), F32),
    )(x, *partials, nW1a, nW1b, nb1, ln_g, ln_b)


def kernel(node_features, edge_indices, edge_features,
           mW1, mb1, mW2, mb2, mW3, mb3,
           eW1, eb1, eW2, eb2,
           nW1, nb1, ln_g, ln_b):
    x = node_features
    src = edge_indices[0]
    dst = edge_indices[1]
    mW1a, mW1b, mW1c = mW1[:ND], mW1[ND:2 * ND], mW1[2 * ND:]
    eW1a, eW1b, eW1c = eW1[:ND], eW1[ND:2 * ND], eW1[2 * ND:]
    nW1a, nW1b = nW1[:ND], nW1[ND:]

    P, Q, Pe, Qe = _tables(x, mW1a, mW1b, eW1a, eW1b,
                           mb1.reshape(1, ND), eb1.reshape(1, ED))
    eft = edge_features.T
    partials, ed_ts = [], []
    prev = None
    for s in range(NSLAB):
        lo = s * ES
        src_s = lax.slice(src, (lo,), (lo + ES,))
        dst_s = lax.slice(dst, (lo,), (lo + ES,))
        if prev is not None:
            src_s, _ = lax.optimization_barrier((src_s, prev))
        Ge = _sc_gather16(Pe, Qe, src_s, dst_s)
        G = _sc_gather128(P, Q, src_s, dst_s)
        prev = G
        eft_s = lax.slice(eft, (0, lo), (ED, lo + ES))
        M3, ed_t = _edge_mlp(
            G, Ge.T, eft_s, mW1c, mW2, mW3, eW1c.T, eW2.T,
            mb2.reshape(1, MD), mb3.reshape(1, MD), eb2.reshape(ED, 1))
        ed_ts.append(ed_t)
        partials.append(_sc_scatter(M3, dst_s))
    ed_t = ed_ts[0] if NSLAB == 1 else jnp.concatenate(ed_ts, axis=1)
    updated_edges = ed_t.T
    updated_nodes = _node_update(x, partials, nW1a, nW1b,
                                 nb1.reshape(1, ND), ln_g.reshape(1, ND),
                                 ln_b.reshape(1, ND))
    return updated_nodes, updated_edges

# --- scband reference (transcript-rebuilt; emitter-appended) ---
"""Pipeline reference for scband-message-passing-layer-49804440764523 (READ-ONLY COPY).

The authoritative reference and input builder live on the scoring server;
editing this copy changes nothing except your own understanding.
"""

import jax, jax.numpy as jnp
import numpy as np

N = 10000
E = 320000
NODE_DIM = 128
EDGE_DIM = 16
MSG_DIM = 128


def _lin_init(key, fan_in, fan_out):
    k1, k2 = jax.random.split(key)
    bound = 1.0 / np.sqrt(fan_in)
    W = jax.random.uniform(k1, (fan_in, fan_out), jnp.float32, -bound, bound)
    b = jax.random.uniform(k2, (fan_out,), jnp.float32, -bound, bound)
    return W, b


def setup_inputs(seed: int = 0) -> dict:
    key = jax.random.key(seed)
    ks = jax.random.split(key, 10)
    node_features = jax.random.normal(ks[0], (N, NODE_DIM), dtype=jnp.float32)
    edge_indices = jax.random.randint(ks[1], (2, E), 0, N, dtype=jnp.int32)
    edge_features = jax.random.normal(ks[2], (E, EDGE_DIM), dtype=jnp.float32)
    in_dim = NODE_DIM * 2 + EDGE_DIM
    mW1, mb1 = _lin_init(ks[3], in_dim, MSG_DIM)
    mW2, mb2 = _lin_init(ks[4], MSG_DIM, MSG_DIM)
    mW3, mb3 = _lin_init(ks[5], MSG_DIM, MSG_DIM)
    eW1, eb1 = _lin_init(ks[6], in_dim, EDGE_DIM)
    eW2, eb2 = _lin_init(ks[7], EDGE_DIM, EDGE_DIM)
    nW1, nb1 = _lin_init(ks[8], NODE_DIM + MSG_DIM, NODE_DIM)
    ln_g = jnp.ones((NODE_DIM,), jnp.float32)
    ln_b = jnp.zeros((NODE_DIM,), jnp.float32)
    return {
        'node_features': node_features,
        'edge_indices': edge_indices,
        'edge_features': edge_features,
        'mW1': mW1, 'mb1': mb1, 'mW2': mW2, 'mb2': mb2, 'mW3': mW3, 'mb3': mb3,
        'eW1': eW1, 'eb1': eb1, 'eW2': eW2, 'eb2': eb2,
        'nW1': nW1, 'nb1': nb1, 'ln_g': ln_g, 'ln_b': ln_b,
    }


def reference(node_features, edge_indices, edge_features,
              mW1, mb1, mW2, mb2, mW3, mb3,
              eW1, eb1, eW2, eb2,
              nW1, nb1, ln_g, ln_b):
    src = edge_indices[0]
    dst = edge_indices[1]
    h_src = jnp.take(node_features, src, axis=0)
    h_dst = jnp.take(node_features, dst, axis=0)
    edge_in = jnp.concatenate([h_src, h_dst, edge_features], axis=-1)
    # message_net: Linear -> ReLU -> Linear -> ReLU -> Linear
    m = jnp.maximum(edge_in @ mW1 + mb1, 0.0)
    m = jnp.maximum(m @ mW2 + mb2, 0.0)
    m = m @ mW3 + mb3
    # scatter-add messages to destination nodes
    messages = jnp.zeros((node_features.shape[0], MSG_DIM), dtype=m.dtype).at[dst].add(m)
    # edge_update_net: Linear -> ReLU -> Linear
    ue = jnp.maximum(edge_in @ eW1 + eb1, 0.0)
    updated_edges = ue @ eW2 + eb2
    # node_update_net: Linear -> ReLU -> LayerNorm
    node_in = jnp.concatenate([node_features, messages], axis=-1)
    h = jnp.maximum(node_in @ nW1 + nb1, 0.0)
    mu = jnp.mean(h, axis=-1, keepdims=True)
    var = jnp.mean((h - mu) ** 2, axis=-1, keepdims=True)
    hn = (h - mu) / jnp.sqrt(var + 1e-5)
    updated_nodes = hn * ln_g + ln_b
    return (updated_nodes, updated_edges)

if __name__ == "__main__":
    import jax
    _d = setup_inputs()
    print(jax.jit(kernel)(*tuple(_d.values())))

</pallas_src>

<mosaic_0001>
#map = affine_map<(d0, d1) -> (0, 0)>
#map1 = affine_map<(d0, d1) -> (0)>
#map2 = affine_map<(d0, d1) -> (0, 0, 0)>
module attributes {stable_mosaic.version = 14 : i64} {
  func.func @_sc_scatter(%arg0: i32, %arg1: i32, %arg2: memref<320000x128xf32, #tpu.memory_space<hbm>>, %arg3: memref<320000xi32, #tpu.memory_space<hbm>>, %arg4: memref<2x10000x128xf32, #tpu.memory_space<hbm>>, %arg5: memref<80xi32, #tpu.memory_space<vmem>>, %arg6: memref<80xi32, #tpu.memory_space<vmem>>, %arg7: memref<80x128xf32, #tpu.memory_space<vmem>>, %arg8: memref<80x128xf32, #tpu.memory_space<vmem>>, %arg9: memref<8xi32, #tpu.memory_space<vmem>>, %arg10: memref<8x128xf32, #tpu.memory_space<vmem>>, %arg11: memref<104x128xf32, #tpu.memory_space<vmem>>, %arg12: memref<10000x128xf32, #tpu.memory_space<vmem_shared>>, %arg13: memref<!tpu.dma_semaphore, #tpu.memory_space<semaphore_mem>>, %arg14: memref<!tpu.dma_semaphore, #tpu.memory_space<semaphore_mem>>, %arg15: memref<!tpu.dma_semaphore, #tpu.memory_space<semaphore_mem>>, %arg16: memref<!tpu.dma_semaphore, #tpu.memory_space<semaphore_mem>>) attributes {dimension_semantics = [#tpu.dimension_semantics<core_parallel>, #tpu.dimension_semantics<subcore_parallel>], iteration_bounds = array<i64: 2, 16>, scalar_prefetch = 0 : i64, scratch_operands = 12 : i64, tpu.core_type = #tpu.core_type<sc_vector_subcore>, window_params = [{transform_indices = #map}, {transform_indices = #map1}, {transform_indices = #map2}]} {
    %scan3A = arith.constant 0 : i32
    %scan3A_0 = arith.constant 104 : i32
    %scan3A_1 = arith.addi %scan3A, %scan3A_0 : i32
    %scan3A_2 = arith.constant 1 : i32
    scf.for %scan3A_43 = %scan3A to %scan3A_1 step %scan3A_2  : i32 {
      %mul3A_44 = arith.constant 1 : i32
      %mul3A_45 = arith.muli %scan3A_43, %mul3A_44 : i32
      %add3A_46 = arith.constant 0 : i32
      %add3A_47 = arith.addi %add3A_46, %mul3A_45 : i32
      %broadcast_in_dim3A = arith.constant 0.000000e+00 : f32
      %broadcast_in_dim3A_48 = vector.broadcast %broadcast_in_dim3A : f32 to vector<1x16xf32>
      %swap3A = arith.index_cast %add3A_47 : i32 to index
      %swap3A_49 = arith.constant 0 : index
      %swap3A_50 = tpu.vector_load %arg11[%swap3A, %swap3A_49] {strides = array<i32>} : memref<104x128xf32, #tpu.memory_space<vmem>>, vector<1x16xf32>,
      %swap3A_51 = vector.shape_cast %swap3A_50 : vector<1x16xf32> to vector<1x16xf32>
      %swap3A_52 = vector.shape_cast %broadcast_in_dim3A_48 : vector<1x16xf32> to vector<1x16xf32>
      tpu.vector_store %arg11[%swap3A, %swap3A_49], %swap3A_52 {strides = array<i32>} : memref<104x128xf32, #tpu.memory_space<vmem>>, vector<1x16xf32>,
      %broadcast_in_dim3A_53 = arith.constant 0.000000e+00 : f32
      %broadcast_in_dim3A_54 = vector.broadcast %broadcast_in_dim3A_53 : f32 to vector<1x16xf32>
      %swap3A_55 = arith.index_cast %add3A_47 : i32 to index
      %swap3A_56 = arith.constant 16 : index
      %swap3A_57 = tpu.vector_load %arg11[%swap3A_55, %swap3A_56] {strides = array<i32>} : memref<104x128xf32, #tpu.memory_space<vmem>>, vector<1x16xf32>,
      %swap3A_58 = vector.shape_cast %swap3A_57 : vector<1x16xf32> to vector<1x16xf32>
      %swap3A_59 = vector.shape_cast %broadcast_in_dim3A_54 : vector<1x16xf32> to vector<1x16xf32>
      tpu.vector_store %arg11[%swap3A_55, %swap3A_56], %swap3A_59 {strides = array<i32>} : memref<104x128xf32, #tpu.memory_space<vmem>>, vector<1x16xf32>,
      %broadcast_in_dim3A_60 = arith.constant 0.000000e+00 : f32
      %broadcast_in_dim3A_61 = vector.broadcast %broadcast_in_dim3A_60 : f32 to vector<1x16xf32>
      %swap3A_62 = arith.index_cast %add3A_47 : i32 to index
      %swap3A_63 = arith.constant 32 : index
      %swap3A_64 = tpu.vector_load %arg11[%swap3A_62, %swap3A_63] {strides = array<i32>} : memref<104x128xf32, #tpu.memory_space<vmem>>, vector<1x16xf32>,
      %swap3A_65 = vector.shape_cast %swap3A_64 : vector<1x16xf32> to vector<1x16xf32>
      %swap3A_66 = vector.shape_cast %broadcast_in_dim3A_61 : vector<1x16xf32> to vector<1x16xf32>
      tpu.vector_store %arg11[%swap3A_62, %swap3A_63], %swap3A_66 {strides = array<i32>} : memref<104x128xf32, #tpu.memory_space<vmem>>, vector<1x16xf32>,
      %broadcast_in_dim3A_67 = arith.constant 0.000000e+00 : f32
      %broadcast_in_dim3A_68 = vector.broadcast %broadcast_in_dim3A_67 : f32 to vector<1x16xf32>
      %swap3A_69 = arith.index_cast %add3A_47 : i32 to index
      %swap3A_70 = arith.constant 48 : index
      %swap3A_71 = tpu.vector_load %arg11[%swap3A_69, %swap3A_70] {strides = array<i32>} : memref<104x128xf32, #tpu.memory_space<vmem>>, vector<1x16xf32>,
      %swap3A_72 = vector.shape_cast %swap3A_71 : vector<1x16xf32> to vector<1x16xf32>
      %swap3A_73 = vector.shape_cast %broadcast_in_dim3A_68 : vector<1x16xf32> to vector<1x16xf32>
      tpu.vector_store %arg11[%swap3A_69, %swap3A_70], %swap3A_73 {strides = array<i32>} : memref<104x128xf32, #tpu.memory_space<vmem>>, vector<1x16xf32>,
      %broadcast_in_dim3A_74 = arith.constant 0.000000e+00 : f32
      %broadcast_in_dim3A_75 = vector.broadcast %broadcast_in_dim3A_74 : f32 to vector<1x16xf32>
      %swap3A_76 = arith.index_cast %add3A_47 : i32 to index
      %swap3A_77 = arith.constant 64 : index
      %swap3A_78 = tpu.vector_load %arg11[%swap3A_76, %swap3A_77] {strides = array<i32>} : memref<104x128xf32, #tpu.memory_space<vmem>>, vector<1x16xf32>,
      %swap3A_79 = vector.shape_cast %swap3A_78 : vector<1x16xf32> to vector<1x16xf32>
      %swap3A_80 = vector.shape_cast %broadcast_in_dim3A_75 : vector<1x16xf32> to vector<1x16xf32>
      tpu.vector_store %arg11[%swap3A_76, %swap3A_77], %swap3A_80 {strides = array<i32>} : memref<104x128xf32, #tpu.memory_space<vmem>>, vector<1x16xf32>,
      %broadcast_in_dim3A_81 = arith.constant 0.000000e+00 : f32
      %broadcast_in_dim3A_82 = vector.broadcast %broadcast_in_dim3A_81 : f32 to vector<1x16xf32>
      %swap3A_83 = arith.index_cast %add3A_47 : i32 to index
      %swap3A_84 = arith.constant 80 : index
      %swap3A_85 = tpu.vector_load %arg11[%swap3A_83, %swap3A_84] {strides = array<i32>} : memref<104x128xf32, #tpu.memory_space<vmem>>, vector<1x16xf32>,
      %swap3A_86 = vector.shape_cast %swap3A_85 : vector<1x16xf32> to vector<1x16xf32>
      %swap3A_87 = vector.shape_cast %broadcast_in_dim3A_82 : vector<1x16xf32> to vector<1x16xf32>
      tpu.vector_store %arg11[%swap3A_83, %swap3A_84], %swap3A_87 {strides = array<i32>} : memref<104x128xf32, #tpu.memory_space<vmem>>, vector<1x16xf32>,
      %broadcast_in_dim3A_88 = arith.constant 0.000000e+00 : f32
      %broadcast_in_dim3A_89 = vector.broadcast %broadcast_in_dim3A_88 : f32 to vector<1x16xf32>
      %swap3A_90 = arith.index_cast %add3A_47 : i32 to index
      %swap3A_91 = arith.constant 96 : index
      %swap3A_92 = tpu.vector_load %arg11[%swap3A_90, %swap3A_91] {strides = array<i32>} : memref<104x128xf32, #tpu.memory_space<vmem>>, vector<1x16xf32>,
      %swap3A_93 = vector.shape_cast %swap3A_92 : vector<1x16xf32> to vector<1x16xf32>
      %swap3A_94 = vector.shape_cast %broadcast_in_dim3A_89 : vector<1x16xf32> to vector<1x16xf32>
      tpu.vector_store %arg11[%swap3A_90, %swap3A_91], %swap3A_94 {strides = array<i32>} : memref<104x128xf32, #tpu.memory_space<vmem>>, vector<1x16xf32>,
      %broadcast_in_dim3A_95 = arith.constant 0.000000e+00 : f32
      %broadcast_in_dim3A_96 = vector.broadcast %broadcast_in_dim3A_95 : f32 to vector<1x16xf32>
      %swap3A_97 = arith.index_cast %add3A_47 : i32 to index
      %swap3A_98 = arith.constant 112 : index
      %swap3A_99 = tpu.vector_load %arg11[%swap3A_97, %swap3A_98] {strides = array<i32>} : memref<104x128xf32, #tpu.memory_space<vmem>>, vector<1x16xf32>,
      %swap3A_100 = vector.shape_cast %swap3A_99 : vector<1x16xf32> to vector<1x16xf32>
      %swap3A_101 = vector.shape_cast %broadcast_in_dim3A_96 : vector<1x16xf32> to vector<1x16xf32>
      tpu.vector_store %arg11[%swap3A_97, %swap3A_98], %swap3A_101 {strides = array<i32>} : memref<104x128xf32, #tpu.memory_space<vmem>>, vector<1x16xf32>,
    }
    %scan3A_3 = arith.constant 104 : i32
    %scan3A_4 = arith.constant 0 : i32
    %scan3A_5 = arith.constant 6 : i32
    %scan3A_6 = arith.addi %scan3A_4, %scan3A_5 : i32
    %scan3A_7 = arith.constant 1 : i32
    scf.for %scan3A_43 = %scan3A_4 to %scan3A_6 step %scan3A_7  : i32 {
      %mul3A_44 = arith.constant 1 : i32
      %mul3A_45 = arith.muli %scan3A_43, %mul3A_44 : i32
      %add3A_46 = arith.constant 0 : i32
      %add3A_47 = arith.addi %add3A_46, %mul3A_45 : i32
      %mul3A_48 = arith.constant 624 : i32
      %mul3A_49 = arith.muli %arg1, %mul3A_48 : i32
      %mul3A_50 = arith.constant 104 : i32
      %mul3A_51 = arith.muli %add3A_47, %mul3A_50 : i32
      %add3A_52 = arith.addi %mul3A_49, %mul3A_51 : i32
      %multiple_of3A_53 = tpu.assume_multiple %add3A_52, 8 : i32
      "tpu.region"() ({
        %run_scoped3A = tpu.sem_alloc : memref<!tpu.dma_semaphore, #tpu.memory_space<semaphore_mem>>
        %dma_start3A_54 = arith.constant 0 : i32
        %dma_start3A_55 = tpu.memref_slice %arg12[%multiple_of3A_53, %dma_start3A_54] : memref<10000x128xf32, #tpu.memory_space<vmem_shared>> -> memref<104x128xf32, #tpu.memory_space<vmem_shared>>
        %dma_start3A_56 = arith.constant 0 : i32
        %dma_start3A_57 = tpu.memref_slice %arg12[%multiple_of3A_53, %dma_start3A_56] : memref<10000x128xf32, #tpu.memory_space<vmem_shared>> -> memref<104x128xf32, #tpu.memory_space<vmem_shared>>
        tpu.enqueue_dma source(%arg11 : memref<104x128xf32, #tpu.memory_space<vmem>>) target(%dma_start3A_57 : memref<104x128xf32, #tpu.memory_space<vmem_shared>>) target_semaphore(%run_scoped3A : memref<!tpu.dma_semaphore, #tpu.memory_space<semaphore_mem>>)
        %dma_wait3A_58 = arith.constant 0 : i32
        %dma_wait3A_59 = tpu.memref_slice %arg12[%multiple_of3A_53, %dma_wait3A_58] : memref<10000x128xf32, #tpu.memory_space<vmem_shared>> -> memref<104x128xf32, #tpu.memory_space<vmem_shared>>
        %dma_wait3A_60 = arith.constant 0 : i32
        %dma_wait3A_61 = tpu.memref_slice %arg12[%multiple_of3A_53, %dma_wait3A_60] : memref<10000x128xf32, #tpu.memory_space<vmem_shared>> -> memref<104x128xf32, #tpu.memory_space<vmem_shared>>
        tpu.wait_dma2 semaphore(%run_scoped3A : memref<!tpu.dma_semaphore, #tpu.memory_space<semaphore_mem>>) src(%arg11 : memref<104x128xf32, #tpu.memory_space<vmem>>) dst(%dma_wait3A_61 : memref<104x128xf32, #tpu.memory_space<vmem_shared>>)
        tpu.yield
      }) : () -> ()
    }
    %scan3A_8 = arith.constant 6 : i32
    %eq3A = arith.constant 0 : i32
    %eq3A_9 = arith.cmpi eq, %arg1, %eq3A : i32
    %convert_element_type3A = arith.extui %eq3A_9 : i1 to i32
    %cond3A = arith.constant 0 : i32
    %cond3A_10 = arith.cmpi ne, %convert_element_type3A, %cond3A : i32
    scf.if %cond3A_10 {
      "tpu.region"() ({
        %run_scoped3A = tpu.sem_alloc : memref<!tpu.dma_semaphore, #tpu.memory_space<semaphore_mem>>
        %dma_start3A_43 = arith.constant 0 : i32
        %dma_start3A_44 = arith.constant 0 : i32
        %dma_start3A_45 = tpu.memref_slice %arg11[%dma_start3A_43, %dma_start3A_44] : memref<104x128xf32, #tpu.memory_space<vmem>> -> memref<16x128xf32, #tpu.memory_space<vmem>>
        %dma_start3A_46 = arith.constant 9984 : i32
        %dma_start3A_47 = arith.constant 0 : i32
        %dma_start3A_48 = tpu.memref_slice %arg12[%dma_start3A_46, %dma_start3A_47] : memref<10000x128xf32, #tpu.memory_space<vmem_shared>> -> memref<16x128xf32, #tpu.memory_space<vmem_shared>>
        %dma_start3A_49 = arith.constant 9984 : i32
        %dma_start3A_50 = arith.constant 0 : i32
        %dma_start3A_51 = tpu.memref_slice %arg12[%dma_start3A_49, %dma_start3A_50] : memref<10000x128xf32, #tpu.memory_space<vmem_shared>> -> memref<16x128xf32, #tpu.memory_space<vmem_shared>>
        %dma_start3A_52 = arith.constant 0 : i32
        %dma_start3A_53 = arith.constant 0 : i32
        %dma_start3A_54 = tpu.memref_slice %arg11[%dma_start3A_52, %dma_start3A_53] : memref<104x128xf32, #tpu.memory_space<vmem>> -> memref<16x128xf32, #tpu.memory_space<vmem>>
        tpu.enqueue_dma source(%dma_start3A_54 : memref<16x128xf32, #tpu.memory_space<vmem>>) target(%dma_start3A_51 : memref<16x128xf32, #tpu.memory_space<vmem_shared>>) target_semaphore(%run_scoped3A : memref<!tpu.dma_semaphore, #tpu.memory_space<semaphore_mem>>)
        %dma_wait3A_55 = arith.constant 0 : i32
        %dma_wait3A_56 = arith.constant 0 : i32
        %dma_wait3A_57 = tpu.memref_slice %arg11[%dma_wait3A_55, %dma_wait3A_56] : memref<104x128xf32, #tpu.memory_space<vmem>> -> memref<16x128xf32, #tpu.memory_space<vmem>>
        %dma_wait3A_58 = arith.constant 9984 : i32
        %dma_wait3A_59 = arith.constant 0 : i32
        %dma_wait3A_60 = tpu.memref_slice %arg12[%dma_wait3A_58, %dma_wait3A_59] : memref<10000x128xf32, #tpu.memory_space<vmem_shared>> -> memref<16x128xf32, #tpu.memory_space<vmem_shared>>
        %dma_wait3A_61 = arith.constant 9984 : i32
        %dma_wait3A_62 = arith.constant 0 : i32
        %dma_wait3A_63 = tpu.memref_slice %arg12[%dma_wait3A_61, %dma_wait3A_62] : memref<10000x128xf32, #tpu.memory_space<vmem_shared>> -> memref<16x128xf32, #tpu.memory_space<vmem_shared>>
        %dma_wait3A_64 = arith.constant 0 : i32
        %dma_wait3A_65 = arith.constant 0 : i32
        %dma_wait3A_66 = tpu.memref_slice %arg11[%dma_wait3A_64, %dma_wait3A_65] : memref<104x128xf32, #tpu.memory_space<vmem>> -> memref<16x128xf32, #tpu.memory_space<vmem>>
        tpu.wait_dma2 semaphore(%run_scoped3A : memref<!tpu.dma_semaphore, #tpu.memory_space<semaphore_mem>>) src(%dma_wait3A_66 : memref<16x128xf32, #tpu.memory_space<vmem>>) dst(%dma_wait3A_63 : memref<16x128xf32, #tpu.memory_space<vmem_shared>>)
        tpu.yield
      }) : () -> ()
    } else {
    }
    %barrier3A = arith.constant 0 : index
    tpu.barrier barrier_id(%barrier3A)
    %mul3A = arith.constant 160000 : i32
    %mul3A_11 = arith.muli %arg0, %mul3A : i32
    %mul3A_12 = arith.constant 10000 : i32
    %mul3A_13 = arith.muli %arg1, %mul3A_12 : i32
    %add3A = arith.addi %mul3A_11, %mul3A_13 : i32
    %multiple_of3A = tpu.assume_multiple %add3A, 8 : i32
    %add3A_14 = arith.constant 0 : i32
    %add3A_15 = arith.addi %multiple_of3A, %add3A_14 : i32
    %multiple_of3A_16 = tpu.assume_multiple %add3A_15, 8 : i32
    %dma_start3A = tpu.memref_slice %arg3[%multiple_of3A_16] : memref<320000xi32, #tpu.memory_space<hbm>> -> memref<80xi32, #tpu.memory_space<hbm>>
    %dma_start3A_17 = tpu.memref_slice %arg3[%multiple_of3A_16] : memref<320000xi32, #tpu.memory_space<hbm>> -> memref<80xi32, #tpu.memory_space<hbm>>
    tpu.enqueue_dma source(%dma_start3A_17 : memref<80xi32, #tpu.memory_space<hbm>>) target(%arg5 : memref<80xi32, #tpu.memory_space<vmem>>) target_semaphore(%arg13 : memref<!tpu.dma_semaphore, #tpu.memory_space<semaphore_mem>>)
    %dma_start3A_18 = arith.constant 0 : i32
    %dma_start3A_19 = tpu.memref_slice %arg2[%multiple_of3A_16, %dma_start3A_18] : memref<320000x128xf32, #tpu.memory_space<hbm>> -> memref<80x128xf32, #tpu.memory_space<hbm>>
    %dma_start3A_20 = arith.constant 0 : i32
    %dma_start3A_21 = tpu.memref_slice %arg2[%multiple_of3A_16, %dma_start3A_20] : memref<320000x128xf32, #tpu.memory_space<hbm>> -> memref<80x128xf32, #tpu.memory_space<hbm>>
    tpu.enqueue_dma source(%dma_start3A_21 : memref<80x128xf32, #tpu.memory_space<hbm>>) target(%arg7 : memref<80x128xf32, #tpu.memory_space<vmem>>) target_semaphore(%arg15 : memref<!tpu.dma_semaphore, #tpu.memory_space<semaphore_mem>>)
    %scan3A_22 = arith.constant 0 : i32
    %scan3A_23 = arith.constant 62 : i32
    %scan3A_24 = arith.addi %scan3A_22, %scan3A_23 : i32
    %scan3A_25 = arith.constant 1 : i32
    scf.for %scan3A_43 = %scan3A_22 to %scan3A_24 step %scan3A_25  : i32 {
      %mul3A_44 = arith.constant 1 : i32
      %mul3A_45 = arith.muli %scan3A_43, %mul3A_44 : i32
      %add3A_46 = arith.constant 0 : i32
      %add3A_47 = arith.addi %add3A_46, %mul3A_45 : i32
      %mul3A_48 = arith.constant 2 : i32
      %mul3A_49 = arith.muli %mul3A_48, %add3A_47 : i32
      %add3A_50 = arith.constant 1 : i32
      %add3A_51 = arith.addi %mul3A_49, %add3A_50 : i32
      %mul3A_52 = arith.constant 80 : i32
      %mul3A_53 = arith.muli %add3A_51, %mul3A_52 : i32
      %add3A_54 = arith.addi %multiple_of3A, %mul3A_53 : i32
      %multiple_of3A_55 = tpu.assume_multiple %add3A_54, 8 : i32
      %dma_start3A_56 = tpu.memref_slice %arg3[%multiple_of3A_55] : memref<320000xi32, #tpu.memory_space<hbm>> -> memref<80xi32, #tpu.memory_space<hbm>>
      %dma_start3A_57 = tpu.memref_slice %arg3[%multiple_of3A_55] : memref<320000xi32, #tpu.memory_space<hbm>> -> memref<80xi32, #tpu.memory_space<hbm>>
      tpu.enqueue_dma source(%dma_start3A_57 : memref<80xi32, #tpu.memory_space<hbm>>) target(%arg6 : memref<80xi32, #tpu.memory_space<vmem>>) target_semaphore(%arg14 : memref<!tpu.dma_semaphore, #tpu.memory_space<semaphore_mem>>)
      %dma_start3A_58 = arith.constant 0 : i32
      %dma_start3A_59 = tpu.memref_slice %arg2[%multiple_of3A_55, %dma_start3A_58] : memref<320000x128xf32, #tpu.memory_space<hbm>> -> memref<80x128xf32, #tpu.memory_space<hbm>>
      %dma_start3A_60 = arith.constant 0 : i32
      %dma_start3A_61 = tpu.memref_slice %arg2[%multiple_of3A_55, %dma_start3A_60] : memref<320000x128xf32, #tpu.memory_space<hbm>> -> memref<80x128xf32, #tpu.memory_space<hbm>>
      tpu.enqueue_dma source(%dma_start3A_61 : memref<80x128xf32, #tpu.memory_space<hbm>>) target(%arg8 : memref<80x128xf32, #tpu.memory_space<vmem>>) target_semaphore(%arg16 : memref<!tpu.dma_semaphore, #tpu.memory_space<semaphore_mem>>)
      %dma_wait3A_62 = tpu.memref_slice %arg3[%multiple_of3A] : memref<320000xi32, #tpu.memory_space<hbm>> -> memref<80xi32, #tpu.memory_space<hbm>>
      %dma_wait3A_63 = tpu.memref_slice %arg3[%multiple_of3A] : memref<320000xi32, #tpu.memory_space<hbm>> -> memref<80xi32, #tpu.memory_space<hbm>>
      tpu.wait_dma2 semaphore(%arg13 : memref<!tpu.dma_semaphore, #tpu.memory_space<semaphore_mem>>) src(%dma_wait3A_63 : memref<80xi32, #tpu.memory_space<hbm>>) dst(%arg5 : memref<80xi32, #tpu.memory_space<vmem>>)
      %dma_wait3A_64 = arith.constant 0 : i32
      %dma_wait3A_65 = tpu.memref_slice %arg2[%multiple_of3A, %dma_wait3A_64] : memref<320000x128xf32, #tpu.memory_space<hbm>> -> memref<80x128xf32, #tpu.memory_space<hbm>>
      %dma_wait3A_66 = arith.constant 0 : i32
      %dma_wait3A_67 = tpu.memref_slice %arg2[%multiple_of3A, %dma_wait3A_66] : memref<320000x128xf32, #tpu.memory_space<hbm>> -> memref<80x128xf32, #tpu.memory_space<hbm>>
      tpu.wait_dma2 semaphore(%arg15 : memref<!tpu.dma_semaphore, #tpu.memory_space<semaphore_mem>>) src(%dma_wait3A_67 : memref<80x128xf32, #tpu.memory_space<hbm>>) dst(%arg7 : memref<80x128xf32, #tpu.memory_space<vmem>>)
      "tpu.region"() ({
        %run_scoped3A = tpu.sem_alloc : memref<!tpu.dma_semaphore, #tpu.memory_space<semaphore_mem>>
        %dma_start3A_82 = arith.constant 0 : i32
        %dma_start3A_83 = arith.constant 0 : i32
        %dma_start3A_84 = tpu.memref_slice %arg12[%dma_start3A_82, %dma_start3A_83] : memref<10000x128xf32, #tpu.memory_space<vmem_shared>> -> memref<10000x128xf32, #tpu.memory_space<vmem_shared>>
        tpu.enqueue_indirect_dma source(%arg7 : memref<80x128xf32, #tpu.memory_space<vmem>>) target(%dma_start3A_84 : memref<10000x128xf32, #tpu.memory_space<vmem_shared>>) offsets(%arg5 : memref<80xi32, #tpu.memory_space<vmem>>) semaphore(%run_scoped3A : memref<!tpu.dma_semaphore, #tpu.memory_space<semaphore_mem>>) {add = true}
        %dma_wait3A_85 = arith.constant 0 : i32
        %dma_wait3A_86 = arith.constant 0 : i32
        %dma_wait3A_87 = tpu.memref_slice %arg12[%dma_wait3A_85, %dma_wait3A_86] : memref<10000x128xf32, #tpu.memory_space<vmem_shared>> -> memref<10000x128xf32, #tpu.memory_space<vmem_shared>>
        tpu.wait_indirect_dma semaphore(%run_scoped3A : memref<!tpu.dma_semaphore, #tpu.memory_space<semaphore_mem>>) src(%arg7 : memref<80x128xf32, #tpu.memory_space<vmem>>) dst(%dma_wait3A_87 : memref<10000x128xf32, #tpu.memory_space<vmem_shared>>)
        tpu.yield
      }) : () -> ()
      %add3A_68 = arith.constant 2 : i32
      %add3A_69 = arith.addi %mul3A_49, %add3A_68 : i32
      %lt3A = arith.constant 125 : i32
      %lt3A_70 = arith.cmpi slt, %add3A_69, %lt3A : i32
      %convert_element_type3A_71 = arith.extui %lt3A_70 : i1 to i32
      %cond3A_72 = arith.constant 0 : i32
      %cond3A_73 = arith.cmpi ne, %convert_element_type3A_71, %cond3A_72 : i32
      scf.if %cond3A_73 {
        %add3A_82 = arith.constant 2 : i32
        %add3A_83 = arith.addi %mul3A_49, %add3A_82 : i32
        %mul3A_84 = arith.constant 80 : i32
        %mul3A_85 = arith.muli %add3A_83, %mul3A_84 : i32
        %add3A_86 = arith.addi %multiple_of3A, %mul3A_85 : i32
        %multiple_of3A_87 = tpu.assume_multiple %add3A_86, 8 : i32
        %dma_start3A_88 = tpu.memref_slice %arg3[%multiple_of3A_87] : memref<320000xi32, #tpu.memory_space<hbm>> -> memref<80xi32, #tpu.memory_space<hbm>>
        %dma_start3A_89 = tpu.memref_slice %arg3[%multiple_of3A_87] : memref<320000xi32, #tpu.memory_space<hbm>> -> memref<80xi32, #tpu.memory_space<hbm>>
        tpu.enqueue_dma source(%dma_start3A_89 : memref<80xi32, #tpu.memory_space<hbm>>) target(%arg5 : memref<80xi32, #tpu.memory_space<vmem>>) target_semaphore(%arg13 : memref<!tpu.dma_semaphore, #tpu.memory_space<semaphore_mem>>)
        %dma_start3A_90 = arith.constant 0 : i32
        %dma_start3A_91 = tpu.memref_slice %arg2[%multiple_of3A_87, %dma_start3A_90] : memref<320000x128xf32, #tpu.memory_space<hbm>> -> memref<80x128xf32, #tpu.memory_space<hbm>>
        %dma_start3A_92 = arith.constant 0 : i32
        %dma_start3A_93 = tpu.memref_slice %arg2[%multiple_of3A_87, %dma_start3A_92] : memref<320000x128xf32, #tpu.memory_space<hbm>> -> memref<80x128xf32, #tpu.memory_space<hbm>>
        tpu.enqueue_dma source(%dma_start3A_93 : memref<80x128xf32, #tpu.memory_space<hbm>>) target(%arg7 : memref<80x128xf32, #tpu.memory_space<vmem>>) target_semaphore(%arg15 : memref<!tpu.dma_semaphore, #tpu.memory_space<semaphore_mem>>)
      } else {
      }
      %add3A_74 = arith.constant 1 : i32
      %add3A_75 = arith.addi %mul3A_49, %add3A_74 : i32
      %dma_wait3A_76 = tpu.memref_slice %arg3[%multiple_of3A] : memref<320000xi32, #tpu.memory_space<hbm>> -> memref<80xi32, #tpu.memory_space<hbm>>
      %dma_wait3A_77 = tpu.memref_slice %arg3[%multiple_of3A] : memref<320000xi32, #tpu.memory_space<hbm>> -> memref<80xi32, #tpu.memory_space<hbm>>
      tpu.wait_dma2 semaphore(%arg14 : memref<!tpu.dma_semaphore, #tpu.memory_space<semaphore_mem>>) src(%dma_wait3A_77 : memref<80xi32, #tpu.memory_space<hbm>>) dst(%arg6 : memref<80xi32, #tpu.memory_space<vmem>>)
      %dma_wait3A_78 = arith.constant 0 : i32
      %dma_wait3A_79 = tpu.memref_slice %arg2[%multiple_of3A, %dma_wait3A_78] : memref<320000x128xf32, #tpu.memory_space<hbm>> -> memref<80x128xf32, #tpu.memory_space<hbm>>
      %dma_wait3A_80 = arith.constant 0 : i32
      %dma_wait3A_81 = tpu.memref_slice %arg2[%multiple_of3A, %dma_wait3A_80] : memref<320000x128xf32, #tpu.memory_space<hbm>> -> memref<80x128xf32, #tpu.memory_space<hbm>>
      tpu.wait_dma2 semaphore(%arg16 : memref<!tpu.dma_semaphore, #tpu.memory_space<semaphore_mem>>) src(%dma_wait3A_81 : memref<80x128xf32, #tpu.memory_space<hbm>>) dst(%arg8 : memref<80x128xf32, #tpu.memory_space<vmem>>)
      "tpu.region"() ({
        %run_scoped3A = tpu.sem_alloc : memref<!tpu.dma_semaphore, #tpu.memory_space<semaphore_mem>>
        %dma_start3A_82 = arith.constant 0 : i32
        %dma_start3A_83 = arith.constant 0 : i32
        %dma_start3A_84 = tpu.memref_slice %arg12[%dma_start3A_82, %dma_start3A_83] : memref<10000x128xf32, #tpu.memory_space<vmem_shared>> -> memref<10000x128xf32, #tpu.memory_space<vmem_shared>>
        tpu.enqueue_indirect_dma source(%arg8 : memref<80x128xf32, #tpu.memory_space<vmem>>) target(%dma_start3A_84 : memref<10000x128xf32, #tpu.memory_space<vmem_shared>>) offsets(%arg6 : memref<80xi32, #tpu.memory_space<vmem>>) semaphore(%run_scoped3A : memref<!tpu.dma_semaphore, #tpu.memory_space<semaphore_mem>>) {add = true}
        %dma_wait3A_85 = arith.constant 0 : i32
        %dma_wait3A_86 = arith.constant 0 : i32
        %dma_wait3A_87 = tpu.memref_slice %arg12[%dma_wait3A_85, %dma_wait3A_86] : memref<10000x128xf32, #tpu.memory_space<vmem_shared>> -> memref<10000x128xf32, #tpu.memory_space<vmem_shared>>
        tpu.wait_indirect_dma semaphore(%run_scoped3A : memref<!tpu.dma_semaphore, #tpu.memory_space<semaphore_mem>>) src(%arg8 : memref<80x128xf32, #tpu.memory_space<vmem>>) dst(%dma_wait3A_87 : memref<10000x128xf32, #tpu.memory_space<vmem_shared>>)
        tpu.yield
      }) : () -> ()
    }
    %scan3A_26 = arith.constant 62 : i32
    %dma_wait3A = tpu.memref_slice %arg3[%multiple_of3A] : memref<320000xi32, #tpu.memory_space<hbm>> -> memref<80xi32, #tpu.memory_space<hbm>>
    %dma_wait3A_27 = tpu.memref_slice %arg3[%multiple_of3A] : memref<320000xi32, #tpu.memory_space<hbm>> -> memref<80xi32, #tpu.memory_space<hbm>>
    tpu.wait_dma2 semaphore(%arg13 : memref<!tpu.dma_semaphore, #tpu.memory_space<semaphore_mem>>) src(%dma_wait3A_27 : memref<80xi32, #tpu.memory_space<hbm>>) dst(%arg5 : memref<80xi32, #tpu.memory_space<vmem>>)
    %dma_wait3A_28 = arith.constant 0 : i32
    %dma_wait3A_29 = tpu.memref_slice %arg2[%multiple_of3A, %dma_wait3A_28] : memref<320000x128xf32, #tpu.memory_space<hbm>> -> memref<80x128xf32, #tpu.memory_space<hbm>>
    %dma_wait3A_30 = arith.constant 0 : i32
    %dma_wait3A_31 = tpu.memref_slice %arg2[%multiple_of3A, %dma_wait3A_30] : memref<320000x128xf32, #tpu.memory_space<hbm>> -> memref<80x128xf32, #tpu.memory_space<hbm>>
    tpu.wait_dma2 semaphore(%arg15 : memref<!tpu.dma_semaphore, #tpu.memory_space<semaphore_mem>>) src(%dma_wait3A_31 : memref<80x128xf32, #tpu.memory_space<hbm>>) dst(%arg7 : memref<80x128xf32, #tpu.memory_space<vmem>>)
    "tpu.region"() ({
      %run_scoped3A = tpu.sem_alloc : memref<!tpu.dma_semaphore, #tpu.memory_space<semaphore_mem>>
      %dma_start3A_43 = arith.constant 0 : i32
      %dma_start3A_44 = arith.constant 0 : i32
      %dma_start3A_45 = tpu.memref_slice %arg12[%dma_start3A_43, %dma_start3A_44] : memref<10000x128xf32, #tpu.memory_space<vmem_shared>> -> memref<10000x128xf32, #tpu.memory_space<vmem_shared>>
      tpu.enqueue_indirect_dma source(%arg7 : memref<80x128xf32, #tpu.memory_space<vmem>>) target(%dma_start3A_45 : memref<10000x128xf32, #tpu.memory_space<vmem_shared>>) offsets(%arg5 : memref<80xi32, #tpu.memory_space<vmem>>) semaphore(%run_scoped3A : memref<!tpu.dma_semaphore, #tpu.memory_space<semaphore_mem>>) {add = true}
      %dma_wait3A_46 = arith.constant 0 : i32
      %dma_wait3A_47 = arith.constant 0 : i32
      %dma_wait3A_48 = tpu.memref_slice %arg12[%dma_wait3A_46, %dma_wait3A_47] : memref<10000x128xf32, #tpu.memory_space<vmem_shared>> -> memref<10000x128xf32, #tpu.memory_space<vmem_shared>>
      tpu.wait_indirect_dma semaphore(%run_scoped3A : memref<!tpu.dma_semaphore, #tpu.memory_space<semaphore_mem>>) src(%arg7 : memref<80x128xf32, #tpu.memory_space<vmem>>) dst(%dma_wait3A_48 : memref<10000x128xf32, #tpu.memory_space<vmem_shared>>)
      tpu.yield
    }) : () -> ()
    %barrier3A_32 = arith.constant 0 : index
    tpu.barrier barrier_id(%barrier3A_32)
    %scan3A_33 = arith.constant 0 : i32
    %scan3A_34 = arith.constant 6 : i32
    %scan3A_35 = arith.addi %scan3A_33, %scan3A_34 : i32
    %scan3A_36 = arith.constant 1 : i32
    scf.for %scan3A_43 = %scan3A_33 to %scan3A_35 step %scan3A_36  : i32 {
      %mul3A_44 = arith.constant 1 : i32
      %mul3A_45 = arith.muli %scan3A_43, %mul3A_44 : i32
      %add3A_46 = arith.constant 0 : i32
      %add3A_47 = arith.addi %add3A_46, %mul3A_45 : i32
      %mul3A_48 = arith.constant 624 : i32
      %mul3A_49 = arith.muli %arg1, %mul3A_48 : i32
      %mul3A_50 = arith.constant 104 : i32
      %mul3A_51 = arith.muli %add3A_47, %mul3A_50 : i32
      %add3A_52 = arith.addi %mul3A_49, %mul3A_51 : i32
      %multiple_of3A_53 = tpu.assume_multiple %add3A_52, 8 : i32
      "tpu.region"() ({
        %run_scoped3A = tpu.sem_alloc : memref<!tpu.dma_semaphore, #tpu.memory_space<semaphore_mem>>
        %dma_start3A_54 = arith.constant 0 : i32
        %dma_start3A_55 = tpu.memref_slice %arg12[%multiple_of3A_53, %dma_start3A_54] : memref<10000x128xf32, #tpu.memory_space<vmem_shared>> -> memref<104x128xf32, #tpu.memory_space<vmem_shared>>
        %dma_start3A_56 = arith.constant 0 : i32
        %dma_start3A_57 = tpu.memref_slice %arg12[%multiple_of3A_53, %dma_start3A_56] : memref<10000x128xf32, #tpu.memory_space<vmem_shared>> -> memref<104x128xf32, #tpu.memory_space<vmem_shared>>
        tpu.enqueue_dma source(%dma_start3A_57 : memref<104x128xf32, #tpu.memory_space<vmem_shared>>) target(%arg11 : memref<104x128xf32, #tpu.memory_space<vmem>>) target_semaphore(%run_scoped3A : memref<!tpu.dma_semaphore, #tpu.memory_space<semaphore_mem>>)
        %dma_wait3A_58 = arith.constant 0 : i32
        %dma_wait3A_59 = tpu.memref_slice %arg12[%multiple_of3A_53, %dma_wait3A_58] : memref<10000x128xf32, #tpu.memory_space<vmem_shared>> -> memref<104x128xf32, #tpu.memory_space<vmem_shared>>
        %dma_wait3A_60 = arith.constant 0 : i32
        %dma_wait3A_61 = tpu.memref_slice %arg12[%multiple_of3A_53, %dma_wait3A_60] : memref<10000x128xf32, #tpu.memory_space<vmem_shared>> -> memref<104x128xf32, #tpu.memory_space<vmem_shared>>
        tpu.wait_dma2 semaphore(%run_scoped3A : memref<!tpu.dma_semaphore, #tpu.memory_space<semaphore_mem>>) src(%dma_wait3A_61 : memref<104x128xf32, #tpu.memory_space<vmem_shared>>) dst(%arg11 : memref<104x128xf32, #tpu.memory_space<vmem>>)
        tpu.yield
      }) : () -> ()
      "tpu.region"() ({
        %run_scoped3A = tpu.sem_alloc : memref<!tpu.dma_semaphore, #tpu.memory_space<semaphore_mem>>
        %dma_start3A_54 = arith.constant 0 : i32
        %dma_start3A_55 = arith.constant 0 : i32
        %dma_start3A_56 = tpu.memref_slice %arg4[%arg0, %dma_start3A_54, %dma_start3A_55] : memref<2x10000x128xf32, #tpu.memory_space<hbm>> -> memref<1x10000x128xf32, #tpu.memory_space<hbm>>
        %dma_start3A_57 = tpu.memref_squeeze %dma_start3A_56 : memref<1x10000x128xf32, #tpu.memory_space<hbm>> -> memref<10000x128xf32, #tpu.memory_space<hbm>>
        %dma_start3A_58 = arith.constant 0 : i32
        %dma_start3A_59 = tpu.memref_slice %dma_start3A_57[%multiple_of3A_53, %dma_start3A_58] : memref<10000x128xf32, #tpu.memory_space<hbm>> -> memref<104x128xf32, #tpu.memory_space<hbm>>
        %dma_start3A_60 = arith.constant 0 : i32
        %dma_start3A_61 = arith.constant 0 : i32
        %dma_start3A_62 = tpu.memref_slice %arg4[%arg0, %dma_start3A_60, %dma_start3A_61] : memref<2x10000x128xf32, #tpu.memory_space<hbm>> -> memref<1x10000x128xf32, #tpu.memory_space<hbm>>
        %dma_start3A_63 = tpu.memref_squeeze %dma_start3A_62 : memref<1x10000x128xf32, #tpu.memory_space<hbm>> -> memref<10000x128xf32, #tpu.memory_space<hbm>>
        %dma_start3A_64 = arith.constant 0 : i32
        %dma_start3A_65 = tpu.memref_slice %dma_start3A_63[%multiple_of3A_53, %dma_start3A_64] : memref<10000x128xf32, #tpu.memory_space<hbm>> -> memref<104x128xf32, #tpu.memory_space<hbm>>
        tpu.enqueue_dma source(%arg11 : memref<104x128xf32, #tpu.memory_space<vmem>>) target(%dma_start3A_65 : memref<104x128xf32, #tpu.memory_space<hbm>>) target_semaphore(%run_scoped3A : memref<!tpu.dma_semaphore, #tpu.memory_space<semaphore_mem>>)
        %dma_wait3A_66 = arith.constant 0 : i32
        %dma_wait3A_67 = arith.constant 0 : i32
        %dma_wait3A_68 = tpu.memref_slice %arg4[%arg0, %dma_wait3A_66, %dma_wait3A_67] : memref<2x10000x128xf32, #tpu.memory_space<hbm>> -> memref<1x10000x128xf32, #tpu.memory_space<hbm>>
        %dma_wait3A_69 = tpu.memref_squeeze %dma_wait3A_68 : memref<1x10000x128xf32, #tpu.memory_space<hbm>> -> memref<10000x128xf32, #tpu.memory_space<hbm>>
        %dma_wait3A_70 = arith.constant 0 : i32
        %dma_wait3A_71 = tpu.memref_slice %dma_wait3A_69[%multiple_of3A_53, %dma_wait3A_70] : memref<10000x128xf32, #tpu.memory_space<hbm>> -> memref<104x128xf32, #tpu.memory_space<hbm>>
        %dma_wait3A_72 = arith.constant 0 : i32
        %dma_wait3A_73 = arith.constant 0 : i32
        %dma_wait3A_74 = tpu.memref_slice %arg4[%arg0, %dma_wait3A_72, %dma_wait3A_73] : memref<2x10000x128xf32, #tpu.memory_space<hbm>> -> memref<1x10000x128xf32, #tpu.memory_space<hbm>>
        %dma_wait3A_75 = tpu.memref_squeeze %dma_wait3A_74 : memref<1x10000x128xf32, #tpu.memory_space<hbm>> -> memref<10000x128xf32, #tpu.memory_space<hbm>>
        %dma_wait3A_76 = arith.constant 0 : i32
        %dma_wait3A_77 = tpu.memref_slice %dma_wait3A_75[%multiple_of3A_53, %dma_wait3A_76] : memref<10000x128xf32, #tpu.memory_space<hbm>> -> memref<104x128xf32, #tpu.memory_space<hbm>>
        tpu.wait_dma2 semaphore(%run_scoped3A : memref<!tpu.dma_semaphore, #tpu.memory_space<semaphore_mem>>) src(%arg11 : memref<104x128xf32, #tpu.memory_space<vmem>>) dst(%dma_wait3A_77 : memref<104x128xf32, #tpu.memory_space<hbm>>)
        tpu.yield
      }) : () -> ()
    }
    %scan3A_37 = arith.constant 6 : i32
    %eq3A_38 = arith.constant 0 : i32
    %eq3A_39 = arith.cmpi eq, %arg1, %eq3A_38 : i32
    %convert_element_type3A_40 = arith.extui %eq3A_39 : i1 to i32
    %cond3A_41 = arith.constant 0 : i32
    %cond3A_42 = arith.cmpi ne, %convert_element_type3A_40, %cond3A_41 : i32
    scf.if %cond3A_42 {
      "tpu.region"() ({
        %run_scoped3A = tpu.sem_alloc : memref<!tpu.dma_semaphore, #tpu.memory_space<semaphore_mem>>
        %dma_start3A_43 = arith.constant 0 : i32
        %dma_start3A_44 = arith.constant 0 : i32
        %dma_start3A_45 = tpu.memref_slice %arg7[%dma_start3A_43, %dma_start3A_44] : memref<80x128xf32, #tpu.memory_space<vmem>> -> memref<16x128xf32, #tpu.memory_space<vmem>>
        %dma_start3A_46 = arith.constant 9984 : i32
        %dma_start3A_47 = arith.constant 0 : i32
        %dma_start3A_48 = tpu.memref_slice %arg12[%dma_start3A_46, %dma_start3A_47] : memref<10000x128xf32, #tpu.memory_space<vmem_shared>> -> memref<16x128xf32, #tpu.memory_space<vmem_shared>>
        %dma_start3A_49 = arith.constant 0 : i32
        %dma_start3A_50 = arith.constant 0 : i32
        %dma_start3A_51 = tpu.memref_slice %arg7[%dma_start3A_49, %dma_start3A_50] : memref<80x128xf32, #tpu.memory_space<vmem>> -> memref<16x128xf32, #tpu.memory_space<vmem>>
        %dma_start3A_52 = arith.constant 9984 : i32
        %dma_start3A_53 = arith.constant 0 : i32
        %dma_start3A_54 = tpu.memref_slice %arg12[%dma_start3A_52, %dma_start3A_53] : memref<10000x128xf32, #tpu.memory_space<vmem_shared>> -> memref<16x128xf32, #tpu.memory_space<vmem_shared>>
        tpu.enqueue_dma source(%dma_start3A_54 : memref<16x128xf32, #tpu.memory_space<vmem_shared>>) target(%dma_start3A_51 : memref<16x128xf32, #tpu.memory_space<vmem>>) target_semaphore(%run_scoped3A : memref<!tpu.dma_semaphore, #tpu.memory_space<semaphore_mem>>)
        %dma_wait3A_55 = arith.constant 0 : i32
        %dma_wait3A_56 = arith.constant 0 : i32
        %dma_wait3A_57 = tpu.memref_slice %arg7[%dma_wait3A_55, %dma_wait3A_56] : memref<80x128xf32, #tpu.memory_space<vmem>> -> memref<16x128xf32, #tpu.memory_space<vmem>>
        %dma_wait3A_58 = arith.constant 9984 : i32
        %dma_wait3A_59 = arith.constant 0 : i32
        %dma_wait3A_60 = tpu.memref_slice %arg12[%dma_wait3A_58, %dma_wait3A_59] : memref<10000x128xf32, #tpu.memory_space<vmem_shared>> -> memref<16x128xf32, #tpu.memory_space<vmem_shared>>
        %dma_wait3A_61 = arith.constant 0 : i32
        %dma_wait3A_62 = arith.constant 0 : i32
        %dma_wait3A_63 = tpu.memref_slice %arg7[%dma_wait3A_61, %dma_wait3A_62] : memref<80x128xf32, #tpu.memory_space<vmem>> -> memref<16x128xf32, #tpu.memory_space<vmem>>
        %dma_wait3A_64 = arith.constant 9984 : i32
        %dma_wait3A_65 = arith.constant 0 : i32
        %dma_wait3A_66 = tpu.memref_slice %arg12[%dma_wait3A_64, %dma_wait3A_65] : memref<10000x128xf32, #tpu.memory_space<vmem_shared>> -> memref<16x128xf32, #tpu.memory_space<vmem_shared>>
        tpu.wait_dma2 semaphore(%run_scoped3A : memref<!tpu.dma_semaphore, #tpu.memory_space<semaphore_mem>>) src(%dma_wait3A_66 : memref<16x128xf32, #tpu.memory_space<vmem_shared>>) dst(%dma_wait3A_63 : memref<16x128xf32, #tpu.memory_space<vmem>>)
        tpu.yield
      }) : () -> ()
      "tpu.region"() ({
        %run_scoped3A = tpu.sem_alloc : memref<!tpu.dma_semaphore, #tpu.memory_space<semaphore_mem>>
        %dma_start3A_43 = arith.constant 0 : i32
        %dma_start3A_44 = arith.constant 0 : i32
        %dma_start3A_45 = tpu.memref_slice %arg7[%dma_start3A_43, %dma_start3A_44] : memref<80x128xf32, #tpu.memory_space<vmem>> -> memref<16x128xf32, #tpu.memory_space<vmem>>
        %dma_start3A_46 = arith.constant 0 : i32
        %dma_start3A_47 = arith.constant 0 : i32
        %dma_start3A_48 = tpu.memref_slice %arg4[%arg0, %dma_start3A_46, %dma_start3A_47] : memref<2x10000x128xf32, #tpu.memory_space<hbm>> -> memref<1x10000x128xf32, #tpu.memory_space<hbm>>
        %dma_start3A_49 = tpu.memref_squeeze %dma_start3A_48 : memref<1x10000x128xf32, #tpu.memory_space<hbm>> -> memref<10000x128xf32, #tpu.memory_space<hbm>>
        %dma_start3A_50 = arith.constant 9984 : i32
        %dma_start3A_51 = arith.constant 0 : i32
        %dma_start3A_52 = tpu.memref_slice %dma_start3A_49[%dma_start3A_50, %dma_start3A_51] : memref<10000x128xf32, #tpu.memory_space<hbm>> -> memref<16x128xf32, #tpu.memory_space<hbm>>
        %dma_start3A_53 = arith.constant 0 : i32
        %dma_start3A_54 = arith.constant 0 : i32
        %dma_start3A_55 = tpu.memref_slice %arg4[%arg0, %dma_start3A_53, %dma_start3A_54] : memref<2x10000x128xf32, #tpu.memory_space<hbm>> -> memref<1x10000x128xf32, #tpu.memory_space<hbm>>
        %dma_start3A_56 = tpu.memref_squeeze %dma_start3A_55 : memref<1x10000x128xf32, #tpu.memory_space<hbm>> -> memref<10000x128xf32, #tpu.memory_space<hbm>>
        %dma_start3A_57 = arith.constant 9984 : i32
        %dma_start3A_58 = arith.constant 0 : i32
        %dma_start3A_59 = tpu.memref_slice %dma_start3A_56[%dma_start3A_57, %dma_start3A_58] : memref<10000x128xf32, #tpu.memory_space<hbm>> -> memref<16x128xf32, #tpu.memory_space<hbm>>
        %dma_start3A_60 = arith.constant 0 : i32
        %dma_start3A_61 = arith.constant 0 : i32
        %dma_start3A_62 = tpu.memref_slice %arg7[%dma_start3A_60, %dma_start3A_61] : memref<80x128xf32, #tpu.memory_space<vmem>> -> memref<16x128xf32, #tpu.memory_space<vmem>>
        tpu.enqueue_dma source(%dma_start3A_62 : memref<16x128xf32, #tpu.memory_space<vmem>>) target(%dma_start3A_59 : memref<16x128xf32, #tpu.memory_space<hbm>>) target_semaphore(%run_scoped3A : memref<!tpu.dma_semaphore, #tpu.memory_space<semaphore_mem>>)
        %dma_wait3A_63 = arith.constant 0 : i32
        %dma_wait3A_64 = arith.constant 0 : i32
        %dma_wait3A_65 = tpu.memref_slice %arg7[%dma_wait3A_63, %dma_wait3A_64] : memref<80x128xf32, #tpu.memory_space<vmem>> -> memref<16x128xf32, #tpu.memory_space<vmem>>
        %dma_wait3A_66 = arith.constant 0 : i32
        %dma_wait3A_67 = arith.constant 0 : i32
        %dma_wait3A_68 = tpu.memref_slice %arg4[%arg0, %dma_wait3A_66, %dma_wait3A_67] : memref<2x10000x128xf32, #tpu.memory_space<hbm>> -> memref<1x10000x128xf32, #tpu.memory_space<hbm>>
        %dma_wait3A_69 = tpu.memref_squeeze %dma_wait3A_68 : memref<1x10000x128xf32, #tpu.memory_space<hbm>> -> memref<10000x128xf32, #tpu.memory_space<hbm>>
        %dma_wait3A_70 = arith.constant 9984 : i32
        %dma_wait3A_71 = arith.constant 0 : i32
        %dma_wait3A_72 = tpu.memref_slice %dma_wait3A_69[%dma_wait3A_70, %dma_wait3A_71] : memref<10000x128xf32, #tpu.memory_space<hbm>> -> memref<16x128xf32, #tpu.memory_space<hbm>>
        %dma_wait3A_73 = arith.constant 0 : i32
        %dma_wait3A_74 = arith.constant 0 : i32
        %dma_wait3A_75 = tpu.memref_slice %arg4[%arg0, %dma_wait3A_73, %dma_wait3A_74] : memref<2x10000x128xf32, #tpu.memory_space<hbm>> -> memref<1x10000x128xf32, #tpu.memory_space<hbm>>
        %dma_wait3A_76 = tpu.memref_squeeze %dma_wait3A_75 : memref<1x10000x128xf32, #tpu.memory_space<hbm>> -> memref<10000x128xf32, #tpu.memory_space<hbm>>
        %dma_wait3A_77 = arith.constant 9984 : i32
        %dma_wait3A_78 = arith.constant 0 : i32
        %dma_wait3A_79 = tpu.memref_slice %dma_wait3A_76[%dma_wait3A_77, %dma_wait3A_78] : memref<10000x128xf32, #tpu.memory_space<hbm>> -> memref<16x128xf32, #tpu.memory_space<hbm>>
        %dma_wait3A_80 = arith.constant 0 : i32
        %dma_wait3A_81 = arith.constant 0 : i32
        %dma_wait3A_82 = tpu.memref_slice %arg7[%dma_wait3A_80, %dma_wait3A_81] : memref<80x128xf32, #tpu.memory_space<vmem>> -> memref<16x128xf32, #tpu.memory_space<vmem>>
        tpu.wait_dma2 semaphore(%run_scoped3A : memref<!tpu.dma_semaphore, #tpu.memory_space<semaphore_mem>>) src(%dma_wait3A_82 : memref<16x128xf32, #tpu.memory_space<vmem>>) dst(%dma_wait3A_79 : memref<16x128xf32, #tpu.memory_space<hbm>>)
        tpu.yield
      }) : () -> ()
    } else {
    }
    return
  }
}

#map = affine_map<(d0, d1) -> (0, 0)>
#map1 = affine_map<(d0, d1) -> (0)>
module attributes {stable_mosaic.version = 14 : i64} {
  func.func @_gather_add_body(%arg0: i32, %arg1: i32, %arg2: memref<10000x16xf32, #tpu.memory_space<hbm>>, %arg3: memref<10000x16xf32, #tpu.memory_space<hbm>>, %arg4: memref<320000xi32, #tpu.memory_space<hbm>>, %arg5: memref<320000xi32, #tpu.memory_space<hbm>>, %arg6: memref<320000x16xf32, #tpu.memory_space<hbm>>, %arg7: memref<10000xi32, #tpu.memory_space<vmem>>, %arg8: memref<10000xi32, #tpu.memory_space<vmem>>, %arg9: memref<80x16xf32, #tpu.memory_space<vmem>>, %arg10: memref<80x16xf32, #tpu.memory_space<vmem>>, %arg11: memref<80x16xf32, #tpu.memory_space<vmem>>, %arg12: memref<80x16xf32, #tpu.memory_space<vmem>>, %arg13: memref<80x16xf32, #tpu.memory_space<vmem>>, %arg14: memref<80x16xf32, #tpu.memory_space<vmem>>, %arg15: memref<8x16xf32, #tpu.memory_space<vmem>>, %arg16: memref<8x16xf32, #tpu.memory_space<vmem>>, %arg17: memref<!tpu.dma_semaphore, #tpu.memory_space<semaphore_mem>>, %arg18: memref<!tpu.dma_semaphore, #tpu.memory_space<semaphore_mem>>, %arg19: memref<!tpu.dma_semaphore, #tpu.memory_space<semaphore_mem>>, %arg20: memref<!tpu.dma_semaphore, #tpu.memory_space<semaphore_mem>>, %arg21: memref<!tpu.dma_semaphore, #tpu.memory_space<semaphore_mem>>, %arg22: memref<!tpu.dma_semaphore, #tpu.memory_space<semaphore_mem>>) attributes {dimension_semantics = [#tpu.dimension_semantics<core_parallel>, #tpu.dimension_semantics<subcore_parallel>], iteration_bounds = array<i64: 2, 16>, scalar_prefetch = 0 : i64, scratch_operands = 16 : i64, tpu.core_type = #tpu.core_type<sc_vector_subcore>, window_params = [{transform_indices = #map}, {transform_indices = #map}, {transform_indices = #map1}, {transform_indices = #map1}, {transform_indices = #map}]} {
    %mul3A = arith.constant 2 : i32
    %mul3A_0 = arith.muli %arg1, %mul3A : i32
    %add3A = arith.addi %mul3A_0, %arg0 : i32
    %mul3A_1 = arith.constant 10000 : i32
    %mul3A_2 = arith.muli %add3A, %mul3A_1 : i32
    %multiple_of3A = tpu.assume_multiple %mul3A_2, 8 : i32
    "tpu.region"() ({
      %run_scoped3A = tpu.sem_alloc : memref<!tpu.dma_semaphore, #tpu.memory_space<semaphore_mem>>
      %dma_start3A_49 = tpu.memref_slice %arg4[%multiple_of3A] : memref<320000xi32, #tpu.memory_space<hbm>> -> memref<10000xi32, #tpu.memory_space<hbm>>
      %dma_start3A_50 = tpu.memref_slice %arg4[%multiple_of3A] : memref<320000xi32, #tpu.memory_space<hbm>> -> memref<10000xi32, #tpu.memory_space<hbm>>
      tpu.enqueue_dma source(%dma_start3A_50 : memref<10000xi32, #tpu.memory_space<hbm>>) target(%arg7 : memref<10000xi32, #tpu.memory_space<vmem>>) target_semaphore(%run_scoped3A : memref<!tpu.dma_semaphore, #tpu.memory_space<semaphore_mem>>)
      %dma_wait3A_51 = tpu.memref_slice %arg4[%multiple_of3A] : memref<320000xi32, #tpu.memory_space<hbm>> -> memref<10000xi32, #tpu.memory_space<hbm>>
      %dma_wait3A_52 = tpu.memref_slice %arg4[%multiple_of3A] : memref<320000xi32, #tpu.memory_space<hbm>> -> memref<10000xi32, #tpu.memory_space<hbm>>
      tpu.wait_dma2 semaphore(%run_scoped3A : memref<!tpu.dma_semaphore, #tpu.memory_space<semaphore_mem>>) src(%dma_wait3A_52 : memref<10000xi32, #tpu.memory_space<hbm>>) dst(%arg7 : memref<10000xi32, #tpu.memory_space<vmem>>)
      tpu.yield
    }) : () -> ()
    "tpu.region"() ({
      %run_scoped3A = tpu.sem_alloc : memref<!tpu.dma_semaphore, #tpu.memory_space<semaphore_mem>>
      %dma_start3A_49 = tpu.memref_slice %arg5[%multiple_of3A] : memref<320000xi32, #tpu.memory_space<hbm>> -> memref<10000xi32, #tpu.memory_space<hbm>>
      %dma_start3A_50 = tpu.memref_slice %arg5[%multiple_of3A] : memref<320000xi32, #tpu.memory_space<hbm>> -> memref<10000xi32, #tpu.memory_space<hbm>>
      tpu.enqueue_dma source(%dma_start3A_50 : memref<10000xi32, #tpu.memory_space<hbm>>) target(%arg8 : memref<10000xi32, #tpu.memory_space<vmem>>) target_semaphore(%run_scoped3A : memref<!tpu.dma_semaphore, #tpu.memory_space<semaphore_mem>>)
      %dma_wait3A_51 = tpu.memref_slice %arg5[%multiple_of3A] : memref<320000xi32, #tpu.memory_space<hbm>> -> memref<10000xi32, #tpu.memory_space<hbm>>
      %dma_wait3A_52 = tpu.memref_slice %arg5[%multiple_of3A] : memref<320000xi32, #tpu.memory_space<hbm>> -> memref<10000xi32, #tpu.memory_space<hbm>>
      tpu.wait_dma2 semaphore(%run_scoped3A : memref<!tpu.dma_semaphore, #tpu.memory_space<semaphore_mem>>) src(%dma_wait3A_52 : memref<10000xi32, #tpu.memory_space<hbm>>) dst(%arg8 : memref<10000xi32, #tpu.memory_space<vmem>>)
      tpu.yield
    }) : () -> ()
    %multiple_of3A_3 = arith.constant 0 : i32
    %multiple_of3A_4 = tpu.assume_multiple %multiple_of3A_3, 8 : i32
    %dma_start3A = tpu.memref_slice %arg7[%multiple_of3A_4] : memref<10000xi32, #tpu.memory_space<vmem>> -> memref<80xi32, #tpu.memory_space<vmem>>
    %dma_start3A_5 = arith.constant 0 : i32
    %dma_start3A_6 = arith.constant 0 : i32
    %dma_start3A_7 = tpu.memref_slice %arg2[%dma_start3A_5, %dma_start3A_6] : memref<10000x16xf32, #tpu.memory_space<hbm>> -> memref<10000x16xf32, #tpu.memory_space<hbm>>
    tpu.enqueue_indirect_dma source(%dma_start3A_7 : memref<10000x16xf32, #tpu.memory_space<hbm>>) target(%arg9 : memref<80x16xf32, #tpu.memory_space<vmem>>) offsets(%dma_start3A : memref<80xi32, #tpu.memory_space<vmem>>) semaphore(%arg17 : memref<!tpu.dma_semaphore, #tpu.memory_space<semaphore_mem>>)
    %dma_start3A_8 = tpu.memref_slice %arg8[%multiple_of3A_4] : memref<10000xi32, #tpu.memory_space<vmem>> -> memref<80xi32, #tpu.memory_space<vmem>>
    %dma_start3A_9 = arith.constant 0 : i32
    %dma_start3A_10 = arith.constant 0 : i32
    %dma_start3A_11 = tpu.memref_slice %arg3[%dma_start3A_9, %dma_start3A_10] : memref<10000x16xf32, #tpu.memory_space<hbm>> -> memref<10000x16xf32, #tpu.memory_space<hbm>>
    tpu.enqueue_indirect_dma source(%dma_start3A_11 : memref<10000x16xf32, #tpu.memory_space<hbm>>) target(%arg11 : memref<80x16xf32, #tpu.memory_space<vmem>>) offsets(%dma_start3A_8 : memref<80xi32, #tpu.memory_space<vmem>>) semaphore(%arg19 : memref<!tpu.dma_semaphore, #tpu.memory_space<semaphore_mem>>)
    %scan3A = arith.constant 0 : i32
    %scan3A_12 = arith.constant 62 : i32
    %scan3A_13 = arith.addi %scan3A, %scan3A_12 : i32
    %scan3A_14 = arith.constant 1 : i32
    scf.for %scan3A_49 = %scan3A to %scan3A_13 step %scan3A_14  : i32 {
      %mul3A_50 = arith.constant 1 : i32
      %mul3A_51 = arith.muli %scan3A_49, %mul3A_50 : i32
      %add3A_52 = arith.constant 0 : i32
      %add3A_53 = arith.addi %add3A_52, %mul3A_51 : i32
      %mul3A_54 = arith.constant 2 : i32
      %mul3A_55 = arith.muli %mul3A_54, %add3A_53 : i32
      %add3A_56 = arith.constant 1 : i32
      %add3A_57 = arith.addi %mul3A_55, %add3A_56 : i32
      %mul3A_58 = arith.constant 80 : i32
      %mul3A_59 = arith.muli %add3A_57, %mul3A_58 : i32
      %multiple_of3A_60 = tpu.assume_multiple %mul3A_59, 8 : i32
      %dma_start3A_61 = tpu.memref_slice %arg7[%multiple_of3A_60] : memref<10000xi32, #tpu.memory_space<vmem>> -> memref<80xi32, #tpu.memory_space<vmem>>
      %dma_start3A_62 = arith.constant 0 : i32
      %dma_start3A_63 = arith.constant 0 : i32
      %dma_start3A_64 = tpu.memref_slice %arg2[%dma_start3A_62, %dma_start3A_63] : memref<10000x16xf32, #tpu.memory_space<hbm>> -> memref<10000x16xf32, #tpu.memory_space<hbm>>
      tpu.enqueue_indirect_dma source(%dma_start3A_64 : memref<10000x16xf32, #tpu.memory_space<hbm>>) target(%arg10 : memref<80x16xf32, #tpu.memory_space<vmem>>) offsets(%dma_start3A_61 : memref<80xi32, #tpu.memory_space<vmem>>) semaphore(%arg18 : memref<!tpu.dma_semaphore, #tpu.memory_space<semaphore_mem>>)
      %dma_start3A_65 = tpu.memref_slice %arg8[%multiple_of3A_60] : memref<10000xi32, #tpu.memory_space<vmem>> -> memref<80xi32, #tpu.memory_space<vmem>>
      %dma_start3A_66 = arith.constant 0 : i32
      %dma_start3A_67 = arith.constant 0 : i32
      %dma_start3A_68 = tpu.memref_slice %arg3[%dma_start3A_66, %dma_start3A_67] : memref<10000x16xf32, #tpu.memory_space<hbm>> -> memref<10000x16xf32, #tpu.memory_space<hbm>>
      tpu.enqueue_indirect_dma source(%dma_start3A_68 : memref<10000x16xf32, #tpu.memory_space<hbm>>) target(%arg12 : memref<80x16xf32, #tpu.memory_space<vmem>>) offsets(%dma_start3A_65 : memref<80xi32, #tpu.memory_space<vmem>>) semaphore(%arg20 : memref<!tpu.dma_semaphore, #tpu.memory_space<semaphore_mem>>)
      %ge3A = arith.constant 1 : i32
      %ge3A_69 = arith.cmpi sge, %add3A_53, %ge3A : i32
      %dma_wait3A_70 = arith.constant 0 : i32
      %dma_wait3A_71 = tpu.memref_slice %arg7[%dma_wait3A_70] : memref<10000xi32, #tpu.memory_space<vmem>> -> memref<80xi32, #tpu.memory_space<vmem>>
      %dma_wait3A_72 = arith.constant 0 : i32
      %dma_wait3A_73 = arith.constant 0 : i32
      %dma_wait3A_74 = tpu.memref_slice %arg2[%dma_wait3A_72, %dma_wait3A_73] : memref<10000x16xf32, #tpu.memory_space<hbm>> -> memref<10000x16xf32, #tpu.memory_space<hbm>>
      tpu.wait_indirect_dma semaphore(%arg17 : memref<!tpu.dma_semaphore, #tpu.memory_space<semaphore_mem>>) src(%dma_wait3A_74 : memref<10000x16xf32, #tpu.memory_space<hbm>>) dst(%arg9 : memref<80x16xf32, #tpu.memory_space<vmem>>)
      %dma_wait3A_75 = arith.constant 0 : i32
      %dma_wait3A_76 = tpu.memref_slice %arg8[%dma_wait3A_75] : memref<10000xi32, #tpu.memory_space<vmem>> -> memref<80xi32, #tpu.memory_space<vmem>>
      %dma_wait3A_77 = arith.constant 0 : i32
      %dma_wait3A_78 = arith.constant 0 : i32
      %dma_wait3A_79 = tpu.memref_slice %arg3[%dma_wait3A_77, %dma_wait3A_78] : memref<10000x16xf32, #tpu.memory_space<hbm>> -> memref<10000x16xf32, #tpu.memory_space<hbm>>
      tpu.wait_indirect_dma semaphore(%arg19 : memref<!tpu.dma_semaphore, #tpu.memory_space<semaphore_mem>>) src(%dma_wait3A_79 : memref<10000x16xf32, #tpu.memory_space<hbm>>) dst(%arg11 : memref<80x16xf32, #tpu.memory_space<vmem>>)
      %convert_element_type3A = arith.extui %ge3A_69 : i1 to i32
      %cond3A_80 = arith.constant 0 : i32
      %cond3A_81 = arith.cmpi ne, %convert_element_type3A, %cond3A_80 : i32
      scf.if %cond3A_81 {
        %dma_wait3A_131 = arith.constant 0 : i32
        %dma_wait3A_132 = tpu.memref_slice %arg6[%multiple_of3A, %dma_wait3A_131] : memref<320000x16xf32, #tpu.memory_space<hbm>> -> memref<80x16xf32, #tpu.memory_space<hbm>>
        %dma_wait3A_133 = arith.constant 0 : i32
        %dma_wait3A_134 = tpu.memref_slice %arg6[%multiple_of3A, %dma_wait3A_133] : memref<320000x16xf32, #tpu.memory_space<hbm>> -> memref<80x16xf32, #tpu.memory_space<hbm>>
        tpu.wait_dma2 semaphore(%arg21 : memref<!tpu.dma_semaphore, #tpu.memory_space<semaphore_mem>>) src(%arg13 : memref<80x16xf32, #tpu.memory_space<vmem>>) dst(%dma_wait3A_134 : memref<80x16xf32, #tpu.memory_space<hbm>>)
      } else {
      }
      %scan3A_82 = arith.constant 0 : i32
      %scan3A_83 = arith.constant 80 : i32
      %scan3A_84 = arith.addi %scan3A_82, %scan3A_83 : i32
      %scan3A_85 = arith.constant 1 : i32
      scf.for %scan3A_131 = %scan3A_82 to %scan3A_84 step %scan3A_85  : i32 {
        %mul3A_132 = arith.constant 1 : i32
        %mul3A_133 = arith.muli %scan3A_131, %mul3A_132 : i32
        %add3A_134 = arith.constant 0 : i32
        %add3A_135 = arith.addi %add3A_134, %mul3A_133 : i32
        %get3A = arith.index_cast %add3A_135 : i32 to index
        %get3A_136 = arith.constant 0 : index
        %get3A_137 = tpu.vector_load %arg9[%get3A, %get3A_136] {strides = array<i32>} : memref<80x16xf32, #tpu.memory_space<vmem>>, vector<1x16xf32>,
        %get3A_138 = vector.shape_cast %get3A_137 : vector<1x16xf32> to vector<1x16xf32>
        %get3A_139 = arith.index_cast %add3A_135 : i32 to index
        %get3A_140 = arith.constant 0 : index
        %get3A_141 = tpu.vector_load %arg11[%get3A_139, %get3A_140] {strides = array<i32>} : memref<80x16xf32, #tpu.memory_space<vmem>>, vector<1x16xf32>,
        %get3A_142 = vector.shape_cast %get3A_141 : vector<1x16xf32> to vector<1x16xf32>
        %add3A_143 = arith.addf %get3A_138, %get3A_142 : vector<1x16xf32>
        %swap3A = arith.index_cast %add3A_135 : i32 to index
        %swap3A_144 = arith.constant 0 : index
        %swap3A_145 = tpu.vector_load %arg13[%swap3A, %swap3A_144] {strides = array<i32>} : memref<80x16xf32, #tpu.memory_space<vmem>>, vector<1x16xf32>,
        %swap3A_146 = vector.shape_cast %swap3A_145 : vector<1x16xf32> to vector<1x16xf32>
        %swap3A_147 = vector.shape_cast %add3A_143 : vector<1x16xf32> to vector<1x16xf32>
        tpu.vector_store %arg13[%swap3A, %swap3A_144], %swap3A_147 {strides = array<i32>} : memref<80x16xf32, #tpu.memory_space<vmem>>, vector<1x16xf32>,
      }
      %scan3A_86 = arith.constant 80 : i32
      %mul3A_87 = arith.constant 80 : i32
      %mul3A_88 = arith.muli %mul3A_55, %mul3A_87 : i32
      %add3A_89 = arith.addi %multiple_of3A, %mul3A_88 : i32
      %multiple_of3A_90 = tpu.assume_multiple %add3A_89, 8 : i32
      %dma_start3A_91 = arith.constant 0 : i32
      %dma_start3A_92 = tpu.memref_slice %arg6[%multiple_of3A_90, %dma_start3A_91] : memref<320000x16xf32, #tpu.memory_space<hbm>> -> memref<80x16xf32, #tpu.memory_space<hbm>>
      %dma_start3A_93 = arith.constant 0 : i32
      %dma_start3A_94 = tpu.memref_slice %arg6[%multiple_of3A_90, %dma_start3A_93] : memref<320000x16xf32, #tpu.memory_space<hbm>> -> memref<80x16xf32, #tpu.memory_space<hbm>>
      tpu.enqueue_dma source(%arg13 : memref<80x16xf32, #tpu.memory_space<vmem>>) target(%dma_start3A_94 : memref<80x16xf32, #tpu.memory_space<hbm>>) target_semaphore(%arg21 : memref<!tpu.dma_semaphore, #tpu.memory_space<semaphore_mem>>)
      %add3A_95 = arith.constant 2 : i32
      %add3A_96 = arith.addi %mul3A_55, %add3A_95 : i32
      %lt3A = arith.constant 125 : i32
      %lt3A_97 = arith.cmpi slt, %add3A_96, %lt3A : i32
      %convert_element_type3A_98 = arith.extui %lt3A_97 : i1 to i32
      %cond3A_99 = arith.constant 0 : i32
      %cond3A_100 = arith.cmpi ne, %convert_element_type3A_98, %cond3A_99 : i32
      scf.if %cond3A_100 {
        %add3A_131 = arith.constant 2 : i32
        %add3A_132 = arith.addi %mul3A_55, %add3A_131 : i32
        %mul3A_133 = arith.constant 80 : i32
        %mul3A_134 = arith.muli %add3A_132, %mul3A_133 : i32
        %multiple_of3A_135 = tpu.assume_multiple %mul3A_134, 8 : i32
        %dma_start3A_136 = tpu.memref_slice %arg7[%multiple_of3A_135] : memref<10000xi32, #tpu.memory_space<vmem>> -> memref<80xi32, #tpu.memory_space<vmem>>
        %dma_start3A_137 = arith.constant 0 : i32
        %dma_start3A_138 = arith.constant 0 : i32
        %dma_start3A_139 = tpu.memref_slice %arg2[%dma_start3A_137, %dma_start3A_138] : memref<10000x16xf32, #tpu.memory_space<hbm>> -> memref<10000x16xf32, #tpu.memory_space<hbm>>
        tpu.enqueue_indirect_dma source(%dma_start3A_139 : memref<10000x16xf32, #tpu.memory_space<hbm>>) target(%arg9 : memref<80x16xf32, #tpu.memory_space<vmem>>) offsets(%dma_start3A_136 : memref<80xi32, #tpu.memory_space<vmem>>) semaphore(%arg17 : memref<!tpu.dma_semaphore, #tpu.memory_space<semaphore_mem>>)
        %dma_start3A_140 = tpu.memref_slice %arg8[%multiple_of3A_135] : memref<10000xi32, #tpu.memory_space<vmem>> -> memref<80xi32, #tpu.memory_space<vmem>>
        %dma_start3A_141 = arith.constant 0 : i32
        %dma_start3A_142 = arith.constant 0 : i32
        %dma_start3A_143 = tpu.memref_slice %arg3[%dma_start3A_141, %dma_start3A_142] : memref<10000x16xf32, #tpu.memory_space<hbm>> -> memref<10000x16xf32, #tpu.memory_space<hbm>>
        tpu.enqueue_indirect_dma source(%dma_start3A_143 : memref<10000x16xf32, #tpu.memory_space<hbm>>) target(%arg11 : memref<80x16xf32, #tpu.memory_space<vmem>>) offsets(%dma_start3A_140 : memref<80xi32, #tpu.memory_space<vmem>>) semaphore(%arg19 : memref<!tpu.dma_semaphore, #tpu.memory_space<semaphore_mem>>)
      } else {
      }
      %add3A_101 = arith.constant 1 : i32
      %add3A_102 = arith.addi %mul3A_55, %add3A_101 : i32
      %ge3A_103 = arith.constant 1 : i32
      %ge3A_104 = arith.cmpi sge, %add3A_53, %ge3A_103 : i32
      %dma_wait3A_105 = arith.constant 0 : i32
      %dma_wait3A_106 = tpu.memref_slice %arg7[%dma_wait3A_105] : memref<10000xi32, #tpu.memory_space<vmem>> -> memref<80xi32, #tpu.memory_space<vmem>>
      %dma_wait3A_107 = arith.constant 0 : i32
      %dma_wait3A_108 = arith.constant 0 : i32
      %dma_wait3A_109 = tpu.memref_slice %arg2[%dma_wait3A_107, %dma_wait3A_108] : memref<10000x16xf32, #tpu.memory_space<hbm>> -> memref<10000x16xf32, #tpu.memory_space<hbm>>
      tpu.wait_indirect_dma semaphore(%arg18 : memref<!tpu.dma_semaphore, #tpu.memory_space<semaphore_mem>>) src(%dma_wait3A_109 : memref<10000x16xf32, #tpu.memory_space<hbm>>) dst(%arg10 : memref<80x16xf32, #tpu.memory_space<vmem>>)
      %dma_wait3A_110 = arith.constant 0 : i32
      %dma_wait3A_111 = tpu.memref_slice %arg8[%dma_wait3A_110] : memref<10000xi32, #tpu.memory_space<vmem>> -> memref<80xi32, #tpu.memory_space<vmem>>
      %dma_wait3A_112 = arith.constant 0 : i32
      %dma_wait3A_113 = arith.constant 0 : i32
      %dma_wait3A_114 = tpu.memref_slice %arg3[%dma_wait3A_112, %dma_wait3A_113] : memref<10000x16xf32, #tpu.memory_space<hbm>> -> memref<10000x16xf32, #tpu.memory_space<hbm>>
      tpu.wait_indirect_dma semaphore(%arg20 : memref<!tpu.dma_semaphore, #tpu.memory_space<semaphore_mem>>) src(%dma_wait3A_114 : memref<10000x16xf32, #tpu.memory_space<hbm>>) dst(%arg12 : memref<80x16xf32, #tpu.memory_space<vmem>>)
      %convert_element_type3A_115 = arith.extui %ge3A_104 : i1 to i32
      %cond3A_116 = arith.constant 0 : i32
      %cond3A_117 = arith.cmpi ne, %convert_element_type3A_115, %cond3A_116 : i32
      scf.if %cond3A_117 {
        %dma_wait3A_131 = arith.constant 0 : i32
        %dma_wait3A_132 = tpu.memref_slice %arg6[%multiple_of3A, %dma_wait3A_131] : memref<320000x16xf32, #tpu.memory_space<hbm>> -> memref<80x16xf32, #tpu.memory_space<hbm>>
        %dma_wait3A_133 = arith.constant 0 : i32
        %dma_wait3A_134 = tpu.memref_slice %arg6[%multiple_of3A, %dma_wait3A_133] : memref<320000x16xf32, #tpu.memory_space<hbm>> -> memref<80x16xf32, #tpu.memory_space<hbm>>
        tpu.wait_dma2 semaphore(%arg22 : memref<!tpu.dma_semaphore, #tpu.memory_space<semaphore_mem>>) src(%arg14 : memref<80x16xf32, #tpu.memory_space<vmem>>) dst(%dma_wait3A_134 : memref<80x16xf32, #tpu.memory_space<hbm>>)
      } else {
      }
      %scan3A_118 = arith.constant 0 : i32
      %scan3A_119 = arith.constant 80 : i32
      %scan3A_120 = arith.addi %scan3A_118, %scan3A_119 : i32
      %scan3A_121 = arith.constant 1 : i32
      scf.for %scan3A_131 = %scan3A_118 to %scan3A_120 step %scan3A_121  : i32 {
        %mul3A_132 = arith.constant 1 : i32
        %mul3A_133 = arith.muli %scan3A_131, %mul3A_132 : i32
        %add3A_134 = arith.constant 0 : i32
        %add3A_135 = arith.addi %add3A_134, %mul3A_133 : i32
        %get3A = arith.index_cast %add3A_135 : i32 to index
        %get3A_136 = arith.constant 0 : index
        %get3A_137 = tpu.vector_load %arg10[%get3A, %get3A_136] {strides = array<i32>} : memref<80x16xf32, #tpu.memory_space<vmem>>, vector<1x16xf32>,
        %get3A_138 = vector.shape_cast %get3A_137 : vector<1x16xf32> to vector<1x16xf32>
        %get3A_139 = arith.index_cast %add3A_135 : i32 to index
        %get3A_140 = arith.constant 0 : index
        %get3A_141 = tpu.vector_load %arg12[%get3A_139, %get3A_140] {strides = array<i32>} : memref<80x16xf32, #tpu.memory_space<vmem>>, vector<1x16xf32>,
        %get3A_142 = vector.shape_cast %get3A_141 : vector<1x16xf32> to vector<1x16xf32>
        %add3A_143 = arith.addf %get3A_138, %get3A_142 : vector<1x16xf32>
        %swap3A = arith.index_cast %add3A_135 : i32 to index
        %swap3A_144 = arith.constant 0 : index
        %swap3A_145 = tpu.vector_load %arg14[%swap3A, %swap3A_144] {strides = array<i32>} : memref<80x16xf32, #tpu.memory_space<vmem>>, vector<1x16xf32>,
        %swap3A_146 = vector.shape_cast %swap3A_145 : vector<1x16xf32> to vector<1x16xf32>
        %swap3A_147 = vector.shape_cast %add3A_143 : vector<1x16xf32> to vector<1x16xf32>
        tpu.vector_store %arg14[%swap3A, %swap3A_144], %swap3A_147 {strides = array<i32>} : memref<80x16xf32, #tpu.memory_space<vmem>>, vector<1x16xf32>,
      }
      %scan3A_122 = arith.constant 80 : i32
      %mul3A_123 = arith.constant 80 : i32
      %mul3A_124 = arith.muli %add3A_102, %mul3A_123 : i32
      %add3A_125 = arith.addi %multiple_of3A, %mul3A_124 : i32
      %multiple_of3A_126 = tpu.assume_multiple %add3A_125, 8 : i32
      %dma_start3A_127 = arith.constant 0 : i32
      %dma_start3A_128 = tpu.memref_slice %arg6[%multiple_of3A_126, %dma_start3A_127] : memref<320000x16xf32, #tpu.memory_space<hbm>> -> memref<80x16xf32, #tpu.memory_space<hbm>>
      %dma_start3A_129 = arith.constant 0 : i32
      %dma_start3A_130 = tpu.memref_slice %arg6[%multiple_of3A_126, %dma_start3A_129] : memref<320000x16xf32, #tpu.memory_space<hbm>> -> memref<80x16xf32, #tpu.memory_space<hbm>>
      tpu.enqueue_dma source(%arg14 : memref<80x16xf32, #tpu.memory_space<vmem>>) target(%dma_start3A_130 : memref<80x16xf32, #tpu.memory_space<hbm>>) target_semaphore(%arg22 : memref<!tpu.dma_semaphore, #tpu.memory_space<semaphore_mem>>)
    }
    %scan3A_15 = arith.constant 62 : i32
    %dma_wait3A = arith.constant 0 : i32
    %dma_wait3A_16 = tpu.memref_slice %arg7[%dma_wait3A] : memref<10000xi32, #tpu.memory_space<vmem>> -> memref<80xi32, #tpu.memory_space<vmem>>
    %dma_wait3A_17 = arith.constant 0 : i32
    %dma_wait3A_18 = arith.constant 0 : i32
    %dma_wait3A_19 = tpu.memref_slice %arg2[%dma_wait3A_17, %dma_wait3A_18] : memref<10000x16xf32, #tpu.memory_space<hbm>> -> memref<10000x16xf32, #tpu.memory_space<hbm>>
    tpu.wait_indirect_dma semaphore(%arg17 : memref<!tpu.dma_semaphore, #tpu.memory_space<semaphore_mem>>) src(%dma_wait3A_19 : memref<10000x16xf32, #tpu.memory_space<hbm>>) dst(%arg9 : memref<80x16xf32, #tpu.memory_space<vmem>>)
    %dma_wait3A_20 = arith.constant 0 : i32
    %dma_wait3A_21 = tpu.memref_slice %arg8[%dma_wait3A_20] : memref<10000xi32, #tpu.memory_space<vmem>> -> memref<80xi32, #tpu.memory_space<vmem>>
    %dma_wait3A_22 = arith.constant 0 : i32
    %dma_wait3A_23 = arith.constant 0 : i32
    %dma_wait3A_24 = tpu.memref_slice %arg3[%dma_wait3A_22, %dma_wait3A_23] : memref<10000x16xf32, #tpu.memory_space<hbm>> -> memref<10000x16xf32, #tpu.memory_space<hbm>>
    tpu.wait_indirect_dma semaphore(%arg19 : memref<!tpu.dma_semaphore, #tpu.memory_space<semaphore_mem>>) src(%dma_wait3A_24 : memref<10000x16xf32, #tpu.memory_space<hbm>>) dst(%arg11 : memref<80x16xf32, #tpu.memory_space<vmem>>)
    %cond3A = arith.constant 1 : i32
    %dma_wait3A_25 = arith.constant 0 : i32
    %dma_wait3A_26 = tpu.memref_slice %arg6[%multiple_of3A, %dma_wait3A_25] : memref<320000x16xf32, #tpu.memory_space<hbm>> -> memref<80x16xf32, #tpu.memory_space<hbm>>
    %dma_wait3A_27 = arith.constant 0 : i32
    %dma_wait3A_28 = tpu.memref_slice %arg6[%multiple_of3A, %dma_wait3A_27] : memref<320000x16xf32, #tpu.memory_space<hbm>> -> memref<80x16xf32, #tpu.memory_space<hbm>>
    tpu.wait_dma2 semaphore(%arg21 : memref<!tpu.dma_semaphore, #tpu.memory_space<semaphore_mem>>) src(%arg13 : memref<80x16xf32, #tpu.memory_space<vmem>>) dst(%dma_wait3A_28 : memref<80x16xf32, #tpu.memory_space<hbm>>)
    %scan3A_29 = arith.constant 0 : i32
    %scan3A_30 = arith.constant 80 : i32
    %scan3A_31 = arith.addi %scan3A_29, %scan3A_30 : i32
    %scan3A_32 = arith.constant 1 : i32
    scf.for %scan3A_49 = %scan3A_29 to %scan3A_31 step %scan3A_32  : i32 {
      %mul3A_50 = arith.constant 1 : i32
      %mul3A_51 = arith.muli %scan3A_49, %mul3A_50 : i32
      %add3A_52 = arith.constant 0 : i32
      %add3A_53 = arith.addi %add3A_52, %mul3A_51 : i32
      %get3A = arith.index_cast %add3A_53 : i32 to index
      %get3A_54 = arith.constant 0 : index
      %get3A_55 = tpu.vector_load %arg9[%get3A, %get3A_54] {strides = array<i32>} : memref<80x16xf32, #tpu.memory_space<vmem>>, vector<1x16xf32>,
      %get3A_56 = vector.shape_cast %get3A_55 : vector<1x16xf32> to vector<1x16xf32>
      %get3A_57 = arith.index_cast %add3A_53 : i32 to index
      %get3A_58 = arith.constant 0 : index
      %get3A_59 = tpu.vector_load %arg11[%get3A_57, %get3A_58] {strides = array<i32>} : memref<80x16xf32, #tpu.memory_space<vmem>>, vector<1x16xf32>,
      %get3A_60 = vector.shape_cast %get3A_59 : vector<1x16xf32> to vector<1x16xf32>
      %add3A_61 = arith.addf %get3A_56, %get3A_60 : vector<1x16xf32>
      %swap3A = arith.index_cast %add3A_53 : i32 to index
      %swap3A_62 = arith.constant 0 : index
      %swap3A_63 = tpu.vector_load %arg13[%swap3A, %swap3A_62] {strides = array<i32>} : memref<80x16xf32, #tpu.memory_space<vmem>>, vector<1x16xf32>,
      %swap3A_64 = vector.shape_cast %swap3A_63 : vector<1x16xf32> to vector<1x16xf32>
      %swap3A_65 = vector.shape_cast %add3A_61 : vector<1x16xf32> to vector<1x16xf32>
      tpu.vector_store %arg13[%swap3A, %swap3A_62], %swap3A_65 {strides = array<i32>} : memref<80x16xf32, #tpu.memory_space<vmem>>, vector<1x16xf32>,
    }
    %scan3A_33 = arith.constant 80 : i32
    %add3A_34 = arith.constant 9920 : i32
    %add3A_35 = arith.addi %multiple_of3A, %add3A_34 : i32
    %multiple_of3A_36 = tpu.assume_multiple %add3A_35, 8 : i32
    %dma_start3A_37 = arith.constant 0 : i32
    %dma_start3A_38 = tpu.memref_slice %arg6[%multiple_of3A_36, %dma_start3A_37] : memref<320000x16xf32, #tpu.memory_space<hbm>> -> memref<80x16xf32, #tpu.memory_space<hbm>>
    %dma_start3A_39 = arith.constant 0 : i32
    %dma_start3A_40 = tpu.memref_slice %arg6[%multiple_of3A_36, %dma_start3A_39] : memref<320000x16xf32, #tpu.memory_space<hbm>> -> memref<80x16xf32, #tpu.memory_space<hbm>>
    tpu.enqueue_dma source(%arg13 : memref<80x16xf32, #tpu.memory_space<vmem>>) target(%dma_start3A_40 : memref<80x16xf32, #tpu.memory_space<hbm>>) target_semaphore(%arg21 : memref<!tpu.dma_semaphore, #tpu.memory_space<semaphore_mem>>)
    %dma_wait3A_41 = arith.constant 0 : i32
    %dma_wait3A_42 = tpu.memref_slice %arg6[%multiple_of3A, %dma_wait3A_41] : memref<320000x16xf32, #tpu.memory_space<hbm>> -> memref<80x16xf32, #tpu.memory_space<hbm>>
    %dma_wait3A_43 = arith.constant 0 : i32
    %dma_wait3A_44 = tpu.memref_slice %arg6[%multiple_of3A, %dma_wait3A_43] : memref<320000x16xf32, #tpu.memory_space<hbm>> -> memref<80x16xf32, #tpu.memory_space<hbm>>
    tpu.wait_dma2 semaphore(%arg22 : memref<!tpu.dma_semaphore, #tpu.memory_space<semaphore_mem>>) src(%arg14 : memref<80x16xf32, #tpu.memory_space<vmem>>) dst(%dma_wait3A_44 : memref<80x16xf32, #tpu.memory_space<hbm>>)
    %dma_wait3A_45 = arith.constant 0 : i32
    %dma_wait3A_46 = tpu.memref_slice %arg6[%multiple_of3A, %dma_wait3A_45] : memref<320000x16xf32, #tpu.memory_space<hbm>> -> memref<80x16xf32, #tpu.memory_space<hbm>>
    %dma_wait3A_47 = arith.constant 0 : i32
    %dma_wait3A_48 = tpu.memref_slice %arg6[%multiple_of3A, %dma_wait3A_47] : memref<320000x16xf32, #tpu.memory_space<hbm>> -> memref<80x16xf32, #tpu.memory_space<hbm>>
    tpu.wait_dma2 semaphore(%arg21 : memref<!tpu.dma_semaphore, #tpu.memory_space<semaphore_mem>>) src(%arg13 : memref<80x16xf32, #tpu.memory_space<vmem>>) dst(%dma_wait3A_48 : memref<80x16xf32, #tpu.memory_space<hbm>>)
    return
  }
}

#map = affine_map<(d0, d1) -> (0, 0)>
#map1 = affine_map<(d0, d1) -> (0)>
module attributes {stable_mosaic.version = 14 : i64} {
  func.func @_gather_add_body(%arg0: i32, %arg1: i32, %arg2: memref<10000x128xf32, #tpu.memory_space<hbm>>, %arg3: memref<10000x128xf32, #tpu.memory_space<hbm>>, %arg4: memref<320000xi32, #tpu.memory_space<hbm>>, %arg5: memref<320000xi32, #tpu.memory_space<hbm>>, %arg6: memref<320000x128xf32, #tpu.memory_space<hbm>>, %arg7: memref<10000xi32, #tpu.memory_space<vmem>>, %arg8: memref<10000xi32, #tpu.memory_space<vmem>>, %arg9: memref<80x128xf32, #tpu.memory_space<vmem>>, %arg10: memref<80x128xf32, #tpu.memory_space<vmem>>, %arg11: memref<80x128xf32, #tpu.memory_space<vmem>>, %arg12: memref<80x128xf32, #tpu.memory_space<vmem>>, %arg13: memref<80x128xf32, #tpu.memory_space<vmem>>, %arg14: memref<80x128xf32, #tpu.memory_space<vmem>>, %arg15: memref<8x128xf32, #tpu.memory_space<vmem>>, %arg16: memref<8x128xf32, #tpu.memory_space<vmem>>, %arg17: memref<!tpu.dma_semaphore, #tpu.memory_space<semaphore_mem>>, %arg18: memref<!tpu.dma_semaphore, #tpu.memory_space<semaphore_mem>>, %arg19: memref<!tpu.dma_semaphore, #tpu.memory_space<semaphore_mem>>, %arg20: memref<!tpu.dma_semaphore, #tpu.memory_space<semaphore_mem>>, %arg21: memref<!tpu.dma_semaphore, #tpu.memory_space<semaphore_mem>>, %arg22: memref<!tpu.dma_semaphore, #tpu.memory_space<semaphore_mem>>) attributes {dimension_semantics = [#tpu.dimension_semantics<core_parallel>, #tpu.dimension_semantics<subcore_parallel>], iteration_bounds = array<i64: 2, 16>, scalar_prefetch = 0 : i64, scratch_operands = 16 : i64, tpu.core_type = #tpu.core_type<sc_vector_subcore>, window_params = [{transform_indices = #map}, {transform_indices = #map}, {transform_indices = #map1}, {transform_indices = #map1}, {transform_indices = #map}]} {
    %mul3A = arith.constant 2 : i32
    %mul3A_0 = arith.muli %arg1, %mul3A : i32
    %add3A = arith.addi %mul3A_0, %arg0 : i32
    %mul3A_1 = arith.constant 10000 : i32
    %mul3A_2 = arith.muli %add3A, %mul3A_1 : i32
    %multiple_of3A = tpu.assume_multiple %mul3A_2, 8 : i32
    "tpu.region"() ({
      %run_scoped3A = tpu.sem_alloc : memref<!tpu.dma_semaphore, #tpu.memory_space<semaphore_mem>>
      %dma_start3A_49 = tpu.memref_slice %arg4[%multiple_of3A] : memref<320000xi32, #tpu.memory_space<hbm>> -> memref<10000xi32, #tpu.memory_space<hbm>>
      %dma_start3A_50 = tpu.memref_slice %arg4[%multiple_of3A] : memref<320000xi32, #tpu.memory_space<hbm>> -> memref<10000xi32, #tpu.memory_space<hbm>>
      tpu.enqueue_dma source(%dma_start3A_50 : memref<10000xi32, #tpu.memory_space<hbm>>) target(%arg7 : memref<10000xi32, #tpu.memory_space<vmem>>) target_semaphore(%run_scoped3A : memref<!tpu.dma_semaphore, #tpu.memory_space<semaphore_mem>>)
      %dma_wait3A_51 = tpu.memref_slice %arg4[%multiple_of3A] : memref<320000xi32, #tpu.memory_space<hbm>> -> memref<10000xi32, #tpu.memory_space<hbm>>
      %dma_wait3A_52 = tpu.memref_slice %arg4[%multiple_of3A] : memref<320000xi32, #tpu.memory_space<hbm>> -> memref<10000xi32, #tpu.memory_space<hbm>>
      tpu.wait_dma2 semaphore(%run_scoped3A : memref<!tpu.dma_semaphore, #tpu.memory_space<semaphore_mem>>) src(%dma_wait3A_52 : memref<10000xi32, #tpu.memory_space<hbm>>) dst(%arg7 : memref<10000xi32, #tpu.memory_space<vmem>>)
      tpu.yield
    }) : () -> ()
    "tpu.region"() ({
      %run_scoped3A = tpu.sem_alloc : memref<!tpu.dma_semaphore, #tpu.memory_space<semaphore_mem>>
      %dma_start3A_49 = tpu.memref_slice %arg5[%multiple_of3A] : memref<320000xi32, #tpu.memory_space<hbm>> -> memref<10000xi32, #tpu.memory_space<hbm>>
      %dma_start3A_50 = tpu.memref_slice %arg5[%multiple_of3A] : memref<320000xi32, #tpu.memory_space<hbm>> -> memref<10000xi32, #tpu.memory_space<hbm>>
      tpu.enqueue_dma source(%dma_start3A_50 : memref<10000xi32, #tpu.memory_space<hbm>>) target(%arg8 : memref<10000xi32, #tpu.memory_space<vmem>>) target_semaphore(%run_scoped3A : memref<!tpu.dma_semaphore, #tpu.memory_space<semaphore_mem>>)
      %dma_wait3A_51 = tpu.memref_slice %arg5[%multiple_of3A] : memref<320000xi32, #tpu.memory_space<hbm>> -> memref<10000xi32, #tpu.memory_space<hbm>>
      %dma_wait3A_52 = tpu.memref_slice %arg5[%multiple_of3A] : memref<320000xi32, #tpu.memory_space<hbm>> -> memref<10000xi32, #tpu.memory_space<hbm>>
      tpu.wait_dma2 semaphore(%run_scoped3A : memref<!tpu.dma_semaphore, #tpu.memory_space<semaphore_mem>>) src(%dma_wait3A_52 : memref<10000xi32, #tpu.memory_space<hbm>>) dst(%arg8 : memref<10000xi32, #tpu.memory_space<vmem>>)
      tpu.yield
    }) : () -> ()
    %multiple_of3A_3 = arith.constant 0 : i32
    %multiple_of3A_4 = tpu.assume_multiple %multiple_of3A_3, 8 : i32
    %dma_start3A = tpu.memref_slice %arg7[%multiple_of3A_4] : memref<10000xi32, #tpu.memory_space<vmem>> -> memref<80xi32, #tpu.memory_space<vmem>>
    %dma_start3A_5 = arith.constant 0 : i32
    %dma_start3A_6 = arith.constant 0 : i32
    %dma_start3A_7 = tpu.memref_slice %arg2[%dma_start3A_5, %dma_start3A_6] : memref<10000x128xf32, #tpu.memory_space<hbm>> -> memref<10000x128xf32, #tpu.memory_space<hbm>>
    tpu.enqueue_indirect_dma source(%dma_start3A_7 : memref<10000x128xf32, #tpu.memory_space<hbm>>) target(%arg9 : memref<80x128xf32, #tpu.memory_space<vmem>>) offsets(%dma_start3A : memref<80xi32, #tpu.memory_space<vmem>>) semaphore(%arg17 : memref<!tpu.dma_semaphore, #tpu.memory_space<semaphore_mem>>)
    %dma_start3A_8 = tpu.memref_slice %arg8[%multiple_of3A_4] : memref<10000xi32, #tpu.memory_space<vmem>> -> memref<80xi32, #tpu.memory_space<vmem>>
    %dma_start3A_9 = arith.constant 0 : i32
    %dma_start3A_10 = arith.constant 0 : i32
    %dma_start3A_11 = tpu.memref_slice %arg3[%dma_start3A_9, %dma_start3A_10] : memref<10000x128xf32, #tpu.memory_space<hbm>> -> memref<10000x128xf32, #tpu.memory_space<hbm>>
    tpu.enqueue_indirect_dma source(%dma_start3A_11 : memref<10000x128xf32, #tpu.memory_space<hbm>>) target(%arg11 : memref<80x128xf32, #tpu.memory_space<vmem>>) offsets(%dma_start3A_8 : memref<80xi32, #tpu.memory_space<vmem>>) semaphore(%arg19 : memref<!tpu.dma_semaphore, #tpu.memory_space<semaphore_mem>>)
    %scan3A = arith.constant 0 : i32
    %scan3A_12 = arith.constant 62 : i32
    %scan3A_13 = arith.addi %scan3A, %scan3A_12 : i32
    %scan3A_14 = arith.constant 1 : i32
    scf.for %scan3A_49 = %scan3A to %scan3A_13 step %scan3A_14  : i32 {
      %mul3A_50 = arith.constant 1 : i32
      %mul3A_51 = arith.muli %scan3A_49, %mul3A_50 : i32
      %add3A_52 = arith.constant 0 : i32
      %add3A_53 = arith.addi %add3A_52, %mul3A_51 : i32
      %mul3A_54 = arith.constant 2 : i32
      %mul3A_55 = arith.muli %mul3A_54, %add3A_53 : i32
      %add3A_56 = arith.constant 1 : i32
      %add3A_57 = arith.addi %mul3A_55, %add3A_56 : i32
      %mul3A_58 = arith.constant 80 : i32
      %mul3A_59 = arith.muli %add3A_57, %mul3A_58 : i32
      %multiple_of3A_60 = tpu.assume_multiple %mul3A_59, 8 : i32
      %dma_start3A_61 = tpu.memref_slice %arg7[%multiple_of3A_60] : memref<10000xi32, #tpu.memory_space<vmem>> -> memref<80xi32, #tpu.memory_space<vmem>>
      %dma_start3A_62 = arith.constant 0 : i32
      %dma_start3A_63 = arith.constant 0 : i32
      %dma_start3A_64 = tpu.memref_slice %arg2[%dma_start3A_62, %dma_start3A_63] : memref<10000x128xf32, #tpu.memory_space<hbm>> -> memref<10000x128xf32, #tpu.memory_space<hbm>>
      tpu.enqueue_indirect_dma source(%dma_start3A_64 : memref<10000x128xf32, #tpu.memory_space<hbm>>) target(%arg10 : memref<80x128xf32, #tpu.memory_space<vmem>>) offsets(%dma_start3A_61 : memref<80xi32, #tpu.memory_space<vmem>>) semaphore(%arg18 : memref<!tpu.dma_semaphore, #tpu.memory_space<semaphore_mem>>)
      %dma_start3A_65 = tpu.memref_slice %arg8[%multiple_of3A_60] : memref<10000xi32, #tpu.memory_space<vmem>> -> memref<80xi32, #tpu.memory_space<vmem>>
      %dma_start3A_66 = arith.constant 0 : i32
      %dma_start3A_67 = arith.constant 0 : i32
      %dma_start3A_68 = tpu.memref_slice %arg3[%dma_start3A_66, %dma_start3A_67] : memref<10000x128xf32, #tpu.memory_space<hbm>> -> memref<10000x128xf32, #tpu.memory_space<hbm>>
      tpu.enqueue_indirect_dma source(%dma_start3A_68 : memref<10000x128xf32, #tpu.memory_space<hbm>>) target(%arg12 : memref<80x128xf32, #tpu.memory_space<vmem>>) offsets(%dma_start3A_65 : memref<80xi32, #tpu.memory_space<vmem>>) semaphore(%arg20 : memref<!tpu.dma_semaphore, #tpu.memory_space<semaphore_mem>>)
      %ge3A = arith.constant 1 : i32
      %ge3A_69 = arith.cmpi sge, %add3A_53, %ge3A : i32
      %dma_wait3A_70 = arith.constant 0 : i32
      %dma_wait3A_71 = tpu.memref_slice %arg7[%dma_wait3A_70] : memref<10000xi32, #tpu.memory_space<vmem>> -> memref<80xi32, #tpu.memory_space<vmem>>
      %dma_wait3A_72 = arith.constant 0 : i32
      %dma_wait3A_73 = arith.constant 0 : i32
      %dma_wait3A_74 = tpu.memref_slice %arg2[%dma_wait3A_72, %dma_wait3A_73] : memref<10000x128xf32, #tpu.memory_space<hbm>> -> memref<10000x128xf32, #tpu.memory_space<hbm>>
      tpu.wait_indirect_dma semaphore(%arg17 : memref<!tpu.dma_semaphore, #tpu.memory_space<semaphore_mem>>) src(%dma_wait3A_74 : memref<10000x128xf32, #tpu.memory_space<hbm>>) dst(%arg9 : memref<80x128xf32, #tpu.memory_space<vmem>>)
      %dma_wait3A_75 = arith.constant 0 : i32
      %dma_wait3A_76 = tpu.memref_slice %arg8[%dma_wait3A_75] : memref<10000xi32, #tpu.memory_space<vmem>> -> memref<80xi32, #tpu.memory_space<vmem>>
      %dma_wait3A_77 = arith.constant 0 : i32
      %dma_wait3A_78 = arith.constant 0 : i32
      %dma_wait3A_79 = tpu.memref_slice %arg3[%dma_wait3A_77, %dma_wait3A_78] : memref<10000x128xf32, #tpu.memory_space<hbm>> -> memref<10000x128xf32, #tpu.memory_space<hbm>>
      tpu.wait_indirect_dma semaphore(%arg19 : memref<!tpu.dma_semaphore, #tpu.memory_space<semaphore_mem>>) src(%dma_wait3A_79 : memref<10000x128xf32, #tpu.memory_space<hbm>>) dst(%arg11 : memref<80x128xf32, #tpu.memory_space<vmem>>)
      %convert_element_type3A = arith.extui %ge3A_69 : i1 to i32
      %cond3A_80 = arith.constant 0 : i32
      %cond3A_81 = arith.cmpi ne, %convert_element_type3A, %cond3A_80 : i32
      scf.if %cond3A_81 {
        %dma_wait3A_131 = arith.constant 0 : i32
        %dma_wait3A_132 = tpu.memref_slice %arg6[%multiple_of3A, %dma_wait3A_131] : memref<320000x128xf32, #tpu.memory_space<hbm>> -> memref<80x128xf32, #tpu.memory_space<hbm>>
        %dma_wait3A_133 = arith.constant 0 : i32
        %dma_wait3A_134 = tpu.memref_slice %arg6[%multiple_of3A, %dma_wait3A_133] : memref<320000x128xf32, #tpu.memory_space<hbm>> -> memref<80x128xf32, #tpu.memory_space<hbm>>
        tpu.wait_dma2 semaphore(%arg21 : memref<!tpu.dma_semaphore, #tpu.memory_space<semaphore_mem>>) src(%arg13 : memref<80x128xf32, #tpu.memory_space<vmem>>) dst(%dma_wait3A_134 : memref<80x128xf32, #tpu.memory_space<hbm>>)
      } else {
      }
      %scan3A_82 = arith.constant 0 : i32
      %scan3A_83 = arith.constant 80 : i32
      %scan3A_84 = arith.addi %scan3A_82, %scan3A_83 : i32
      %scan3A_85 = arith.constant 1 : i32
      scf.for %scan3A_131 = %scan3A_82 to %scan3A_84 step %scan3A_85  : i32 {
        %mul3A_132 = arith.constant 1 : i32
        %mul3A_133 = arith.muli %scan3A_131, %mul3A_132 : i32
        %add3A_134 = arith.constant 0 : i32
        %add3A_135 = arith.addi %add3A_134, %mul3A_133 : i32
        %get3A = arith.index_cast %add3A_135 : i32 to index
        %get3A_136 = arith.constant 0 : index
        %get3A_137 = tpu.vector_load %arg9[%get3A, %get3A_136] {strides = array<i32>} : memref<80x128xf32, #tpu.memory_space<vmem>>, vector<1x16xf32>,
        %get3A_138 = vector.shape_cast %get3A_137 : vector<1x16xf32> to vector<1x16xf32>
        %get3A_139 = arith.index_cast %add3A_135 : i32 to index
        %get3A_140 = arith.constant 0 : index
        %get3A_141 = tpu.vector_load %arg11[%get3A_139, %get3A_140] {strides = array<i32>} : memref<80x128xf32, #tpu.memory_space<vmem>>, vector<1x16xf32>,
        %get3A_142 = vector.shape_cast %get3A_141 : vector<1x16xf32> to vector<1x16xf32>
        %add3A_143 = arith.addf %get3A_138, %get3A_142 : vector<1x16xf32>
        %swap3A = arith.index_cast %add3A_135 : i32 to index
        %swap3A_144 = arith.constant 0 : index
        %swap3A_145 = tpu.vector_load %arg13[%swap3A, %swap3A_144] {strides = array<i32>} : memref<80x128xf32, #tpu.memory_space<vmem>>, vector<1x16xf32>,
        %swap3A_146 = vector.shape_cast %swap3A_145 : vector<1x16xf32> to vector<1x16xf32>
        %swap3A_147 = vector.shape_cast %add3A_143 : vector<1x16xf32> to vector<1x16xf32>
        tpu.vector_store %arg13[%swap3A, %swap3A_144], %swap3A_147 {strides = array<i32>} : memref<80x128xf32, #tpu.memory_space<vmem>>, vector<1x16xf32>,
        %get3A_148 = arith.index_cast %add3A_135 : i32 to index
        %get3A_149 = arith.constant 16 : index
        %get3A_150 = tpu.vector_load %arg9[%get3A_148, %get3A_149] {strides = array<i32>} : memref<80x128xf32, #tpu.memory_space<vmem>>, vector<1x16xf32>,
        %get3A_151 = vector.shape_cast %get3A_150 : vector<1x16xf32> to vector<1x16xf32>
        %get3A_152 = arith.index_cast %add3A_135 : i32 to index
        %get3A_153 = arith.constant 16 : index
        %get3A_154 = tpu.vector_load %arg11[%get3A_152, %get3A_153] {strides = array<i32>} : memref<80x128xf32, #tpu.memory_space<vmem>>, vector<1x16xf32>,
        %get3A_155 = vector.shape_cast %get3A_154 : vector<1x16xf32> to vector<1x16xf32>
        %add3A_156 = arith.addf %get3A_151, %get3A_155 : vector<1x16xf32>
        %swap3A_157 = arith.index_cast %add3A_135 : i32 to index
        %swap3A_158 = arith.constant 16 : index
        %swap3A_159 = tpu.vector_load %arg13[%swap3A_157, %swap3A_158] {strides = array<i32>} : memref<80x128xf32, #tpu.memory_space<vmem>>, vector<1x16xf32>,
        %swap3A_160 = vector.shape_cast %swap3A_159 : vector<1x16xf32> to vector<1x16xf32>
        %swap3A_161 = vector.shape_cast %add3A_156 : vector<1x16xf32> to vector<1x16xf32>
        tpu.vector_store %arg13[%swap3A_157, %swap3A_158], %swap3A_161 {strides = array<i32>} : memref<80x128xf32, #tpu.memory_space<vmem>>, vector<1x16xf32>,
        %get3A_162 = arith.index_cast %add3A_135 : i32 to index
        %get3A_163 = arith.constant 32 : index
        %get3A_164 = tpu.vector_load %arg9[%get3A_162, %get3A_163] {strides = array<i32>} : memref<80x128xf32, #tpu.memory_space<vmem>>, vector<1x16xf32>,
        %get3A_165 = vector.shape_cast %get3A_164 : vector<1x16xf32> to vector<1x16xf32>
        %get3A_166 = arith.index_cast %add3A_135 : i32 to index
        %get3A_167 = arith.constant 32 : index
        %get3A_168 = tpu.vector_load %arg11[%get3A_166, %get3A_167] {strides = array<i32>} : memref<80x128xf32, #tpu.memory_space<vmem>>, vector<1x16xf32>,
        %get3A_169 = vector.shape_cast %get3A_168 : vector<1x16xf32> to vector<1x16xf32>
        %add3A_170 = arith.addf %get3A_165, %get3A_169 : vector<1x16xf32>
        %swap3A_171 = arith.index_cast %add3A_135 : i32 to index
        %swap3A_172 = arith.constant 32 : index
        %swap3A_173 = tpu.vector_load %arg13[%swap3A_171, %swap3A_172] {strides = array<i32>} : memref<80x128xf32, #tpu.memory_space<vmem>>, vector<1x16xf32>,
        %swap3A_174 = vector.shape_cast %swap3A_173 : vector<1x16xf32> to vector<1x16xf32>
        %swap3A_175 = vector.shape_cast %add3A_170 : vector<1x16xf32> to vector<1x16xf32>
        tpu.vector_store %arg13[%swap3A_171, %swap3A_172], %swap3A_175 {strides = array<i32>} : memref<80x128xf32, #tpu.memory_space<vmem>>, vector<1x16xf32>,
        %get3A_176 = arith.index_cast %add3A_135 : i32 to index
        %get3A_177 = arith.constant 48 : index
        %get3A_178 = tpu.vector_load %arg9[%get3A_176, %get3A_177] {strides = array<i32>} : memref<80x128xf32, #tpu.memory_space<vmem>>, vector<1x16xf32>,
        %get3A_179 = vector.shape_cast %get3A_178 : vector<1x16xf32> to vector<1x16xf32>
        %get3A_180 = arith.index_cast %add3A_135 : i32 to index
        %get3A_181 = arith.constant 48 : index
        %get3A_182 = tpu.vector_load %arg11[%get3A_180, %get3A_181] {strides = array<i32>} : memref<80x128xf32, #tpu.memory_space<vmem>>, vector<1x16xf32>,
        %get3A_183 = vector.shape_cast %get3A_182 : vector<1x16xf32> to vector<1x16xf32>
        %add3A_184 = arith.addf %get3A_179, %get3A_183 : vector<1x16xf32>
        %swap3A_185 = arith.index_cast %add3A_135 : i32 to index
        %swap3A_186 = arith.constant 48 : index
        %swap3A_187 = tpu.vector_load %arg13[%swap3A_185, %swap3A_186] {strides = array<i32>} : memref<80x128xf32, #tpu.memory_space<vmem>>, vector<1x16xf32>,
        %swap3A_188 = vector.shape_cast %swap3A_187 : vector<1x16xf32> to vector<1x16xf32>
        %swap3A_189 = vector.shape_cast %add3A_184 : vector<1x16xf32> to vector<1x16xf32>
        tpu.vector_store %arg13[%swap3A_185, %swap3A_186], %swap3A_189 {strides = array<i32>} : memref<80x128xf32, #tpu.memory_space<vmem>>, vector<1x16xf32>,
        %get3A_190 = arith.index_cast %add3A_135 : i32 to index
        %get3A_191 = arith.constant 64 : index
        %get3A_192 = tpu.vector_load %arg9[%get3A_190, %get3A_191] {strides = array<i32>} : memref<80x128xf32, #tpu.memory_space<vmem>>, vector<1x16xf32>,
        %get3A_193 = vector.shape_cast %get3A_192 : vector<1x16xf32> to vector<1x16xf32>
        %get3A_194 = arith.index_cast %add3A_135 : i32 to index
        %get3A_195 = arith.constant 64 : index
        %get3A_196 = tpu.vector_load %arg11[%get3A_194, %get3A_195] {strides = array<i32>} : memref<80x128xf32, #tpu.memory_space<vmem>>, vector<1x16xf32>,
        %get3A_197 = vector.shape_cast %get3A_196 : vector<1x16xf32> to vector<1x16xf32>
        %add3A_198 = arith.addf %get3A_193, %get3A_197 : vector<1x16xf32>
        %swap3A_199 = arith.index_cast %add3A_135 : i32 to index
        %swap3A_200 = arith.constant 64 : index
        %swap3A_201 = tpu.vector_load %arg13[%swap3A_199, %swap3A_200] {strides = array<i32>} : memref<80x128xf32, #tpu.memory_space<vmem>>, vector<1x16xf32>,
        %swap3A_202 = vector.shape_cast %swap3A_201 : vector<1x16xf32> to vector<1x16xf32>
        %swap3A_203 = vector.shape_cast %add3A_198 : vector<1x16xf32> to vector<1x16xf32>
        tpu.vector_store %arg13[%swap3A_199, %swap3A_200], %swap3A_203 {strides = array<i32>} : memref<80x128xf32, #tpu.memory_space<vmem>>, vector<1x16xf32>,
        %get3A_204 = arith.index_cast %add3A_135 : i32 to index
        %get3A_205 = arith.constant 80 : index
        %get3A_206 = tpu.vector_load %arg9[%get3A_204, %get3A_205] {strides = array<i32>} : memref<80x128xf32, #tpu.memory_space<vmem>>, vector<1x16xf32>,
        %get3A_207 = vector.shape_cast %get3A_206 : vector<1x16xf32> to vector<1x16xf32>
        %get3A_208 = arith.index_cast %add3A_135 : i32 to index
        %get3A_209 = arith.constant 80 : index
        %get3A_210 = tpu.vector_load %arg11[%get3A_208, %get3A_209] {strides = array<i32>} : memref<80x128xf32, #tpu.memory_space<vmem>>, vector<1x16xf32>,
        %get3A_211 = vector.shape_cast %get3A_210 : vector<1x16xf32> to vector<1x16xf32>
        %add3A_212 = arith.addf %get3A_207, %get3A_211 : vector<1x16xf32>
        %swap3A_213 = arith.index_cast %add3A_135 : i32 to index
        %swap3A_214 = arith.constant 80 : index
        %swap3A_215 = tpu.vector_load %arg13[%swap3A_213, %swap3A_214] {strides = array<i32>} : memref<80x128xf32, #tpu.memory_space<vmem>>, vector<1x16xf32>,
        %swap3A_216 = vector.shape_cast %swap3A_215 : vector<1x16xf32> to vector<1x16xf32>
        %swap3A_217 = vector.shape_cast %add3A_212 : vector<1x16xf32> to vector<1x16xf32>
        tpu.vector_store %arg13[%swap3A_213, %swap3A_214], %swap3A_217 {strides = array<i32>} : memref<80x128xf32, #tpu.memory_space<vmem>>, vector<1x16xf32>,
        %get3A_218 = arith.index_cast %add3A_135 : i32 to index
        %get3A_219 = arith.constant 96 : index
        %get3A_220 = tpu.vector_load %arg9[%get3A_218, %get3A_219] {strides = array<i32>} : memref<80x128xf32, #tpu.memory_space<vmem>>, vector<1x16xf32>,
        %get3A_221 = vector.shape_cast %get3A_220 : vector<1x16xf32> to vector<1x16xf32>
        %get3A_222 = arith.index_cast %add3A_135 : i32 to index
        %get3A_223 = arith.constant 96 : index
        %get3A_224 = tpu.vector_load %arg11[%get3A_222, %get3A_223] {strides = array<i32>} : memref<80x128xf32, #tpu.memory_space<vmem>>, vector<1x16xf32>,
        %get3A_225 = vector.shape_cast %get3A_224 : vector<1x16xf32> to vector<1x16xf32>
        %add3A_226 = arith.addf %get3A_221, %get3A_225 : vector<1x16xf32>
        %swap3A_227 = arith.index_cast %add3A_135 : i32 to index
        %swap3A_228 = arith.constant 96 : index
        %swap3A_229 = tpu.vector_load %arg13[%swap3A_227, %swap3A_228] {strides = array<i32>} : memref<80x128xf32, #tpu.memory_space<vmem>>, vector<1x16xf32>,
        %swap3A_230 = vector.shape_cast %swap3A_229 : vector<1x16xf32> to vector<1x16xf32>
        %swap3A_231 = vector.shape_cast %add3A_226 : vector<1x16xf32> to vector<1x16xf32>
        tpu.vector_store %arg13[%swap3A_227, %swap3A_228], %swap3A_231 {strides = array<i32>} : memref<80x128xf32, #tpu.memory_space<vmem>>, vector<1x16xf32>,
        %get3A_232 = arith.index_cast %add3A_135 : i32 to index
        %get3A_233 = arith.constant 112 : index
        %get3A_234 = tpu.vector_load %arg9[%get3A_232, %get3A_233] {strides = array<i32>} : memref<80x128xf32, #tpu.memory_space<vmem>>, vector<1x16xf32>,
        %get3A_235 = vector.shape_cast %get3A_234 : vector<1x16xf32> to vector<1x16xf32>
        %get3A_236 = arith.index_cast %add3A_135 : i32 to index
        %get3A_237 = arith.constant 112 : index
        %get3A_238 = tpu.vector_load %arg11[%get3A_236, %get3A_237] {strides = array<i32>} : memref<80x128xf32, #tpu.memory_space<vmem>>, vector<1x16xf32>,
        %get3A_239 = vector.shape_cast %get3A_238 : vector<1x16xf32> to vector<1x16xf32>
        %add3A_240 = arith.addf %get3A_235, %get3A_239 : vector<1x16xf32>
        %swap3A_241 = arith.index_cast %add3A_135 : i32 to index
        %swap3A_242 = arith.constant 112 : index
        %swap3A_243 = tpu.vector_load %arg13[%swap3A_241, %swap3A_242] {strides = array<i32>} : memref<80x128xf32, #tpu.memory_space<vmem>>, vector<1x16xf32>,
        %swap3A_244 = vector.shape_cast %swap3A_243 : vector<1x16xf32> to vector<1x16xf32>
        %swap3A_245 = vector.shape_cast %add3A_240 : vector<1x16xf32> to vector<1x16xf32>
        tpu.vector_store %arg13[%swap3A_241, %swap3A_242], %swap3A_245 {strides = array<i32>} : memref<80x128xf32, #tpu.memory_space<vmem>>, vector<1x16xf32>,
      }
      %scan3A_86 = arith.constant 80 : i32
      %mul3A_87 = arith.constant 80 : i32
      %mul3A_88 = arith.muli %mul3A_55, %mul3A_87 : i32
      %add3A_89 = arith.addi %multiple_of3A, %mul3A_88 : i32
      %multiple_of3A_90 = tpu.assume_multiple %add3A_89, 8 : i32
      %dma_start3A_91 = arith.constant 0 : i32
      %dma_start3A_92 = tpu.memref_slice %arg6[%multiple_of3A_90, %dma_start3A_91] : memref<320000x128xf32, #tpu.memory_space<hbm>> -> memref<80x128xf32, #tpu.memory_space<hbm>>
      %dma_start3A_93 = arith.constant 0 : i32
      %dma_start3A_94 = tpu.memref_slice %arg6[%multiple_of3A_90, %dma_start3A_93] : memref<320000x128xf32, #tpu.memory_space<hbm>> -> memref<80x128xf32, #tpu.memory_space<hbm>>
      tpu.enqueue_dma source(%arg13 : memref<80x128xf32, #tpu.memory_space<vmem>>) target(%dma_start3A_94 : memref<80x128xf32, #tpu.memory_space<hbm>>) target_semaphore(%arg21 : memref<!tpu.dma_semaphore, #tpu.memory_space<semaphore_mem>>)
      %add3A_95 = arith.constant 2 : i32
      %add3A_96 = arith.addi %mul3A_55, %add3A_95 : i32
      %lt3A = arith.constant 125 : i32
      %lt3A_97 = arith.cmpi slt, %add3A_96, %lt3A : i32
      %convert_element_type3A_98 = arith.extui %lt3A_97 : i1 to i32
      %cond3A_99 = arith.constant 0 : i32
      %cond3A_100 = arith.cmpi ne, %convert_element_type3A_98, %cond3A_99 : i32
      scf.if %cond3A_100 {
        %add3A_131 = arith.constant 2 : i32
        %add3A_132 = arith.addi %mul3A_55, %add3A_131 : i32
        %mul3A_133 = arith.constant 80 : i32
        %mul3A_134 = arith.muli %add3A_132, %mul3A_133 : i32
        %multiple_of3A_135 = tpu.assume_multiple %mul3A_134, 8 : i32
        %dma_start3A_136 = tpu.memref_slice %arg7[%multiple_of3A_135] : memref<10000xi32, #tpu.memory_space<vmem>> -> memref<80xi32, #tpu.memory_space<vmem>>
        %dma_start3A_137 = arith.constant 0 : i32
        %dma_start3A_138 = arith.constant 0 : i32
        %dma_start3A_139 = tpu.memref_slice %arg2[%dma_start3A_137, %dma_start3A_138] : memref<10000x128xf32, #tpu.memory_space<hbm>> -> memref<10000x128xf32, #tpu.memory_space<hbm>>
        tpu.enqueue_indirect_dma source(%dma_start3A_139 : memref<10000x128xf32, #tpu.memory_space<hbm>>) target(%arg9 : memref<80x128xf32, #tpu.memory_space<vmem>>) offsets(%dma_start3A_136 : memref<80xi32, #tpu.memory_space<vmem>>) semaphore(%arg17 : memref<!tpu.dma_semaphore, #tpu.memory_space<semaphore_mem>>)
        %dma_start3A_140 = tpu.memref_slice %arg8[%multiple_of3A_135] : memref<10000xi32, #tpu.memory_space<vmem>> -> memref<80xi32, #tpu.memory_space<vmem>>
        %dma_start3A_141 = arith.constant 0 : i32
        %dma_start3A_142 = arith.constant 0 : i32
        %dma_start3A_143 = tpu.memref_slice %arg3[%dma_start3A_141, %dma_start3A_142] : memref<10000x128xf32, #tpu.memory_space<hbm>> -> memref<10000x128xf32, #tpu.memory_space<hbm>>
        tpu.enqueue_indirect_dma source(%dma_start3A_143 : memref<10000x128xf32, #tpu.memory_space<hbm>>) target(%arg11 : memref<80x128xf32, #tpu.memory_space<vmem>>) offsets(%dma_start3A_140 : memref<80xi32, #tpu.memory_space<vmem>>) semaphore(%arg19 : memref<!tpu.dma_semaphore, #tpu.memory_space<semaphore_mem>>)
      } else {
      }
      %add3A_101 = arith.constant 1 : i32
      %add3A_102 = arith.addi %mul3A_55, %add3A_101 : i32
      %ge3A_103 = arith.constant 1 : i32
      %ge3A_104 = arith.cmpi sge, %add3A_53, %ge3A_103 : i32
      %dma_wait3A_105 = arith.constant 0 : i32
      %dma_wait3A_106 = tpu.memref_slice %arg7[%dma_wait3A_105] : memref<10000xi32, #tpu.memory_space<vmem>> -> memref<80xi32, #tpu.memory_space<vmem>>
      %dma_wait3A_107 = arith.constant 0 : i32
      %dma_wait3A_108 = arith.constant 0 : i32
      %dma_wait3A_109 = tpu.memref_slice %arg2[%dma_wait3A_107, %dma_wait3A_108] : memref<10000x128xf32, #tpu.memory_space<hbm>> -> memref<10000x128xf32, #tpu.memory_space<hbm>>
      tpu.wait_indirect_dma semaphore(%arg18 : memref<!tpu.dma_semaphore, #tpu.memory_space<semaphore_mem>>) src(%dma_wait3A_109 : memref<10000x128xf32, #tpu.memory_space<hbm>>) dst(%arg10 : memref<80x128xf32, #tpu.memory_space<vmem>>)
      %dma_wait3A_110 = arith.constant 0 : i32
      %dma_wait3A_111 = tpu.memref_slice %arg8[%dma_wait3A_110] : memref<10000xi32, #tpu.memory_space<vmem>> -> memref<80xi32, #tpu.memory_space<vmem>>
      %dma_wait3A_112 = arith.constant 0 : i32
      %dma_wait3A_113 = arith.constant 0 : i32
      %dma_wait3A_114 = tpu.memref_slice %arg3[%dma_wait3A_112, %dma_wait3A_113] : memref<10000x128xf32, #tpu.memory_space<hbm>> -> memref<10000x128xf32, #tpu.memory_space<hbm>>
      tpu.wait_indirect_dma semaphore(%arg20 : memref<!tpu.dma_semaphore, #tpu.memory_space<semaphore_mem>>) src(%dma_wait3A_114 : memref<10000x128xf32, #tpu.memory_space<hbm>>) dst(%arg12 : memref<80x128xf32, #tpu.memory_space<vmem>>)
      %convert_element_type3A_115 = arith.extui %ge3A_104 : i1 to i32
      %cond3A_116 = arith.constant 0 : i32
      %cond3A_117 = arith.cmpi ne, %convert_element_type3A_115, %cond3A_116 : i32
      scf.if %cond3A_117 {
        %dma_wait3A_131 = arith.constant 0 : i32
        %dma_wait3A_132 = tpu.memref_slice %arg6[%multiple_of3A, %dma_wait3A_131] : memref<320000x128xf32, #tpu.memory_space<hbm>> -> memref<80x128xf32, #tpu.memory_space<hbm>>
        %dma_wait3A_133 = arith.constant 0 : i32
        %dma_wait3A_134 = tpu.memref_slice %arg6[%multiple_of3A, %dma_wait3A_133] : memref<320000x128xf32, #tpu.memory_space<hbm>> -> memref<80x128xf32, #tpu.memory_space<hbm>>
        tpu.wait_dma2 semaphore(%arg22 : memref<!tpu.dma_semaphore, #tpu.memory_space<semaphore_mem>>) src(%arg14 : memref<80x128xf32, #tpu.memory_space<vmem>>) dst(%dma_wait3A_134 : memref<80x128xf32, #tpu.memory_space<hbm>>)
      } else {
      }
      %scan3A_118 = arith.constant 0 : i32
      %scan3A_119 = arith.constant 80 : i32
      %scan3A_120 = arith.addi %scan3A_118, %scan3A_119 : i32
      %scan3A_121 = arith.constant 1 : i32
      scf.for %scan3A_131 = %scan3A_118 to %scan3A_120 step %scan3A_121  : i32 {
        %mul3A_132 = arith.constant 1 : i32
        %mul3A_133 = arith.muli %scan3A_131, %mul3A_132 : i32
        %add3A_134 = arith.constant 0 : i32
        %add3A_135 = arith.addi %add3A_134, %mul3A_133 : i32
        %get3A = arith.index_cast %add3A_135 : i32 to index
        %get3A_136 = arith.constant 0 : index
        %get3A_137 = tpu.vector_load %arg10[%get3A, %get3A_136] {strides = array<i32>} : memref<80x128xf32, #tpu.memory_space<vmem>>, vector<1x16xf32>,
        %get3A_138 = vector.shape_cast %get3A_137 : vector<1x16xf32> to vector<1x16xf32>
        %get3A_139 = arith.index_cast %add3A_135 : i32 to index
        %get3A_140 = arith.constant 0 : index
        %get3A_141 = tpu.vector_load %arg12[%get3A_139, %get3A_140] {strides = array<i32>} : memref<80x128xf32, #tpu.memory_space<vmem>>, vector<1x16xf32>,
        %get3A_142 = vector.shape_cast %get3A_141 : vector<1x16xf32> to vector<1x16xf32>
        %add3A_143 = arith.addf %get3A_138, %get3A_142 : vector<1x16xf32>
        %swap3A = arith.index_cast %add3A_135 : i32 to index
        %swap3A_144 = arith.constant 0 : index
        %swap3A_145 = tpu.vector_load %arg14[%swap3A, %swap3A_144] {strides = array<i32>} : memref<80x128xf32, #tpu.memory_space<vmem>>, vector<1x16xf32>,
        %swap3A_146 = vector.shape_cast %swap3A_145 : vector<1x16xf32> to vector<1x16xf32>
        %swap3A_147 = vector.shape_cast %add3A_143 : vector<1x16xf32> to vector<1x16xf32>
        tpu.vector_store %arg14[%swap3A, %swap3A_144], %swap3A_147 {strides = array<i32>} : memref<80x128xf32, #tpu.memory_space<vmem>>, vector<1x16xf32>,
        %get3A_148 = arith.index_cast %add3A_135 : i32 to index
        %get3A_149 = arith.constant 16 : index
        %get3A_150 = tpu.vector_load %arg10[%get3A_148, %get3A_149] {strides = array<i32>} : memref<80x128xf32, #tpu.memory_space<vmem>>, vector<1x16xf32>,
        %get3A_151 = vector.shape_cast %get3A_150 : vector<1x16xf32> to vector<1x16xf32>
        %get3A_152 = arith.index_cast %add3A_135 : i32 to index
        %get3A_153 = arith.constant 16 : index
        %get3A_154 = tpu.vector_load %arg12[%get3A_152, %get3A_153] {strides = array<i32>} : memref<80x128xf32, #tpu.memory_space<vmem>>, vector<1x16xf32>,
        %get3A_155 = vector.shape_cast %get3A_154 : vector<1x16xf32> to vector<1x16xf32>
        %add3A_156 = arith.addf %get3A_151, %get3A_155 : vector<1x16xf32>
        %swap3A_157 = arith.index_cast %add3A_135 : i32 to index
        %swap3A_158 = arith.constant 16 : index
        %swap3A_159 = tpu.vector_load %arg14[%swap3A_157, %swap3A_158] {strides = array<i32>} : memref<80x128xf32, #tpu.memory_space<vmem>>, vector<1x16xf32>,
        %swap3A_160 = vector.shape_cast %swap3A_159 : vector<1x16xf32> to vector<1x16xf32>
        %swap3A_161 = vector.shape_cast %add3A_156 : vector<1x16xf32> to vector<1x16xf32>
        tpu.vector_store %arg14[%swap3A_157, %swap3A_158], %swap3A_161 {strides = array<i32>} : memref<80x128xf32, #tpu.memory_space<vmem>>, vector<1x16xf32>,
        %get3A_162 = arith.index_cast %add3A_135 : i32 to index
        %get3A_163 = arith.constant 32 : index
        %get3A_164 = tpu.vector_load %arg10[%get3A_162, %get3A_163] {strides = array<i32>} : memref<80x128xf32, #tpu.memory_space<vmem>>, vector<1x16xf32>,
        %get3A_165 = vector.shape_cast %get3A_164 : vector<1x16xf32> to vector<1x16xf32>
        %get3A_166 = arith.index_cast %add3A_135 : i32 to index
        %get3A_167 = arith.constant 32 : index
        %get3A_168 = tpu.vector_load %arg12[%get3A_166, %get3A_167] {strides = array<i32>} : memref<80x128xf32, #tpu.memory_space<vmem>>, vector<1x16xf32>,
        %get3A_169 = vector.shape_cast %get3A_168 : vector<1x16xf32> to vector<1x16xf32>
        %add3A_170 = arith.addf %get3A_165, %get3A_169 : vector<1x16xf32>
        %swap3A_171 = arith.index_cast %add3A_135 : i32 to index
        %swap3A_172 = arith.constant 32 : index
        %swap3A_173 = tpu.vector_load %arg14[%swap3A_171, %swap3A_172] {strides = array<i32>} : memref<80x128xf32, #tpu.memory_space<vmem>>, vector<1x16xf32>,
        %swap3A_174 = vector.shape_cast %swap3A_173 : vector<1x16xf32> to vector<1x16xf32>
        %swap3A_175 = vector.shape_cast %add3A_170 : vector<1x16xf32> to vector<1x16xf32>
        tpu.vector_store %arg14[%swap3A_171, %swap3A_172], %swap3A_175 {strides = array<i32>} : memref<80x128xf32, #tpu.memory_space<vmem>>, vector<1x16xf32>,
        %get3A_176 = arith.index_cast %add3A_135 : i32 to index
        %get3A_177 = arith.constant 48 : index
        %get3A_178 = tpu.vector_load %arg10[%get3A_176, %get3A_177] {strides = array<i32>} : memref<80x128xf32, #tpu.memory_space<vmem>>, vector<1x16xf32>,
        %get3A_179 = vector.shape_cast %get3A_178 : vector<1x16xf32> to vector<1x16xf32>
        %get3A_180 = arith.index_cast %add3A_135 : i32 to index
        %get3A_181 = arith.constant 48 : index
        %get3A_182 = tpu.vector_load %arg12[%get3A_180, %get3A_181] {strides = array<i32>} : memref<80x128xf32, #tpu.memory_space<vmem>>, vector<1x16xf32>,
        %get3A_183 = vector.shape_cast %get3A_182 : vector<1x16xf32> to vector<1x16xf32>
        %add3A_184 = arith.addf %get3A_179, %get3A_183 : vector<1x16xf32>
        %swap3A_185 = arith.index_cast %add3A_135 : i32 to index
        %swap3A_186 = arith.constant 48 : index
        %swap3A_187 = tpu.vector_load %arg14[%swap3A_185, %swap3A_186] {strides = array<i32>} : memref<80x128xf32, #tpu.memory_space<vmem>>, vector<1x16xf32>,
        %swap3A_188 = vector.shape_cast %swap3A_187 : vector<1x16xf32> to vector<1x16xf32>
        %swap3A_189 = vector.shape_cast %add3A_184 : vector<1x16xf32> to vector<1x16xf32>
        tpu.vector_store %arg14[%swap3A_185, %swap3A_186], %swap3A_189 {strides = array<i32>} : memref<80x128xf32, #tpu.memory_space<vmem>>, vector<1x16xf32>,
        %get3A_190 = arith.index_cast %add3A_135 : i32 to index
        %get3A_191 = arith.constant 64 : index
        %get3A_192 = tpu.vector_load %arg10[%get3A_190, %get3A_191] {strides = array<i32>} : memref<80x128xf32, #tpu.memory_space<vmem>>, vector<1x16xf32>,
        %get3A_193 = vector.shape_cast %get3A_192 : vector<1x16xf32> to vector<1x16xf32>
        %get3A_194 = arith.index_cast %add3A_135 : i32 to index
        %get3A_195 = arith.constant 64 : index
        %get3A_196 = tpu.vector_load %arg12[%get3A_194, %get3A_195] {strides = array<i32>} : memref<80x128xf32, #tpu.memory_space<vmem>>, vector<1x16xf32>,
        %get3A_197 = vector.shape_cast %get3A_196 : vector<1x16xf32> to vector<1x16xf32>
        %add3A_198 = arith.addf %get3A_193, %get3A_197 : vector<1x16xf32>
        %swap3A_199 = arith.index_cast %add3A_135 : i32 to index
        %swap3A_200 = arith.constant 64 : index
        %swap3A_201 = tpu.vector_load %arg14[%swap3A_199, %swap3A_200] {strides = array<i32>} : memref<80x128xf32, #tpu.memory_space<vmem>>, vector<1x16xf32>,
        %swap3A_202 = vector.shape_cast %swap3A_201 : vector<1x16xf32> to vector<1x16xf32>
        %swap3A_203 = vector.shape_cast %add3A_198 : vector<1x16xf32> to vector<1x16xf32>
        tpu.vector_store %arg14[%swap3A_199, %swap3A_200], %swap3A_203 {strides = array<i32>} : memref<80x128xf32, #tpu.memory_space<vmem>>, vector<1x16xf32>,
        %get3A_204 = arith.index_cast %add3A_135 : i32 to index
        %get3A_205 = arith.constant 80 : index
        %get3A_206 = tpu.vector_load %arg10[%get3A_204, %get3A_205] {strides = array<i32>} : memref<80x128xf32, #tpu.memory_space<vmem>>, vector<1x16xf32>,
        %get3A_207 = vector.shape_cast %get3A_206 : vector<1x16xf32> to vector<1x16xf32>
        %get3A_208 = arith.index_cast %add3A_135 : i32 to index
        %get3A_209 = arith.constant 80 : index
        %get3A_210 = tpu.vector_load %arg12[%get3A_208, %get3A_209] {strides = array<i32>} : memref<80x128xf32, #tpu.memory_space<vmem>>, vector<1x16xf32>,
        %get3A_211 = vector.shape_cast %get3A_210 : vector<1x16xf32> to vector<1x16xf32>
        %add3A_212 = arith.addf %get3A_207, %get3A_211 : vector<1x16xf32>
        %swap3A_213 = arith.index_cast %add3A_135 : i32 to index
        %swap3A_214 = arith.constant 80 : index
        %swap3A_215 = tpu.vector_load %arg14[%swap3A_213, %swap3A_214] {strides = array<i32>} : memref<80x128xf32, #tpu.memory_space<vmem>>, vector<1x16xf32>,
        %swap3A_216 = vector.shape_cast %swap3A_215 : vector<1x16xf32> to vector<1x16xf32>
        %swap3A_217 = vector.shape_cast %add3A_212 : vector<1x16xf32> to vector<1x16xf32>
        tpu.vector_store %arg14[%swap3A_213, %swap3A_214], %swap3A_217 {strides = array<i32>} : memref<80x128xf32, #tpu.memory_space<vmem>>, vector<1x16xf32>,
        %get3A_218 = arith.index_cast %add3A_135 : i32 to index
        %get3A_219 = arith.constant 96 : index
        %get3A_220 = tpu.vector_load %arg10[%get3A_218, %get3A_219] {strides = array<i32>} : memref<80x128xf32, #tpu.memory_space<vmem>>, vector<1x16xf32>,
        %get3A_221 = vector.shape_cast %get3A_220 : vector<1x16xf32> to vector<1x16xf32>
        %get3A_222 = arith.index_cast %add3A_135 : i32 to index
        %get3A_223 = arith.constant 96 : index
        %get3A_224 = tpu.vector_load %arg12[%get3A_222, %get3A_223] {strides = array<i32>} : memref<80x128xf32, #tpu.memory_space<vmem>>, vector<1x16xf32>,
        %get3A_225 = vector.shape_cast %get3A_224 : vector<1x16xf32> to vector<1x16xf32>
        %add3A_226 = arith.addf %get3A_221, %get3A_225 : vector<1x16xf32>
        %swap3A_227 = arith.index_cast %add3A_135 : i32 to index
        %swap3A_228 = arith.constant 96 : index
        %swap3A_229 = tpu.vector_load %arg14[%swap3A_227, %swap3A_228] {strides = array<i32>} : memref<80x128xf32, #tpu.memory_space<vmem>>, vector<1x16xf32>,
        %swap3A_230 = vector.shape_cast %swap3A_229 : vector<1x16xf32> to vector<1x16xf32>
        %swap3A_231 = vector.shape_cast %add3A_226 : vector<1x16xf32> to vector<1x16xf32>
        tpu.vector_store %arg14[%swap3A_227, %swap3A_228], %swap3A_231 {strides = array<i32>} : memref<80x128xf32, #tpu.memory_space<vmem>>, vector<1x16xf32>,
        %get3A_232 = arith.index_cast %add3A_135 : i32 to index
        %get3A_233 = arith.constant 112 : index
        %get3A_234 = tpu.vector_load %arg10[%get3A_232, %get3A_233] {strides = array<i32>} : memref<80x128xf32, #tpu.memory_space<vmem>>, vector<1x16xf32>,
        %get3A_235 = vector.shape_cast %get3A_234 : vector<1x16xf32> to vector<1x16xf32>
        %get3A_236 = arith.index_cast %add3A_135 : i32 to index
        %get3A_237 = arith.constant 112 : index
        %get3A_238 = tpu.vector_load %arg12[%get3A_236, %get3A_237] {strides = array<i32>} : memref<80x128xf32, #tpu.memory_space<vmem>>, vector<1x16xf32>,
        %get3A_239 = vector.shape_cast %get3A_238 : vector<1x16xf32> to vector<1x16xf32>
        %add3A_240 = arith.addf %get3A_235, %get3A_239 : vector<1x16xf32>
        %swap3A_241 = arith.index_cast %add3A_135 : i32 to index
        %swap3A_242 = arith.constant 112 : index
        %swap3A_243 = tpu.vector_load %arg14[%swap3A_241, %swap3A_242] {strides = array<i32>} : memref<80x128xf32, #tpu.memory_space<vmem>>, vector<1x16xf32>,
        %swap3A_244 = vector.shape_cast %swap3A_243 : vector<1x16xf32> to vector<1x16xf32>
        %swap3A_245 = vector.shape_cast %add3A_240 : vector<1x16xf32> to vector<1x16xf32>
        tpu.vector_store %arg14[%swap3A_241, %swap3A_242], %swap3A_245 {strides = array<i32>} : memref<80x128xf32, #tpu.memory_space<vmem>>, vector<1x16xf32>,
      }
      %scan3A_122 = arith.constant 80 : i32
      %mul3A_123 = arith.constant 80 : i32
      %mul3A_124 = arith.muli %add3A_102, %mul3A_123 : i32
      %add3A_125 = arith.addi %multiple_of3A, %mul3A_124 : i32
      %multiple_of3A_126 = tpu.assume_multiple %add3A_125, 8 : i32
      %dma_start3A_127 = arith.constant 0 : i32
      %dma_start3A_128 = tpu.memref_slice %arg6[%multiple_of3A_126, %dma_start3A_127] : memref<320000x128xf32, #tpu.memory_space<hbm>> -> memref<80x128xf32, #tpu.memory_space<hbm>>
      %dma_start3A_129 = arith.constant 0 : i32
      %dma_start3A_130 = tpu.memref_slice %arg6[%multiple_of3A_126, %dma_start3A_129] : memref<320000x128xf32, #tpu.memory_space<hbm>> -> memref<80x128xf32, #tpu.memory_space<hbm>>
      tpu.enqueue_dma source(%arg14 : memref<80x128xf32, #tpu.memory_space<vmem>>) target(%dma_start3A_130 : memref<80x128xf32, #tpu.memory_space<hbm>>) target_semaphore(%arg22 : memref<!tpu.dma_semaphore, #tpu.memory_space<semaphore_mem>>)
    }
    %scan3A_15 = arith.constant 62 : i32
    %dma_wait3A = arith.constant 0 : i32
    %dma_wait3A_16 = tpu.memref_slice %arg7[%dma_wait3A] : memref<10000xi32, #tpu.memory_space<vmem>> -> memref<80xi32, #tpu.memory_space<vmem>>
    %dma_wait3A_17 = arith.constant 0 : i32
    %dma_wait3A_18 = arith.constant 0 : i32
    %dma_wait3A_19 = tpu.memref_slice %arg2[%dma_wait3A_17, %dma_wait3A_18] : memref<10000x128xf32, #tpu.memory_space<hbm>> -> memref<10000x128xf32, #tpu.memory_space<hbm>>
    tpu.wait_indirect_dma semaphore(%arg17 : memref<!tpu.dma_semaphore, #tpu.memory_space<semaphore_mem>>) src(%dma_wait3A_19 : memref<10000x128xf32, #tpu.memory_space<hbm>>) dst(%arg9 : memref<80x128xf32, #tpu.memory_space<vmem>>)
    %dma_wait3A_20 = arith.constant 0 : i32
    %dma_wait3A_21 = tpu.memref_slice %arg8[%dma_wait3A_20] : memref<10000xi32, #tpu.memory_space<vmem>> -> memref<80xi32, #tpu.memory_space<vmem>>
    %dma_wait3A_22 = arith.constant 0 : i32
    %dma_wait3A_23 = arith.constant 0 : i32
    %dma_wait3A_24 = tpu.memref_slice %arg3[%dma_wait3A_22, %dma_wait3A_23] : memref<10000x128xf32, #tpu.memory_space<hbm>> -> memref<10000x128xf32, #tpu.memory_space<hbm>>
    tpu.wait_indirect_dma semaphore(%arg19 : memref<!tpu.dma_semaphore, #tpu.memory_space<semaphore_mem>>) src(%dma_wait3A_24 : memref<10000x128xf32, #tpu.memory_space<hbm>>) dst(%arg11 : memref<80x128xf32, #tpu.memory_space<vmem>>)
    %cond3A = arith.constant 1 : i32
    %dma_wait3A_25 = arith.constant 0 : i32
    %dma_wait3A_26 = tpu.memref_slice %arg6[%multiple_of3A, %dma_wait3A_25] : memref<320000x128xf32, #tpu.memory_space<hbm>> -> memref<80x128xf32, #tpu.memory_space<hbm>>
    %dma_wait3A_27 = arith.constant 0 : i32
    %dma_wait3A_28 = tpu.memref_slice %arg6[%multiple_of3A, %dma_wait3A_27] : memref<320000x128xf32, #tpu.memory_space<hbm>> -> memref<80x128xf32, #tpu.memory_space<hbm>>
    tpu.wait_dma2 semaphore(%arg21 : memref<!tpu.dma_semaphore, #tpu.memory_space<semaphore_mem>>) src(%arg13 : memref<80x128xf32, #tpu.memory_space<vmem>>) dst(%dma_wait3A_28 : memref<80x128xf32, #tpu.memory_space<hbm>>)
    %scan3A_29 = arith.constant 0 : i32
    %scan3A_30 = arith.constant 80 : i32
    %scan3A_31 = arith.addi %scan3A_29, %scan3A_30 : i32
    %scan3A_32 = arith.constant 1 : i32
    scf.for %scan3A_49 = %scan3A_29 to %scan3A_31 step %scan3A_32  : i32 {
      %mul3A_50 = arith.constant 1 : i32
      %mul3A_51 = arith.muli %scan3A_49, %mul3A_50 : i32
      %add3A_52 = arith.constant 0 : i32
      %add3A_53 = arith.addi %add3A_52, %mul3A_51 : i32
      %get3A = arith.index_cast %add3A_53 : i32 to index
      %get3A_54 = arith.constant 0 : index
      %get3A_55 = tpu.vector_load %arg9[%get3A, %get3A_54] {strides = array<i32>} : memref<80x128xf32, #tpu.memory_space<vmem>>, vector<1x16xf32>,
      %get3A_56 = vector.shape_cast %get3A_55 : vector<1x16xf32> to vector<1x16xf32>
      %get3A_57 = arith.index_cast %add3A_53 : i32 to index
      %get3A_58 = arith.constant 0 : index
      %get3A_59 = tpu.vector_load %arg11[%get3A_57, %get3A_58] {strides = array<i32>} : memref<80x128xf32, #tpu.memory_space<vmem>>, vector<1x16xf32>,
      %get3A_60 = vector.shape_cast %get3A_59 : vector<1x16xf32> to vector<1x16xf32>
      %add3A_61 = arith.addf %get3A_56, %get3A_60 : vector<1x16xf32>
      %swap3A = arith.index_cast %add3A_53 : i32 to index
      %swap3A_62 = arith.constant 0 : index
      %swap3A_63 = tpu.vector_load %arg13[%swap3A, %swap3A_62] {strides = array<i32>} : memref<80x128xf32, #tpu.memory_space<vmem>>, vector<1x16xf32>,
      %swap3A_64 = vector.shape_cast %swap3A_63 : vector<1x16xf32> to vector<1x16xf32>
      %swap3A_65 = vector.shape_cast %add3A_61 : vector<1x16xf32> to vector<1x16xf32>
      tpu.vector_store %arg13[%swap3A, %swap3A_62], %swap3A_65 {strides = array<i32>} : memref<80x128xf32, #tpu.memory_space<vmem>>, vector<1x16xf32>,
      %get3A_66 = arith.index_cast %add3A_53 : i32 to index
      %get3A_67 = arith.constant 16 : index
      %get3A_68 = tpu.vector_load %arg9[%get3A_66, %get3A_67] {strides = array<i32>} : memref<80x128xf32, #tpu.memory_space<vmem>>, vector<1x16xf32>,
      %get3A_69 = vector.shape_cast %get3A_68 : vector<1x16xf32> to vector<1x16xf32>
      %get3A_70 = arith.index_cast %add3A_53 : i32 to index
      %get3A_71 = arith.constant 16 : index
      %get3A_72 = tpu.vector_load %arg11[%get3A_70, %get3A_71] {strides = array<i32>} : memref<80x128xf32, #tpu.memory_space<vmem>>, vector<1x16xf32>,
      %get3A_73 = vector.shape_cast %get3A_72 : vector<1x16xf32> to vector<1x16xf32>
      %add3A_74 = arith.addf %get3A_69, %get3A_73 : vector<1x16xf32>
      %swap3A_75 = arith.index_cast %add3A_53 : i32 to index
      %swap3A_76 = arith.constant 16 : index
      %swap3A_77 = tpu.vector_load %arg13[%swap3A_75, %swap3A_76] {strides = array<i32>} : memref<80x128xf32, #tpu.memory_space<vmem>>, vector<1x16xf32>,
      %swap3A_78 = vector.shape_cast %swap3A_77 : vector<1x16xf32> to vector<1x16xf32>
      %swap3A_79 = vector.shape_cast %add3A_74 : vector<1x16xf32> to vector<1x16xf32>
      tpu.vector_store %arg13[%swap3A_75, %swap3A_76], %swap3A_79 {strides = array<i32>} : memref<80x128xf32, #tpu.memory_space<vmem>>, vector<1x16xf32>,
      %get3A_80 = arith.index_cast %add3A_53 : i32 to index
      %get3A_81 = arith.constant 32 : index
      %get3A_82 = tpu.vector_load %arg9[%get3A_80, %get3A_81] {strides = array<i32>} : memref<80x128xf32, #tpu.memory_space<vmem>>, vector<1x16xf32>,
      %get3A_83 = vector.shape_cast %get3A_82 : vector<1x16xf32> to vector<1x16xf32>
      %get3A_84 = arith.index_cast %add3A_53 : i32 to index
      %get3A_85 = arith.constant 32 : index
      %get3A_86 = tpu.vector_load %arg11[%get3A_84, %get3A_85] {strides = array<i32>} : memref<80x128xf32, #tpu.memory_space<vmem>>, vector<1x16xf32>,
      %get3A_87 = vector.shape_cast %get3A_86 : vector<1x16xf32> to vector<1x16xf32>
      %add3A_88 = arith.addf %get3A_83, %get3A_87 : vector<1x16xf32>
      %swap3A_89 = arith.index_cast %add3A_53 : i32 to index
      %swap3A_90 = arith.constant 32 : index
      %swap3A_91 = tpu.vector_load %arg13[%swap3A_89, %swap3A_90] {strides = array<i32>} : memref<80x128xf32, #tpu.memory_space<vmem>>, vector<1x16xf32>,
      %swap3A_92 = vector.shape_cast %swap3A_91 : vector<1x16xf32> to vector<1x16xf32>
      %swap3A_93 = vector.shape_cast %add3A_88 : vector<1x16xf32> to vector<1x16xf32>
      tpu.vector_store %arg13[%swap3A_89, %swap3A_90], %swap3A_93 {strides = array<i32>} : memref<80x128xf32, #tpu.memory_space<vmem>>, vector<1x16xf32>,
      %get3A_94 = arith.index_cast %add3A_53 : i32 to index
      %get3A_95 = arith.constant 48 : index
      %get3A_96 = tpu.vector_load %arg9[%get3A_94, %get3A_95] {strides = array<i32>} : memref<80x128xf32, #tpu.memory_space<vmem>>, vector<1x16xf32>,
      %get3A_97 = vector.shape_cast %get3A_96 : vector<1x16xf32> to vector<1x16xf32>
      %get3A_98 = arith.index_cast %add3A_53 : i32 to index
      %get3A_99 = arith.constant 48 : index
      %get3A_100 = tpu.vector_load %arg11[%get3A_98, %get3A_99] {strides = array<i32>} : memref<80x128xf32, #tpu.memory_space<vmem>>, vector<1x16xf32>,
      %get3A_101 = vector.shape_cast %get3A_100 : vector<1x16xf32> to vector<1x16xf32>
      %add3A_102 = arith.addf %get3A_97, %get3A_101 : vector<1x16xf32>
      %swap3A_103 = arith.index_cast %add3A_53 : i32 to index
      %swap3A_104 = arith.constant 48 : index
      %swap3A_105 = tpu.vector_load %arg13[%swap3A_103, %swap3A_104] {strides = array<i32>} : memref<80x128xf32, #tpu.memory_space<vmem>>, vector<1x16xf32>,
      %swap3A_106 = vector.shape_cast %swap3A_105 : vector<1x16xf32> to vector<1x16xf32>
      %swap3A_107 = vector.shape_cast %add3A_102 : vector<1x16xf32> to vector<1x16xf32>
      tpu.vector_store %arg13[%swap3A_103, %swap3A_104], %swap3A_107 {strides = array<i32>} : memref<80x128xf32, #tpu.memory_space<vmem>>, vector<1x16xf32>,
      %get3A_108 = arith.index_cast %add3A_53 : i32 to index
      %get3A_109 = arith.constant 64 : index
      %get3A_110 = tpu.vector_load %arg9[%get3A_108, %get3A_109] {strides = array<i32>} : memref<80x128xf32, #tpu.memory_space<vmem>>, vector<1x16xf32>,
      %get3A_111 = vector.shape_cast %get3A_110 : vector<1x16xf32> to vector<1x16xf32>
      %get3A_112 = arith.index_cast %add3A_53 : i32 to index
      %get3A_113 = arith.constant 64 : index
      %get3A_114 = tpu.vector_load %arg11[%get3A_112, %get3A_113] {strides = array<i32>} : memref<80x128xf32, #tpu.memory_space<vmem>>, vector<1x16xf32>,
      %get3A_115 = vector.shape_cast %get3A_114 : vector<1x16xf32> to vector<1x16xf32>
      %add3A_116 = arith.addf %get3A_111, %get3A_115 : vector<1x16xf32>
      %swap3A_117 = arith.index_cast %add3A_53 : i32 to index
      %swap3A_118 = arith.constant 64 : index
      %swap3A_119 = tpu.vector_load %arg13[%swap3A_117, %swap3A_118] {strides = array<i32>} : memref<80x128xf32, #tpu.memory_space<vmem>>, vector<1x16xf32>,
      %swap3A_120 = vector.shape_cast %swap3A_119 : vector<1x16xf32> to vector<1x16xf32>
      %swap3A_121 = vector.shape_cast %add3A_116 : vector<1x16xf32> to vector<1x16xf32>
      tpu.vector_store %arg13[%swap3A_117, %swap3A_118], %swap3A_121 {strides = array<i32>} : memref<80x128xf32, #tpu.memory_space<vmem>>, vector<1x16xf32>,
      %get3A_122 = arith.index_cast %add3A_53 : i32 to index
      %get3A_123 = arith.constant 80 : index
      %get3A_124 = tpu.vector_load %arg9[%get3A_122, %get3A_123] {strides = array<i32>} : memref<80x128xf32, #tpu.memory_space<vmem>>, vector<1x16xf32>,
      %get3A_125 = vector.shape_cast %get3A_124 : vector<1x16xf32> to vector<1x16xf32>
      %get3A_126 = arith.index_cast %add3A_53 : i32 to index
      %get3A_127 = arith.constant 80 : index
      %get3A_128 = tpu.vector_load %arg11[%get3A_126, %get3A_127] {strides = array<i32>} : memref<80x128xf32, #tpu.memory_space<vmem>>, vector<1x16xf32>,
      %get3A_129 = vector.shape_cast %get3A_128 : vector<1x16xf32> to vector<1x16xf32>
      %add3A_130 = arith.addf %get3A_125, %get3A_129 : vector<1x16xf32>
      %swap3A_131 = arith.index_cast %add3A_53 : i32 to index
      %swap3A_132 = arith.constant 80 : index
      %swap3A_133 = tpu.vector_load %arg13[%swap3A_131, %swap3A_132] {strides = array<i32>} : memref<80x128xf32, #tpu.memory_space<vmem>>, vector<1x16xf32>,
      %swap3A_134 = vector.shape_cast %swap3A_133 : vector<1x16xf32> to vector<1x16xf32>
      %swap3A_135 = vector.shape_cast %add3A_130 : vector<1x16xf32> to vector<1x16xf32>
      tpu.vector_store %arg13[%swap3A_131, %swap3A_132], %swap3A_135 {strides = array<i32>} : memref<80x128xf32, #tpu.memory_space<vmem>>, vector<1x16xf32>,
      %get3A_136 = arith.index_cast %add3A_53 : i32 to index
      %get3A_137 = arith.constant 96 : index
      %get3A_138 = tpu.vector_load %arg9[%get3A_136, %get3A_137] {strides = array<i32>} : memref<80x128xf32, #tpu.memory_space<vmem>>, vector<1x16xf32>,
      %get3A_139 = vector.shape_cast %get3A_138 : vector<1x16xf32> to vector<1x16xf32>
      %get3A_140 = arith.index_cast %add3A_53 : i32 to index
      %get3A_141 = arith.constant 96 : index
      %get3A_142 = tpu.vector_load %arg11[%get3A_140, %get3A_141] {strides = array<i32>} : memref<80x128xf32, #tpu.memory_space<vmem>>, vector<1x16xf32>,
      %get3A_143 = vector.shape_cast %get3A_142 : vector<1x16xf32> to vector<1x16xf32>
      %add3A_144 = arith.addf %get3A_139, %get3A_143 : vector<1x16xf32>
      %swap3A_145 = arith.index_cast %add3A_53 : i32 to index
      %swap3A_146 = arith.constant 96 : index
      %swap3A_147 = tpu.vector_load %arg13[%swap3A_145, %swap3A_146] {strides = array<i32>} : memref<80x128xf32, #tpu.memory_space<vmem>>, vector<1x16xf32>,
      %swap3A_148 = vector.shape_cast %swap3A_147 : vector<1x16xf32> to vector<1x16xf32>
      %swap3A_149 = vector.shape_cast %add3A_144 : vector<1x16xf32> to vector<1x16xf32>
      tpu.vector_store %arg13[%swap3A_145, %swap3A_146], %swap3A_149 {strides = array<i32>} : memref<80x128xf32, #tpu.memory_space<vmem>>, vector<1x16xf32>,
      %get3A_150 = arith.index_cast %add3A_53 : i32 to index
      %get3A_151 = arith.constant 112 : index
      %get3A_152 = tpu.vector_load %arg9[%get3A_150, %get3A_151] {strides = array<i32>} : memref<80x128xf32, #tpu.memory_space<vmem>>, vector<1x16xf32>,
      %get3A_153 = vector.shape_cast %get3A_152 : vector<1x16xf32> to vector<1x16xf32>
      %get3A_154 = arith.index_cast %add3A_53 : i32 to index
      %get3A_155 = arith.constant 112 : index
      %get3A_156 = tpu.vector_load %arg11[%get3A_154, %get3A_155] {strides = array<i32>} : memref<80x128xf32, #tpu.memory_space<vmem>>, vector<1x16xf32>,
      %get3A_157 = vector.shape_cast %get3A_156 : vector<1x16xf32> to vector<1x16xf32>
      %add3A_158 = arith.addf %get3A_153, %get3A_157 : vector<1x16xf32>
      %swap3A_159 = arith.index_cast %add3A_53 : i32 to index
      %swap3A_160 = arith.constant 112 : index
      %swap3A_161 = tpu.vector_load %arg13[%swap3A_159, %swap3A_160] {strides = array<i32>} : memref<80x128xf32, #tpu.memory_space<vmem>>, vector<1x16xf32>,
      %swap3A_162 = vector.shape_cast %swap3A_161 : vector<1x16xf32> to vector<1x16xf32>
      %swap3A_163 = vector.shape_cast %add3A_158 : vector<1x16xf32> to vector<1x16xf32>
      tpu.vector_store %arg13[%swap3A_159, %swap3A_160], %swap3A_163 {strides = array<i32>} : memref<80x128xf32, #tpu.memory_space<vmem>>, vector<1x16xf32>,
    }
    %scan3A_33 = arith.constant 80 : i32
    %add3A_34 = arith.constant 9920 : i32
    %add3A_35 = arith.addi %multiple_of3A, %add3A_34 : i32
    %multiple_of3A_36 = tpu.assume_multiple %add3A_35, 8 : i32
    %dma_start3A_37 = arith.constant 0 : i32
    %dma_start3A_38 = tpu.memref_slice %arg6[%multiple_of3A_36, %dma_start3A_37] : memref<320000x128xf32, #tpu.memory_space<hbm>> -> memref<80x128xf32, #tpu.memory_space<hbm>>
    %dma_start3A_39 = arith.constant 0 : i32
    %dma_start3A_40 = tpu.memref_slice %arg6[%multiple_of3A_36, %dma_start3A_39] : memref<320000x128xf32, #tpu.memory_space<hbm>> -> memref<80x128xf32, #tpu.memory_space<hbm>>
    tpu.enqueue_dma source(%arg13 : memref<80x128xf32, #tpu.memory_space<vmem>>) target(%dma_start3A_40 : memref<80x128xf32, #tpu.memory_space<hbm>>) target_semaphore(%arg21 : memref<!tpu.dma_semaphore, #tpu.memory_space<semaphore_mem>>)
    %dma_wait3A_41 = arith.constant 0 : i32
    %dma_wait3A_42 = tpu.memref_slice %arg6[%multiple_of3A, %dma_wait3A_41] : memref<320000x128xf32, #tpu.memory_space<hbm>> -> memref<80x128xf32, #tpu.memory_space<hbm>>
    %dma_wait3A_43 = arith.constant 0 : i32
    %dma_wait3A_44 = tpu.memref_slice %arg6[%multiple_of3A, %dma_wait3A_43] : memref<320000x128xf32, #tpu.memory_space<hbm>> -> memref<80x128xf32, #tpu.memory_space<hbm>>
    tpu.wait_dma2 semaphore(%arg22 : memref<!tpu.dma_semaphore, #tpu.memory_space<semaphore_mem>>) src(%arg14 : memref<80x128xf32, #tpu.memory_space<vmem>>) dst(%dma_wait3A_44 : memref<80x128xf32, #tpu.memory_space<hbm>>)
    %dma_wait3A_45 = arith.constant 0 : i32
    %dma_wait3A_46 = tpu.memref_slice %arg6[%multiple_of3A, %dma_wait3A_45] : memref<320000x128xf32, #tpu.memory_space<hbm>> -> memref<80x128xf32, #tpu.memory_space<hbm>>
    %dma_wait3A_47 = arith.constant 0 : i32
    %dma_wait3A_48 = tpu.memref_slice %arg6[%multiple_of3A, %dma_wait3A_47] : memref<320000x128xf32, #tpu.memory_space<hbm>> -> memref<80x128xf32, #tpu.memory_space<hbm>>
    tpu.wait_dma2 semaphore(%arg21 : memref<!tpu.dma_semaphore, #tpu.memory_space<semaphore_mem>>) src(%arg13 : memref<80x128xf32, #tpu.memory_space<vmem>>) dst(%dma_wait3A_48 : memref<80x128xf32, #tpu.memory_space<hbm>>)
    return
  }
}

module attributes {stable_mosaic.version = 14 : i64} {
  func.func @_tables_body(%arg0: i32, %arg1: memref<2000x128xf32, #tpu.memory_space<vmem>>, %arg2: memref<128x128xf32, #tpu.memory_space<vmem>>, %arg3: memref<128x128xf32, #tpu.memory_space<vmem>>, %arg4: memref<128x16xf32, #tpu.memory_space<vmem>>, %arg5: memref<128x16xf32, #tpu.memory_space<vmem>>, %arg6: memref<1x128xf32, #tpu.memory_space<vmem>>, %arg7: memref<1x16xf32, #tpu.memory_space<vmem>>, %arg8: memref<2000x128xf32, #tpu.memory_space<vmem>>, %arg9: memref<2000x128xf32, #tpu.memory_space<vmem>>, %arg10: memref<2000x16xf32, #tpu.memory_space<vmem>>, %arg11: memref<2000x16xf32, #tpu.memory_space<vmem>>) attributes {dimension_semantics = [#tpu.dimension_semantics<arbitrary>], iteration_bounds = array<i64: 5>, scalar_prefetch = 0 : i64, scratch_operands = 0 : i64, tpu.core_type = #tpu.core_type<tc>, window_params = [{transform_indices = @transform_0, window_bounds = array<i64: 2000, 128>}, {pipeline_mode = #tpu.pipeline_mode<synchronous>, transform_indices = @transform_1, window_bounds = array<i64: 128, 128>}, {pipeline_mode = #tpu.pipeline_mode<synchronous>, transform_indices = @transform_2, window_bounds = array<i64: 128, 128>}, {pipeline_mode = #tpu.pipeline_mode<synchronous>, transform_indices = @transform_3, window_bounds = array<i64: 128, 16>}, {pipeline_mode = #tpu.pipeline_mode<synchronous>, transform_indices = @transform_4, window_bounds = array<i64: 128, 16>}, {pipeline_mode = #tpu.pipeline_mode<synchronous>, transform_indices = @transform_5, window_bounds = array<i64: 1, 128>}, {pipeline_mode = #tpu.pipeline_mode<synchronous>, transform_indices = @transform_6, window_bounds = array<i64: 1, 16>}, {transform_indices = @transform_7, window_bounds = array<i64: 2000, 128>}, {transform_indices = @transform_8, window_bounds = array<i64: 2000, 128>}, {transform_indices = @transform_9, window_bounds = array<i64: 2000, 16>}, {transform_indices = @transform_10, window_bounds = array<i64: 2000, 16>}]} {
    %get3A = arith.constant 0 : index
    %get3A_0 = arith.constant 0 : index
    %get3A_1 = vector.load %arg1[%get3A, %get3A_0] : memref<2000x128xf32, #tpu.memory_space<vmem>>, vector<2000x128xf32>
    %get3A_2 = arith.constant 0 : index
    %get3A_3 = arith.constant 0 : index
    %get3A_4 = vector.load %arg2[%get3A_2, %get3A_3] : memref<128x128xf32, #tpu.memory_space<vmem>>, vector<128x128xf32>
    %dot_general3A = arith.constant dense<0.000000e+00> : vector<2000x128xf32>
    %dot_general3A_5 = tpu.matmul %get3A_1, %get3A_4, %dot_general3A {dimension_numbers = #tpu.dot_dimension_numbers<[1], [0], [0], [1], [0, 0, 1, 1], [], []>, transpose_lhs_hint = false} : vector<2000x128xf32>, vector<128x128xf32>, vector<2000x128xf32> -> vector<2000x128xf32>
    %get3A_6 = arith.constant 0 : index
    %get3A_7 = arith.constant 0 : index
    %get3A_8 = vector.load %arg6[%get3A_6, %get3A_7] : memref<1x128xf32, #tpu.memory_space<vmem>>, vector<1x128xf32>
    %add3A = vector.broadcast %get3A_8 : vector<1x128xf32> to vector<2000x128xf32>
    %add3A_9 = arith.addf %dot_general3A_5, %add3A : vector<2000x128xf32>
    %swap3A = arith.constant 0 : index
    %swap3A_10 = arith.constant 0 : index
    %swap3A_11 = vector.load %arg8[%swap3A, %swap3A_10] : memref<2000x128xf32, #tpu.memory_space<vmem>>, vector<2000x128xf32>
    tpu.vector_store %arg8[%swap3A, %swap3A_10], %add3A_9 {strides = array<i32>} : memref<2000x128xf32, #tpu.memory_space<vmem>>, vector<2000x128xf32>,
    %get3A_12 = arith.constant 0 : index
    %get3A_13 = arith.constant 0 : index
    %get3A_14 = vector.load %arg3[%get3A_12, %get3A_13] : memref<128x128xf32, #tpu.memory_space<vmem>>, vector<128x128xf32>
    %dot_general3A_15 = arith.constant dense<0.000000e+00> : vector<2000x128xf32>
    %dot_general3A_16 = tpu.matmul %get3A_1, %get3A_14, %dot_general3A_15 {dimension_numbers = #tpu.dot_dimension_numbers<[1], [0], [0], [1], [0, 0, 1, 1], [], []>, transpose_lhs_hint = false} : vector<2000x128xf32>, vector<128x128xf32>, vector<2000x128xf32> -> vector<2000x128xf32>
    %swap3A_17 = arith.constant 0 : index
    %swap3A_18 = arith.constant 0 : index
    %swap3A_19 = vector.load %arg9[%swap3A_17, %swap3A_18] : memref<2000x128xf32, #tpu.memory_space<vmem>>, vector<2000x128xf32>
    tpu.vector_store %arg9[%swap3A_17, %swap3A_18], %dot_general3A_16 {strides = array<i32>} : memref<2000x128xf32, #tpu.memory_space<vmem>>, vector<2000x128xf32>,
    %get3A_20 = arith.constant 0 : index
    %get3A_21 = arith.constant 0 : index
    %get3A_22 = vector.load %arg4[%get3A_20, %get3A_21] : memref<128x16xf32, #tpu.memory_space<vmem>>, vector<128x16xf32>
    %dot_general3A_23 = arith.constant dense<0.000000e+00> : vector<2000x16xf32>
    %dot_general3A_24 = tpu.matmul %get3A_1, %get3A_22, %dot_general3A_23 {dimension_numbers = #tpu.dot_dimension_numbers<[1], [0], [0], [1], [0, 0, 1, 1], [], []>, transpose_lhs_hint = false} : vector<2000x128xf32>, vector<128x16xf32>, vector<2000x16xf32> -> vector<2000x16xf32>
    %get3A_25 = arith.constant 0 : index
    %get3A_26 = arith.constant 0 : index
    %get3A_27 = vector.load %arg7[%get3A_25, %get3A_26] : memref<1x16xf32, #tpu.memory_space<vmem>>, vector<1x16xf32>
    %add3A_28 = vector.broadcast %get3A_27 : vector<1x16xf32> to vector<2000x16xf32>
    %add3A_29 = arith.addf %dot_general3A_24, %add3A_28 : vector<2000x16xf32>
    %swap3A_30 = arith.constant 0 : index
    %swap3A_31 = arith.constant 0 : index
    %swap3A_32 = vector.load %arg10[%swap3A_30, %swap3A_31] : memref<2000x16xf32, #tpu.memory_space<vmem>>, vector<2000x16xf32>
    tpu.vector_store %arg10[%swap3A_30, %swap3A_31], %add3A_29 {strides = array<i32>} : memref<2000x16xf32, #tpu.memory_space<vmem>>, vector<2000x16xf32>,
    %get3A_33 = arith.constant 0 : index
    %get3A_34 = arith.constant 0 : index
    %get3A_35 = vector.load %arg5[%get3A_33, %get3A_34] : memref<128x16xf32, #tpu.memory_space<vmem>>, vector<128x16xf32>
    %dot_general3A_36 = arith.constant dense<0.000000e+00> : vector<2000x16xf32>
    %dot_general3A_37 = tpu.matmul %get3A_1, %get3A_35, %dot_general3A_36 {dimension_numbers = #tpu.dot_dimension_numbers<[1], [0], [0], [1], [0, 0, 1, 1], [], []>, transpose_lhs_hint = false} : vector<2000x128xf32>, vector<128x16xf32>, vector<2000x16xf32> -> vector<2000x16xf32>
    %swap3A_38 = arith.constant 0 : index
    %swap3A_39 = arith.constant 0 : index
    %swap3A_40 = vector.load %arg11[%swap3A_38, %swap3A_39] : memref<2000x16xf32, #tpu.memory_space<vmem>>, vector<2000x16xf32>
    tpu.vector_store %arg11[%swap3A_38, %swap3A_39], %dot_general3A_37 {strides = array<i32>} : memref<2000x16xf32, #tpu.memory_space<vmem>>, vector<2000x16xf32>,
    return
  }
  func.func @transform_0(%arg0: i32) -> (i32, i32) {
    %c0_i32 = arith.constant 0 : i32
    %c0_i32_0 = arith.constant 0 : i32
    return %arg0, %c0_i32 : i32, i32
  }
  func.func @transform_1(%arg0: i32) -> (i32, i32) {
    %c0_i32 = arith.constant 0 : i32
    %c0_i32_0 = arith.constant 0 : i32
    %c0_i32_1 = arith.constant 0 : i32
    return %c0_i32, %c0_i32_0 : i32, i32
  }
  func.func @transform_2(%arg0: i32) -> (i32, i32) {
    %c0_i32 = arith.constant 0 : i32
    %c0_i32_0 = arith.constant 0 : i32
    %c0_i32_1 = arith.constant 0 : i32
    return %c0_i32, %c0_i32_0 : i32, i32
  }
  func.func @transform_3(%arg0: i32) -> (i32, i32) {
    %c0_i32 = arith.constant 0 : i32
    %c0_i32_0 = arith.constant 0 : i32
    %c0_i32_1 = arith.constant 0 : i32
    return %c0_i32, %c0_i32_0 : i32, i32
  }
  func.func @transform_4(%arg0: i32) -> (i32, i32) {
    %c0_i32 = arith.constant 0 : i32
    %c0_i32_0 = arith.constant 0 : i32
    %c0_i32_1 = arith.constant 0 : i32
    return %c0_i32, %c0_i32_0 : i32, i32
  }
  func.func @transform_5(%arg0: i32) -> (i32, i32) {
    %c0_i32 = arith.constant 0 : i32
    %c0_i32_0 = arith.constant 0 : i32
    %c0_i32_1 = arith.constant 0 : i32
    return %c0_i32, %c0_i32_0 : i32, i32
  }
  func.func @transform_6(%arg0: i32) -> (i32, i32) {
    %c0_i32 = arith.constant 0 : i32
    %c0_i32_0 = arith.constant 0 : i32
    %c0_i32_1 = arith.constant 0 : i32
    return %c0_i32, %c0_i32_0 : i32, i32
  }
  func.func @transform_7(%arg0: i32) -> (i32, i32) {
    %c0_i32 = arith.constant 0 : i32
    %c0_i32_0 = arith.constant 0 : i32
    return %arg0, %c0_i32 : i32, i32
  }
  func.func @transform_8(%arg0: i32) -> (i32, i32) {
    %c0_i32 = arith.constant 0 : i32
    %c0_i32_0 = arith.constant 0 : i32
    return %arg0, %c0_i32 : i32, i32
  }
  func.func @transform_9(%arg0: i32) -> (i32, i32) {
    %c0_i32 = arith.constant 0 : i32
    %c0_i32_0 = arith.constant 0 : i32
    return %arg0, %c0_i32 : i32, i32
  }
  func.func @transform_10(%arg0: i32) -> (i32, i32) {
    %c0_i32 = arith.constant 0 : i32
    %c0_i32_0 = arith.constant 0 : i32
    return %arg0, %c0_i32 : i32, i32
  }
}

module attributes {stable_mosaic.version = 14 : i64} {
  func.func @_mlp_body(%arg0: i32, %arg1: memref<6400x128xf32, #tpu.memory_space<vmem>>, %arg2: memref<16x6400xf32, #tpu.memory_space<vmem>>, %arg3: memref<16x6400xf32, #tpu.memory_space<vmem>>, %arg4: memref<16x128xf32, #tpu.memory_space<vmem>>, %arg5: memref<128x128xf32, #tpu.memory_space<vmem>>, %arg6: memref<128x128xf32, #tpu.memory_space<vmem>>, %arg7: memref<16x16xf32, #tpu.memory_space<vmem>>, %arg8: memref<16x16xf32, #tpu.memory_space<vmem>>, %arg9: memref<1x128xf32, #tpu.memory_space<vmem>>, %arg10: memref<1x128xf32, #tpu.memory_space<vmem>>, %arg11: memref<16x1xf32, #tpu.memory_space<vmem>>, %arg12: memref<6400x128xf32, #tpu.memory_space<vmem>>, %arg13: memref<16x6400xf32, #tpu.memory_space<vmem>>) attributes {dimension_semantics = [#tpu.dimension_semantics<arbitrary>], iteration_bounds = array<i64: 50>, scalar_prefetch = 0 : i64, scratch_operands = 0 : i64, tpu.core_type = #tpu.core_type<tc>, window_params = [{transform_indices = @transform_0, window_bounds = array<i64: 6400, 128>}, {transform_indices = @transform_1, window_bounds = array<i64: 16, 6400>}, {transform_indices = @transform_2, window_bounds = array<i64: 16, 6400>}, {pipeline_mode = #tpu.pipeline_mode<synchronous>, transform_indices = @transform_3, window_bounds = array<i64: 16, 128>}, {pipeline_mode = #tpu.pipeline_mode<synchronous>, transform_indices = @transform_4, window_bounds = array<i64: 128, 128>}, {pipeline_mode = #tpu.pipeline_mode<synchronous>, transform_indices = @transform_5, window_bounds = array<i64: 128, 128>}, {pipeline_mode = #tpu.pipeline_mode<synchronous>, transform_indices = @transform_6, window_bounds = array<i64: 16, 16>}, {pipeline_mode = #tpu.pipeline_mode<synchronous>, transform_indices = @transform_7, window_bounds = array<i64: 16, 16>}, {pipeline_mode = #tpu.pipeline_mode<synchronous>, transform_indices = @transform_8, window_bounds = array<i64: 1, 128>}, {pipeline_mode = #tpu.pipeline_mode<synchronous>, transform_indices = @transform_9, window_bounds = array<i64: 1, 128>}, {pipeline_mode = #tpu.pipeline_mode<synchronous>, transform_indices = @transform_10, window_bounds = array<i64: 16, 1>}, {transform_indices = @transform_11, window_bounds = array<i64: 6400, 128>}, {transform_indices = @transform_12, window_bounds = array<i64: 16, 6400>}]} {
    %get3A = arith.constant 0 : index
    %get3A_0 = arith.constant 0 : index
    %get3A_1 = vector.load %arg1[%get3A, %get3A_0] : memref<6400x128xf32, #tpu.memory_space<vmem>>, vector<6400x128xf32>
    %get3A_2 = arith.constant 0 : index
    %get3A_3 = arith.constant 0 : index
    %get3A_4 = vector.load %arg3[%get3A_2, %get3A_3] : memref<16x6400xf32, #tpu.memory_space<vmem>>, vector<16x6400xf32>
    %get3A_5 = arith.constant 0 : index
    %get3A_6 = arith.constant 0 : index
    %get3A_7 = vector.load %arg4[%get3A_5, %get3A_6] : memref<16x128xf32, #tpu.memory_space<vmem>>, vector<16x128xf32>
    %dot_general3A = arith.constant dense<0.000000e+00> : vector<6400x128xf32>
    %dot_general3A_8 = tpu.matmul %get3A_4, %get3A_7, %dot_general3A {dimension_numbers = #tpu.dot_dimension_numbers<[0], [0], [1], [1], [0, 1, 1, 1], [], []>, transpose_lhs_hint = false} : vector<16x6400xf32>, vector<16x128xf32>, vector<6400x128xf32> -> vector<6400x128xf32>
    %add3A = arith.addf %get3A_1, %dot_general3A_8 : vector<6400x128xf32>
    %max3A = arith.constant 0.000000e+00 : f32
    %max3A_9 = vector.broadcast %max3A : f32 to vector<6400x128xf32>
    %max3A_10 = arith.maximumf %add3A, %max3A_9 : vector<6400x128xf32>
    %get3A_11 = arith.constant 0 : index
    %get3A_12 = arith.constant 0 : index
    %get3A_13 = vector.load %arg5[%get3A_11, %get3A_12] : memref<128x128xf32, #tpu.memory_space<vmem>>, vector<128x128xf32>
    %convert_element_type3A = arith.truncf %get3A_13 : vector<128x128xf32> to vector<128x128xbf16>
    %get3A_14 = arith.constant 0 : index
    %get3A_15 = arith.constant 0 : index
    %get3A_16 = vector.load %arg6[%get3A_14, %get3A_15] : memref<128x128xf32, #tpu.memory_space<vmem>>, vector<128x128xf32>
    %convert_element_type3A_17 = arith.truncf %get3A_16 : vector<128x128xf32> to vector<128x128xbf16>
    %convert_element_type3A_18 = arith.truncf %max3A_10 : vector<6400x128xf32> to vector<6400x128xbf16>
    %dot_general3A_19 = arith.constant dense<0.000000e+00> : vector<6400x128xf32>
    %dot_general3A_20 = tpu.matmul %convert_element_type3A_18, %convert_element_type3A, %dot_general3A_19 {dimension_numbers = #tpu.dot_dimension_numbers<[1], [0], [0], [1], [0, 0, 1, 1], [], []>, transpose_lhs_hint = false} : vector<6400x128xbf16>, vector<128x128xbf16>, vector<6400x128xf32> -> vector<6400x128xf32>
    %get3A_21 = arith.constant 0 : index
    %get3A_22 = arith.constant 0 : index
    %get3A_23 = vector.load %arg9[%get3A_21, %get3A_22] : memref<1x128xf32, #tpu.memory_space<vmem>>, vector<1x128xf32>
    %add3A_24 = vector.broadcast %get3A_23 : vector<1x128xf32> to vector<6400x128xf32>
    %add3A_25 = arith.addf %dot_general3A_20, %add3A_24 : vector<6400x128xf32>
    %max3A_26 = arith.constant 0.000000e+00 : f32
    %max3A_27 = vector.broadcast %max3A_26 : f32 to vector<6400x128xf32>
    %max3A_28 = arith.maximumf %add3A_25, %max3A_27 : vector<6400x128xf32>
    %convert_element_type3A_29 = arith.truncf %max3A_28 : vector<6400x128xf32> to vector<6400x128xbf16>
    %dot_general3A_30 = arith.constant dense<0.000000e+00> : vector<6400x128xf32>
    %dot_general3A_31 = tpu.matmul %convert_element_type3A_29, %convert_element_type3A_17, %dot_general3A_30 {dimension_numbers = #tpu.dot_dimension_numbers<[1], [0], [0], [1], [0, 0, 1, 1], [], []>, transpose_lhs_hint = false} : vector<6400x128xbf16>, vector<128x128xbf16>, vector<6400x128xf32> -> vector<6400x128xf32>
    %get3A_32 = arith.constant 0 : index
    %get3A_33 = arith.constant 0 : index
    %get3A_34 = vector.load %arg10[%get3A_32, %get3A_33] : memref<1x128xf32, #tpu.memory_space<vmem>>, vector<1x128xf32>
    %add3A_35 = vector.broadcast %get3A_34 : vector<1x128xf32> to vector<6400x128xf32>
    %add3A_36 = arith.addf %dot_general3A_31, %add3A_35 : vector<6400x128xf32>
    %swap3A = arith.constant 0 : index
    %swap3A_37 = arith.constant 0 : index
    %swap3A_38 = vector.load %arg12[%swap3A, %swap3A_37] : memref<6400x128xf32, #tpu.memory_space<vmem>>, vector<6400x128xf32>
    tpu.vector_store %arg12[%swap3A, %swap3A_37], %add3A_36 {strides = array<i32>} : memref<6400x128xf32, #tpu.memory_space<vmem>>, vector<6400x128xf32>,
    %get3A_39 = arith.constant 0 : index
    %get3A_40 = arith.constant 0 : index
    %get3A_41 = vector.load %arg2[%get3A_39, %get3A_40] : memref<16x6400xf32, #tpu.memory_space<vmem>>, vector<16x6400xf32>
    %get3A_42 = arith.constant 0 : index
    %get3A_43 = arith.constant 0 : index
    %get3A_44 = vector.load %arg7[%get3A_42, %get3A_43] : memref<16x16xf32, #tpu.memory_space<vmem>>, vector<16x16xf32>
    %dot_general3A_45 = arith.constant dense<0.000000e+00> : vector<16x6400xf32>
    %dot_general3A_46 = tpu.matmul %get3A_44, %get3A_4, %dot_general3A_45 {dimension_numbers = #tpu.dot_dimension_numbers<[1], [0], [0], [1], [0, 0, 1, 1], [], []>, transpose_lhs_hint = false} : vector<16x16xf32>, vector<16x6400xf32>, vector<16x6400xf32> -> vector<16x6400xf32>
    %add3A_47 = arith.addf %get3A_41, %dot_general3A_46 : vector<16x6400xf32>
    %max3A_48 = arith.constant 0.000000e+00 : f32
    %max3A_49 = vector.broadcast %max3A_48 : f32 to vector<16x6400xf32>
    %max3A_50 = arith.maximumf %add3A_47, %max3A_49 : vector<16x6400xf32>
    %get3A_51 = arith.constant 0 : index
    %get3A_52 = arith.constant 0 : index
    %get3A_53 = vector.load %arg8[%get3A_51, %get3A_52] : memref<16x16xf32, #tpu.memory_space<vmem>>, vector<16x16xf32>
    %dot_general3A_54 = arith.constant dense<0.000000e+00> : vector<16x6400xf32>
    %dot_general3A_55 = tpu.matmul %get3A_53, %max3A_50, %dot_general3A_54 {dimension_numbers = #tpu.dot_dimension_numbers<[1], [0], [0], [1], [0, 0, 1, 1], [], []>, transpose_lhs_hint = false} : vector<16x16xf32>, vector<16x6400xf32>, vector<16x6400xf32> -> vector<16x6400xf32>
    %get3A_56 = arith.constant 0 : index
    %get3A_57 = arith.constant 0 : index
    %get3A_58 = vector.load %arg11[%get3A_56, %get3A_57] : memref<16x1xf32, #tpu.memory_space<vmem>>, vector<16x1xf32>
    %add3A_59 = vector.broadcast %get3A_58 : vector<16x1xf32> to vector<16x6400xf32>
    %add3A_60 = arith.addf %dot_general3A_55, %add3A_59 : vector<16x6400xf32>
    %swap3A_61 = arith.constant 0 : index
    %swap3A_62 = arith.constant 0 : index
    %swap3A_63 = vector.load %arg13[%swap3A_61, %swap3A_62] : memref<16x6400xf32, #tpu.memory_space<vmem>>, vector<16x6400xf32>
    tpu.vector_store %arg13[%swap3A_61, %swap3A_62], %add3A_60 {strides = array<i32>} : memref<16x6400xf32, #tpu.memory_space<vmem>>, vector<16x6400xf32>,
    return
  }
  func.func @transform_0(%arg0: i32) -> (i32, i32) {
    %c0_i32 = arith.constant 0 : i32
    %c0_i32_0 = arith.constant 0 : i32
    return %arg0, %c0_i32 : i32, i32
  }
  func.func @transform_1(%arg0: i32) -> (i32, i32) {
    %c0_i32 = arith.constant 0 : i32
    %c0_i32_0 = arith.constant 0 : i32
    return %c0_i32, %arg0 : i32, i32
  }
  func.func @transform_2(%arg0: i32) -> (i32, i32) {
    %c0_i32 = arith.constant 0 : i32
    %c0_i32_0 = arith.constant 0 : i32
    return %c0_i32, %arg0 : i32, i32
  }
  func.func @transform_3(%arg0: i32) -> (i32, i32) {
    %c0_i32 = arith.constant 0 : i32
    %c0_i32_0 = arith.constant 0 : i32
    %c0_i32_1 = arith.constant 0 : i32
    return %c0_i32, %c0_i32_0 : i32, i32
  }
  func.func @transform_4(%arg0: i32) -> (i32, i32) {
    %c0_i32 = arith.constant 0 : i32
    %c0_i32_0 = arith.constant 0 : i32
    %c0_i32_1 = arith.constant 0 : i32
    return %c0_i32, %c0_i32_0 : i32, i32
  }
  func.func @transform_5(%arg0: i32) -> (i32, i32) {
    %c0_i32 = arith.constant 0 : i32
    %c0_i32_0 = arith.constant 0 : i32
    %c0_i32_1 = arith.constant 0 : i32
    return %c0_i32, %c0_i32_0 : i32, i32
  }
  func.func @transform_6(%arg0: i32) -> (i32, i32) {
    %c0_i32 = arith.constant 0 : i32
    %c0_i32_0 = arith.constant 0 : i32
    %c0_i32_1 = arith.constant 0 : i32
    return %c0_i32, %c0_i32_0 : i32, i32
  }
  func.func @transform_7(%arg0: i32) -> (i32, i32) {
    %c0_i32 = arith.constant 0 : i32
    %c0_i32_0 = arith.constant 0 : i32
    %c0_i32_1 = arith.constant 0 : i32
    return %c0_i32, %c0_i32_0 : i32, i32
  }
  func.func @transform_8(%arg0: i32) -> (i32, i32) {
    %c0_i32 = arith.constant 0 : i32
    %c0_i32_0 = arith.constant 0 : i32
    %c0_i32_1 = arith.constant 0 : i32
    return %c0_i32, %c0_i32_0 : i32, i32
  }
  func.func @transform_9(%arg0: i32) -> (i32, i32) {
    %c0_i32 = arith.constant 0 : i32
    %c0_i32_0 = arith.constant 0 : i32
    %c0_i32_1 = arith.constant 0 : i32
    return %c0_i32, %c0_i32_0 : i32, i32
  }
  func.func @transform_10(%arg0: i32) -> (i32, i32) {
    %c0_i32 = arith.constant 0 : i32
    %c0_i32_0 = arith.constant 0 : i32
    %c0_i32_1 = arith.constant 0 : i32
    return %c0_i32, %c0_i32_0 : i32, i32
  }
  func.func @transform_11(%arg0: i32) -> (i32, i32) {
    %c0_i32 = arith.constant 0 : i32
    %c0_i32_0 = arith.constant 0 : i32
    return %arg0, %c0_i32 : i32, i32
  }
  func.func @transform_12(%arg0: i32) -> (i32, i32) {
    %c0_i32 = arith.constant 0 : i32
    %c0_i32_0 = arith.constant 0 : i32
    return %c0_i32, %arg0 : i32, i32
  }
}

module attributes {stable_mosaic.version = 14 : i64} {
  func.func @_node_body(%arg0: i32, %arg1: memref<2000x128xf32, #tpu.memory_space<vmem>>, %arg2: memref<2x2000x128xf32, #tpu.memory_space<vmem>>, %arg3: memref<128x128xf32, #tpu.memory_space<vmem>>, %arg4: memref<128x128xf32, #tpu.memory_space<vmem>>, %arg5: memref<1x128xf32, #tpu.memory_space<vmem>>, %arg6: memref<1x128xf32, #tpu.memory_space<vmem>>, %arg7: memref<1x128xf32, #tpu.memory_space<vmem>>, %arg8: memref<2000x128xf32, #tpu.memory_space<vmem>>) attributes {dimension_semantics = [#tpu.dimension_semantics<arbitrary>], iteration_bounds = array<i64: 5>, scalar_prefetch = 0 : i64, scratch_operands = 0 : i64, tpu.core_type = #tpu.core_type<tc>, window_params = [{transform_indices = @transform_0, window_bounds = array<i64: 2000, 128>}, {transform_indices = @transform_1, window_bounds = array<i64: 2, 2000, 128>}, {pipeline_mode = #tpu.pipeline_mode<synchronous>, transform_indices = @transform_2, window_bounds = array<i64: 128, 128>}, {pipeline_mode = #tpu.pipeline_mode<synchronous>, transform_indices = @transform_3, window_bounds = array<i64: 128, 128>}, {pipeline_mode = #tpu.pipeline_mode<synchronous>, transform_indices = @transform_4, window_bounds = array<i64: 1, 128>}, {pipeline_mode = #tpu.pipeline_mode<synchronous>, transform_indices = @transform_5, window_bounds = array<i64: 1, 128>}, {pipeline_mode = #tpu.pipeline_mode<synchronous>, transform_indices = @transform_6, window_bounds = array<i64: 1, 128>}, {transform_indices = @transform_7, window_bounds = array<i64: 2000, 128>}]} {
    %get3A = arith.constant 0 : index
    %get3A_0 = arith.constant 0 : index
    %get3A_1 = vector.load %arg1[%get3A, %get3A_0] : memref<2000x128xf32, #tpu.memory_space<vmem>>, vector<2000x128xf32>
    %get3A_2 = arith.constant 0 : index
    %get3A_3 = arith.constant 0 : index
    %get3A_4 = arith.constant 0 : index
    %get3A_5 = vector.load %arg2[%get3A_2, %get3A_3, %get3A_4] : memref<2x2000x128xf32, #tpu.memory_space<vmem>>, vector<1x2000x128xf32>
    %get3A_6 = vector.shape_cast %get3A_5 : vector<1x2000x128xf32> to vector<2000x128xf32>
    %get3A_7 = arith.constant 1 : index
    %get3A_8 = arith.constant 0 : index
    %get3A_9 = arith.constant 0 : index
    %get3A_10 = vector.load %arg2[%get3A_7, %get3A_8, %get3A_9] : memref<2x2000x128xf32, #tpu.memory_space<vmem>>, vector<1x2000x128xf32>
    %get3A_11 = vector.shape_cast %get3A_10 : vector<1x2000x128xf32> to vector<2000x128xf32>
    %add3A = arith.addf %get3A_6, %get3A_11 : vector<2000x128xf32>
    %get3A_12 = arith.constant 0 : index
    %get3A_13 = arith.constant 0 : index
    %get3A_14 = vector.load %arg3[%get3A_12, %get3A_13] : memref<128x128xf32, #tpu.memory_space<vmem>>, vector<128x128xf32>
    %dot_general3A = arith.constant dense<0.000000e+00> : vector<2000x128xf32>
    %dot_general3A_15 = tpu.matmul %get3A_1, %get3A_14, %dot_general3A {dimension_numbers = #tpu.dot_dimension_numbers<[1], [0], [0], [1], [0, 0, 1, 1], [], []>, transpose_lhs_hint = false} : vector<2000x128xf32>, vector<128x128xf32>, vector<2000x128xf32> -> vector<2000x128xf32>
    %get3A_16 = arith.constant 0 : index
    %get3A_17 = arith.constant 0 : index
    %get3A_18 = vector.load %arg4[%get3A_16, %get3A_17] : memref<128x128xf32, #tpu.memory_space<vmem>>, vector<128x128xf32>
    %dot_general3A_19 = arith.constant dense<0.000000e+00> : vector<2000x128xf32>
    %dot_general3A_20 = tpu.matmul %add3A, %get3A_18, %dot_general3A_19 {dimension_numbers = #tpu.dot_dimension_numbers<[1], [0], [0], [1], [0, 0, 1, 1], [], []>, transpose_lhs_hint = false} : vector<2000x128xf32>, vector<128x128xf32>, vector<2000x128xf32> -> vector<2000x128xf32>
    %add3A_21 = arith.addf %dot_general3A_15, %dot_general3A_20 : vector<2000x128xf32>
    %get3A_22 = arith.constant 0 : index
    %get3A_23 = arith.constant 0 : index
    %get3A_24 = vector.load %arg5[%get3A_22, %get3A_23] : memref<1x128xf32, #tpu.memory_space<vmem>>, vector<1x128xf32>
    %add3A_25 = vector.broadcast %get3A_24 : vector<1x128xf32> to vector<2000x128xf32>
    %add3A_26 = arith.addf %add3A_21, %add3A_25 : vector<2000x128xf32>
    %max3A = arith.constant 0.000000e+00 : f32
    %max3A_27 = vector.broadcast %max3A : f32 to vector<2000x128xf32>
    %max3A_28 = arith.maximumf %add3A_26, %max3A_27 : vector<2000x128xf32>
    %reduce_sum3A = arith.constant dense<0.000000e+00> : vector<2000xf32>
    %reduce_sum3A_29 = vector.multi_reduction <add>, %max3A_28, %reduce_sum3A [1] : vector<2000x128xf32> to vector<2000xf32>
    %broadcast_in_dim3A = vector.shape_cast %reduce_sum3A_29 : vector<2000xf32> to vector<2000x1xf32>
    %div3A = arith.constant 1.280000e+02 : f32
    %div3A_30 = vector.broadcast %div3A : f32 to vector<2000x1xf32>
    %div3A_31 = arith.divf %broadcast_in_dim3A, %div3A_30 : vector<2000x1xf32>
    %sub3A = vector.broadcast %div3A_31 : vector<2000x1xf32> to vector<2000x128xf32>
    %sub3A_32 = arith.subf %max3A_28, %sub3A : vector<2000x128xf32>
    %integer_pow3A = arith.mulf %sub3A_32, %sub3A_32 : vector<2000x128xf32>
    %reduce_sum3A_33 = arith.constant dense<0.000000e+00> : vector<2000xf32>
    %reduce_sum3A_34 = vector.multi_reduction <add>, %integer_pow3A, %reduce_sum3A_33 [1] : vector<2000x128xf32> to vector<2000xf32>
    %broadcast_in_dim3A_35 = vector.shape_cast %reduce_sum3A_34 : vector<2000xf32> to vector<2000x1xf32>
    %div3A_36 = arith.constant 1.280000e+02 : f32
    %div3A_37 = vector.broadcast %div3A_36 : f32 to vector<2000x1xf32>
    %div3A_38 = arith.divf %broadcast_in_dim3A_35, %div3A_37 : vector<2000x1xf32>
    %sub3A_39 = vector.broadcast %div3A_31 : vector<2000x1xf32> to vector<2000x128xf32>
    %sub3A_40 = arith.subf %max3A_28, %sub3A_39 : vector<2000x128xf32>
    %add3A_41 = arith.constant 9.99999974E-6 : f32
    %add3A_42 = vector.broadcast %add3A_41 : f32 to vector<2000x1xf32>
    %add3A_43 = arith.addf %div3A_38, %add3A_42 : vector<2000x1xf32>
    %rsqrt3A = math.rsqrt %add3A_43 : vector<2000x1xf32>
    %mul3A = vector.broadcast %rsqrt3A : vector<2000x1xf32> to vector<2000x128xf32>
    %mul3A_44 = arith.mulf %sub3A_40, %mul3A : vector<2000x128xf32>
    %get3A_45 = arith.constant 0 : index
    %get3A_46 = arith.constant 0 : index
    %get3A_47 = vector.load %arg6[%get3A_45, %get3A_46] : memref<1x128xf32, #tpu.memory_space<vmem>>, vector<1x128xf32>
    %mul3A_48 = vector.broadcast %get3A_47 : vector<1x128xf32> to vector<2000x128xf32>
    %mul3A_49 = arith.mulf %mul3A_44, %mul3A_48 : vector<2000x128xf32>
    %get3A_50 = arith.constant 0 : index
    %get3A_51 = arith.constant 0 : index
    %get3A_52 = vector.load %arg7[%get3A_50, %get3A_51] : memref<1x128xf32, #tpu.memory_space<vmem>>, vector<1x128xf32>
    %add3A_53 = vector.broadcast %get3A_52 : vector<1x128xf32> to vector<2000x128xf32>
    %add3A_54 = arith.addf %mul3A_49, %add3A_53 : vector<2000x128xf32>
    %swap3A = arith.constant 0 : index
    %swap3A_55 = arith.constant 0 : index
    %swap3A_56 = vector.load %arg8[%swap3A, %swap3A_55] : memref<2000x128xf32, #tpu.memory_space<vmem>>, vector<2000x128xf32>
    tpu.vector_store %arg8[%swap3A, %swap3A_55], %add3A_54 {strides = array<i32>} : memref<2000x128xf32, #tpu.memory_space<vmem>>, vector<2000x128xf32>,
    return
  }
  func.func @transform_0(%arg0: i32) -> (i32, i32) {
    %c0_i32 = arith.constant 0 : i32
    %c0_i32_0 = arith.constant 0 : i32
    return %arg0, %c0_i32 : i32, i32
  }
  func.func @transform_1(%arg0: i32) -> (i32, i32, i32) {
    %c0_i32 = arith.constant 0 : i32
    %c0_i32_0 = arith.constant 0 : i32
    %c0_i32_1 = arith.constant 0 : i32
    return %c0_i32, %arg0, %c0_i32_0 : i32, i32, i32
  }
  func.func @transform_2(%arg0: i32) -> (i32, i32) {
    %c0_i32 = arith.constant 0 : i32
    %c0_i32_0 = arith.constant 0 : i32
    %c0_i32_1 = arith.constant 0 : i32
    return %c0_i32, %c0_i32_0 : i32, i32
  }
  func.func @transform_3(%arg0: i32) -> (i32, i32) {
    %c0_i32 = arith.constant 0 : i32
    %c0_i32_0 = arith.constant 0 : i32
    %c0_i32_1 = arith.constant 0 : i32
    return %c0_i32, %c0_i32_0 : i32, i32
  }
  func.func @transform_4(%arg0: i32) -> (i32, i32) {
    %c0_i32 = arith.constant 0 : i32
    %c0_i32_0 = arith.constant 0 : i32
    %c0_i32_1 = arith.constant 0 : i32
    return %c0_i32, %c0_i32_0 : i32, i32
  }
  func.func @transform_5(%arg0: i32) -> (i32, i32) {
    %c0_i32 = arith.constant 0 : i32
    %c0_i32_0 = arith.constant 0 : i32
    %c0_i32_1 = arith.constant 0 : i32
    return %c0_i32, %c0_i32_0 : i32, i32
  }
  func.func @transform_6(%arg0: i32) -> (i32, i32) {
    %c0_i32 = arith.constant 0 : i32
    %c0_i32_0 = arith.constant 0 : i32
    %c0_i32_1 = arith.constant 0 : i32
    return %c0_i32, %c0_i32_0 : i32, i32
  }
  func.func @transform_7(%arg0: i32) -> (i32, i32) {
    %c0_i32 = arith.constant 0 : i32
    %c0_i32_0 = arith.constant 0 : i32
    return %arg0, %c0_i32 : i32, i32
  }
}

</mosaic_0001>

<sc_bundles>
// kernel: kernel.11.cloned.1.call-start
scs
__scs_entry_jumppad:
0x0: {  	(pc) =	sbr.rel $0x88, $3  }
0x1: {  	(tag) =	ssettag $0x0;
	lr =	simm.s32 $0x1  }
0x2: {  	[smem:$0x3F90] =	sst lr;
	_ =	strace $0xD0000000  }
0x3: {  	_ = 	snop  }
0x4: {  	_ = 	snop  }
0x5: {  	_ = 	snop  }
0x6: {  	_ = 	snop  }
0x7: {  	_ = 	snop  }
__scs_overlays_trampoline_lowered:
0x8: {  	[smem:$0x3F9F] =	sst s0  }
0x9: {  	[smem:$0x3FA0] =	sst s1  }
0xa: {  	[smem:$0x3FA1] =	sst s2  }
0xb: {  	[smem:$0x3FA2] =	sst s3  }
0xc: {  	[smem:$0x3FA3] =	sst s4  }
0xd: {  	[smem:$0x3FA4] =	sst s5  }
0xe: {  	[smem:$0x3FA5] =	sst s6  }
0xf: {  	[smem:$0x3FA6] =	sst s7  }
0x10: {  	[smem:$0x3FA7] =	sst s8  }
0x11: {  	[smem:$0x3FA8] =	sst s9;
	s0 =	simm.s32 @!p0 $0x0  }
0x12: {  	s1 =	sld [smem:$0x3F8E];
	s0 =	simm.s32 @p0 $0x1  }
0x13: {  	[smem:$0x3FA9] =	sst s0;
	s0 =	simm.s32 @!p1 $0x0  }
0x14: {  	s2 =	sld [smem:$0x3F8D];
	s0 =	simm.s32 @p1 $0x1  }
0x15: {  	[smem:$0x3FAA] =	sst s0;
	s0 =	simm.s32 @!p2 $0x0  }
0x16: {  	s3 =	sld [smem:$0x3FDB];
	s0 =	simm.s32 @p2 $0x1  }
0x17: {  	s4 =	simm.s32 $0x1BF5;
	[smem:$0x3FAC] =	sst s0  }
0x18: {  	s0 =	sld [smem:$0x3F8F];
	_ =	swait.ge [sflag:s4], $0x0  }
0x19: {  	s7 =	sld [smem:$0x3F90]  }
0x1a: {  	s8 =	sadd.s32 $0xFFFFE003, lr  }
0x1b: {  	s9 =	sadd.s32 $0xFFFFFEF7, lr;
	s5 =	simm.s32 $0xFFFFFFFF;
	p2 =	slt.u32 s8, $0xFFFFF086  }
0x1c: {  	p1 =	slt.u32 s9, $0xF7A;
	s5 =	simm.s32 @!p2 $0x0  }
0x1d: {  	s5 =	simm.s32 @p1 $0x1;
	p0 =	seq.s32 s7, s2  }
0x1e: {  	s7 =	smul.u32 @!p0 $0xF7A, s2;
	p2 =	seq.s32 @!p0 s5, $0x0  }
0x1f: {  	s9 =	smul.u32 $0xF7A, s1;
	s8 =	simm.s32 @!p0 $0x1BF5;
	p2 =	por !p2, p0  }
0x20: {  	[sflag:s8] =	ssyncset.s32 @!p0 $0xFFFFF086;
	s6 =	sadd.s32 @!p0 s3, s7;
	s7 =	simm.s32 @!p0 $0x108  }
0x21: {  	s3 =	sadd.s32 s3, s9;
	s6 =	sadd.s32 @!p0 $0x88, s6;
	s7 =	simm.s32 @p2 $0x1082  }
0x22: {  	[simem:s7], [sflag:s8] =	dma.local @!p0 [hbm:s6], $0xF7A  }
0x23: {  	s9 =	sor.u32 $0xD0000000, s2;
	s6 =	simm.s32 $0x108;
	_ =	swait.ge @!p0 [sflag:s8], $0x0  }
0x24: {  	s3 =	sadd.s32 $0x88, s3;
	s6 =	simm.s32 @!p1 $0x1082;
	[sflag:s4] =	ssyncset.s32 $0xFFFFF086  }
0x25: {  	[simem:s6], [sflag:s4] =	dma.local [hbm:s3], $0xF7A  }
0x26: {  	[smem:$0x3F90] =	sst s1;
	(tag) =	ssettag s2;
	_ =	strace s9  }
0x27: {  	s1 =	sld [smem:$0x3FA0]  }
0x28: {  	s2 =	sld [smem:$0x3FA1]  }
0x29: {  	s4 =	sld [smem:$0x3FA3]  }
0x2a: {  	p0 =	seq.s32 s5, $0x0;
	s5 =	sld [smem:$0x3FA4]  }
0x2b: {  	s6 =	sld [smem:$0x3FA5]  }
0x2c: {  	s7 =	sld [smem:$0x3FA6]  }
0x2d: {  	s3 =	simm.s32 $0x108;
	s8 =	sld [smem:$0x3FA7]  }
0x2e: {  	s3 =	simm.s32 @!p0 $0x1082;
	s9 =	sld [smem:$0x3FA8]  }
0x2f: {  	lr =	sadd.s32 s0, s3;
	s0 =	sld [smem:$0x3F9F]  }
0x30: {  	s3 =	sld [smem:$0x3FA2]  }
0x31: {  	[smem:$0x3FAB] =	sst s10  }
0x32: {  	s10 =	sld [smem:$0x3FA9];
	_ =	sdelay $0x3  }
0x33: {  	p0 =	seq.s32 s10, $0x1;
	s10 =	sld [smem:$0x3FAB];
	_ =	sdelay $0x3  }
0x34: {  	[smem:$0x3FAB] =	sst s10  }
0x35: {  	s10 =	sld [smem:$0x3FAA];
	_ =	sdelay $0x3  }
0x36: {  	p1 =	seq.s32 s10, $0x1;
	s10 =	sld [smem:$0x3FAB];
	_ =	sdelay $0x3  }
0x37: {  	[smem:$0x3FAB] =	sst s10  }
0x38: {  	s10 =	sld [smem:$0x3FAC]  }
0x39: {  	_ = 	snop;
	(pc) =	sbr.ind lr, $3  }
0x3a: {  	_ = 	snop  }
0x3b: {  	_ = 	snop  }
0x3c: {  	p2 =	seq.s32 s10, $0x1;
	s10 =	sld [smem:$0x3FAB]  }
0x3d: {  	_ =	shalt  }
0x3e: {  	_ =	shalt  }
0x3f: {  	_ =	shalt  }
0x40: {  	_ =	shalt  }
0x41: {  	_ =	shalt  }
0x42: {  	_ =	shalt  }
0x43: {  	_ =	shalt  }
0x44: {  	_ =	shalt  }
0x45: {  	_ =	shalt  }
0x46: {  	_ =	shalt  }
0x47: {  	_ =	shalt  }
0x48: {  	_ =	shalt  }
0x49: {  	_ =	shalt  }
0x4a: {  	_ =	shalt  }
0x4b: {  	_ =	shalt  }
0x4c: {  	_ =	shalt  }
0x4d: {  	_ =	shalt  }
0x4e: {  	_ =	shalt  }
0x4f: {  	_ =	shalt  }
0x50: {  	_ =	shalt  }
0x51: {  	_ =	shalt  }
0x52: {  	_ =	shalt  }
0x53: {  	_ =	shalt  }
0x54: {  	_ =	shalt  }
0x55: {  	_ =	shalt  }
0x56: {  	_ =	shalt  }
0x57: {  	_ =	shalt  }
0x58: {  	_ =	shalt  }
0x59: {  	_ =	shalt  }
0x5a: {  	_ =	shalt  }
0x5b: {  	_ =	shalt  }
0x5c: {  	_ =	shalt  }
0x5d: {  	_ =	shalt  }
0x5e: {  	_ =	shalt  }
0x5f: {  	_ =	shalt  }
0x60: {  	_ =	shalt  }
0x61: {  	_ =	shalt  }
0x62: {  	_ =	shalt  }
0x63: {  	_ =	shalt  }
0x64: {  	_ =	shalt  }
0x65: {  	_ =	shalt  }
0x66: {  	_ =	shalt  }
0x67: {  	_ =	shalt  }
0x68: {  	_ =	shalt  }
0x69: {  	_ =	shalt  }
0x6a: {  	_ =	shalt  }
0x6b: {  	_ =	shalt  }
0x6c: {  	_ =	shalt  }
0x6d: {  	_ =	shalt  }
0x6e: {  	_ =	shalt  }
0x6f: {  	_ =	shalt  }
0x70: {  	_ =	shalt  }
0x71: {  	_ =	shalt  }
0x72: {  	_ =	shalt  }
0x73: {  	_ =	shalt  }
0x74: {  	_ =	shalt  }
0x75: {  	_ =	shalt  }
0x76: {  	_ =	shalt  }
0x77: {  	_ =	shalt  }
0x78: {  	_ =	shalt  }
0x79: {  	_ =	shalt  }
0x7a: {  	_ =	shalt  }
0x7b: {  	_ =	shalt  }
0x7c: {  	_ =	shalt  }
0x7d: {  	_ =	shalt  }
0x7e: {  	_ =	shalt  }
0x7f: {  	_ =	shalt  }
0x80: {  	_ =	shalt  }
0x81: {  	_ =	shalt  }
0x82: {  	_ =	shalt  }
0x83: {  	_ =	shalt  }
0x84: {  	_ =	shalt  }
0x85: {  	_ =	shalt  }
0x86: {  	_ =	shalt  }
0x87: {  	_ =	shalt  }
.Lfunc_end0:
.L_simem_size_0:
called_computation.1_lowered:
.L_overlay_start_0:
0x88: {  	s2 =	sld [smem:$0x3FD9]  }
0x89: {  	s3 =	sld [smem:$0x3FFE];
	_ =	sdelay $0x1  }
0x8a: {  	s1 =	srdreg.scid  }
0x8b: {  	s0 =	sand.u32 $0x1, s1  }
0x8c: {  	s15 =	sshll.u32 s0, $0xA;
	s2 =	sadd.s32 s3, s2  }
0x8d: {  	s2 =	sadd.s32 s2, s15  }
0x8e: {  	[smem:$0x3FB7] =	sst s2  }
0x8f: {  	_ = 	snop  }
0x90: {  	s2 =	sld [smem:$0x3FD0];
	_ =	sdelay $0x2  }
0x91: {  	s16 =	simm.s32 $0xB;
	s4 =	simm.s32 $0x10  }
0x92: {  	[smem:s4], [sflag:s16] =	dma.local [hbm:s2], $0x1  }
0x93: {  	_ =	swait.eq [sflag:s16], $0x1  }
0x94: {  	[sflag:s16] =	ssyncset.done $0x0  }
0x95: {  	[sflag:s16] =	ssyncadd.s32 $0xFFFFFFFF  }
0x96: {  	s17 =	sld [smem:$0x10];
	(tm) =	ssettm $0x1  }
0x97: {  	s18 =	sld [smem:$0x3FFB];
	_ =	sdelay $0x3  }
0x98: {  	_ =	strace s18  }
0x99: {  	s2 =	sld [smem:$0x3FFC];
	_ =	sdelay $0x3  }
0x9a: {  	_ =	strace s2  }
0x9b: {  	s2 =	sld [smem:$0x3FFD];
	_ =	sdelay $0x3  }
0x9c: {  	_ =	strace s2  }
0x9d: {  	_ =	strace $0x8FFFFFFF  }
0x9e: {  	s19 =	sld [smem:$0x3FDB];
	_ =	sdelay $0x1  }
0x9f: {  	s20 =	simm.s32 $_scs_section_size  }
0xa0: {  	s5 =	simm.s32 $_size__tile_overlayer_lowered;
	s6 =	simm.s32 $_tile_overlayer_lowered  }
0xa1: {  	s7 =	simm.s32 $0x1BFF;
	s21 =	sshll.u32 s6, $0x1;
	s4 =	sadd.s32 s20, s19  }
0xa2: {  	s22 =	simm.s32 $0x0;
	s5 =	sshll.u32 s5, $0x1;
	s6 =	sadd.s32 s21, s4  }
0xa3: {  	[timem:s22], [sflag:s7] =	dma.local [hbm:s6], s5  }
0xa4: {  	_ =	swait.ge [sflag:s7], s5  }
0xa5: {  	s5 =	ssub.s32 $0x0, s5;
	[sflag:s7] =	ssyncset.done $0x0  }
0xa6: {  	[sflag:s7] =	ssyncadd.s32 s5;
	_ =	sdelay $0x1  }
0xa7: {  	s23 =	simm.s32 $0x1B8B  }
0xa8: {  	_ =	swait.ge [sflag:s23], $0x1  }
0xa9: {  	[sflag:s23] =	ssyncset.done $0x0  }
0xaa: {  	[sflag:s23] =	ssyncadd.s32 $0xFFFFFFFF  }
0xab: {  	s5 =	sld [smem:$0x0]  }
0xac: {  	s6 =	sand.u32 $0xFFFFFFFE, s1  }
0xad: {  	p0 =	sne.s32 s1, s6  }
0xae: {  	s6 =	sshll.u32 @p0 s6, $0xE  }
0xaf: {  	s6 =	sadd.s32 @p0 $0x11B8D, s6;
	s7 =	sshll.u32 @p0 s5, $0x11  }
0xb0: {  	s6 =	sor.u32 @p0 s7, s6  }
0xb1: {  	[sflag:s6] =	ssyncadd.remote.s32 @p0 $0x1;
	_ =	sdelay $0x1  }
0xb2: {  	s6 =	simm.s32 @p0 $0x1B8D  }
0xb3: {  	_ =	swait.eq @p0 [sflag:s6], $0x1  }
0xb4: {  	[sflag:s6] =	ssyncadd.s32 @p0 $0xFFFFFFFF  }
0xb5: {  	s7 =	sshll.u32 @!p0 s1, $0xE  }
0xb6: {  	s7 =	sor.u32 @!p0 $0x4000, s7;
	s6 =	simm.s32 @!p0 $0x1B8D  }
0xb7: {  	s5 =	sshll.u32 @!p0 s5, $0x11;
	s7 =	sadd.s32 @!p0 $0x11B8D, s7;
	_ =	swait.eq @!p0 [sflag:s6], $0x1  }
0xb8: {  	s5 =	sor.u32 @!p0 s5, s7;
	[sflag:s6] =	ssyncadd.s32 @!p0 $0xFFFFFFFF  }
0xb9: {  	s25 =	simm.s32 $0x1B8E;
	s24 =	sld [smem:$0x3FFE];
	[sflag:s5] =	ssyncadd.remote.s32 @!p0 $0x1  }
0xba: {  	s26 =	simm.s32 $execute0_lowered;
	[smem:$0x3FD2] =	sst s25  }
0xbb: {  	s6 =	sshll.u32 s26, $0x1;
	_ =	strace $0x80000049;
	[dreg:$0x1] =	wrdreg $0xFFFFFFFF  }
0xbc: {  	s28 =	simm.s32 $_size_execute0_lowered;
	s4 =	sadd.s32 s4, s6;
	[dreg:$0x0] =	wrdreg $0x0  }
0xbd: {  	s6 =	sshll.u32 s28, $0x1;
	[dreg:$0x2] =	wrdreg s4  }
0xbe: {  	[dreg:$0x3] =	wrdreg s6  }
0xbf: {  	[dreg:$0x4] =	wrdreg $0xC0  }
0xc0: {  	_ =	task [dreg:s22], $0x5FFFF  }
0xc1: {  	[dreg:$0x1] =	wrdreg $0xFFFFFFFF  }
0xc2: {  	[dreg:$0x0] =	wrdreg $0x60  }
0xc3: {  	[dreg:$0x2] =	wrdreg s17  }
0xc4: {  	[dreg:$0x3] =	wrdreg s24  }
0xc5: {  	[dreg:$0x4] =	wrdreg $0xA  }
0xc6: {  	_ =	task.clear_ibuf [dreg:s22], $0x5FFFF;
	_ =	strace $0x90000049  }
0xc7: {  	s29 =	simm.s32 $0xA;
	_ =	strace $0x8000004B  }
0xc8: {  	_ =	swait.ge [sflag:s29], $0x1  }
0xc9: {  	[sflag:s29] =	ssyncadd.s32 $0xFFFFFFFF  }
0xca: {  	_ =	strace $0x9000004B  }
0xcb: {  	_ =	sfence  }
0xcc: {  	s30 =	sld [smem:$0x0];
	_ =	sdelay $0x2  }
0xcd: {  	s31 =	sshll.u32 s1, $0xD;
	s1 =	sshrl.u32 s1, $0x2  }
0xce: {  	s4 =	sand.u32 $0x4000, s31;
	s1 =	sadd.s32 s1, s30  }
0xcf: {  	s0 =	sor.u32 s4, s0;
	s1 =	sshll.u32 s1, $0x11  }
0xd0: {  	s0 =	sor.u32 s1, s0  }
0xd1: {  	s0 =	sadd.s32 $0x8F2B, s0  }
0xd2: {  	[sflag:s0] =	ssyncadd.remote.s32 $0x1  }
0xd3: {  	_ =	sfence.sel $0xFFFF  }
0xd4: {  	[dreg:$0x0] =	wrdreg $0xFFFFFFFF;
	(pc) =	sbr.abs _section_cstart, $3  }
0xd5: {  	[dreg:$0x1] =	wrdreg $0xFFFFFFFF  }
0xd6: {  	_ =	task.clear_ibuf [dreg:s22], $0x2FFFF;
	_ =	strace $0x9FFFFFFF  }
0xd7: {  	(tm) =	ssettm $0x7FFFFFFF  }
tec
execute0_lowered:
.L_overlay_start_1:
0x0: {  	(tag) =	ssettag $0x1  }
0x1: {  	s2 =	rddreg [dreg:$0x0];
	s0 =	srdreg.scid  }
0x2: {  	s3 =	stileid.u32;
	s1 =	rddreg [dreg:$0x1];
	s11 =	simm.s32 $0x7  }
0x3: {  	s12 =	simm.s32 $0x2780;
	s13 =	simm.s32 $0x50;
	s14 =	simm.s32 $0x4F00  }
0x4: {  	s15 =	simm.s32 $0x9F00;
	s16 =	simm.s32 $0x7700;
	s17 =	simm.s32 $0xC700  }
0x5: {  	s18 =	simm.s32 $0x1;
	s19 =	simm.s32 $0x3;
	s20 =	simm.s32 $0xEF00  }
0x6: {  	s21 =	simm.s32 $0x2;
	s22 =	simm.s32 $0x4;
	s23 =	simm.s32 $0x11700  }
0x7: {  	s24 =	simm.s32 $0x5;
	s0 =	sand.u32 $0x1, s0;
	s4 =	sshll.u32 s3, $0x1  }
0x8: {  	s25 =	simm.s32 $0x6;
	s26 =	simm.s32 $0x0;
	s5 =	sor.u32 s0, s4  }
0x9: {  	s3 =	simm.s32 $0x0;
	s0 =	ssub.s32 $0x2, s0;
	s4 =	smul.u32 $0x2710, s5  }
0xa: {  	[smem:$0x7FF] =	sst s3;
	s7 =	smul.u32 $0x138800, s5;
	s9 =	sshrl.u32 s0, $0x1  }
0xb: {  	_ =	strace $0x8000004A;
	s0 =	ssub.s32 s0, s9;
	s6 =	sshrl.u32 s4, $0x3  }
0xc: {  	s31 =	sshrl.u32 s7, $0x3;
	s8 =	sadd.s32 s6, s1;
	s6 =	sadd.s32 $0x47E00, s1  }
0xd: {  	s5 =	sadd.s32 $0x3000, s1;
	s10 =	smax.u32 s0, $0x1;
	s1 =	sadd.s32 s6, s31  }
0xe: {  	s7 =	sadd.s32 $0x34200, s8;
	s8 =	sadd.s32 $0x3E000, s8;
	s9 =	sadd.s32 $0x26C00, s1  }
.LBB2_1:
0xf: {  	[tilespmem:s3], [sflag:$0x7] =	stream.linear.gather [hbm4b:s7+s3], $0x2710, $0x38;
	[tilespmem:$0x13F00] =	vst v63  }
0x10: {  	_ =	swait.ge [sflag:s11], $0x2710  }
0x11: {  	[sflag:s11] =	ssyncset.done $0x0  }
0x12: {  	[sflag:s11] =	ssyncadd.s32 $0xFFFFD8F0  }
0x13: {  	[tilespmem:s12], [sflag:$0x7] =	stream.linear.gather [hbm4b:s8+s3], $0x2710, $0x38;
	[tilespmem:$0x13F00] =	vst v63  }
0x14: {  	_ =	swait.ge [sflag:s11], $0x2710  }
0x15: {  	[sflag:s11] =	ssyncset.done $0x0  }
0x16: {  	[sflag:s11] =	ssyncadd.s32 $0xFFFFD8F0  }
0x17: {  	[tilespmem:s14], [sflag:$0x1] =	stream.indirect.gather [hbm4b:s2+s13], $0x80, s3, s13, $0xb8;
	[tilespmem:$0x13F00] =	vst v63  }
0x18: {  	s28 =	simm.s32 $0x0  }
0x19: {  	[tilespmem:s15], [sflag:$0x3] =	stream.indirect.gather [hbm4b:s5+s13], $0x80, s12, s13, $0xb8;
	[tilespmem:$0x13F00] =	vst v63  }
.LBB2_2:
0x1a: {  	s30 =	smul.u32 $0xA0, s28;
	_ =	sdelay $0x1  }
0x1b: {  	s29 =	sadd.s32 $0x50, s30  }
0x1c: {  	[tilespmem:s16], [sflag:$0x2] =	stream.indirect.gather [hbm4b:s2+s13], $0x80, s29, s13, $0xb8;
	[tilespmem:$0x13F00] =	vst v63  }
0x1d: {  	s0 =	sadd.s32 $0x27D0, s30  }
0x1e: {  	[tilespmem:s17], [sflag:$0x4] =	stream.indirect.gather [hbm4b:s5+s13], $0x80, s0, s13, $0xb8;
	[tilespmem:$0x13F00] =	vst v63  }
0x1f: {  	_ =	swait.ge [sflag:s18], $0x2800  }
0x20: {  	[sflag:s18] =	ssyncset.done $0x0  }
0x21: {  	[sflag:s18] =	ssyncadd.s32 $0xFFFFD800  }
0x22: {  	_ =	swait.ge [sflag:s19], $0x2800  }
0x23: {  	p0 =	seq.s32 s28, $0x0;
	[sflag:s19] =	ssyncset.done $0x0  }
0x24: {  	s0 =	simm.s32 @!p0 $0x5;
	[sflag:s19] =	ssyncadd.s32 $0xFFFFD800  }
0x25: {  	_ =	swait.ge @!p0 [sflag:s0], $0x2800  }
0x26: {  	[sflag:s0] =	ssyncset.done @!p0 $0x0  }
0x27: {  	s31 =	simm.s32 $0x0;
	[sflag:s0] =	ssyncadd.s32 @!p0 $0xFFFFD800  }
0x28: {  	v0 =	vld [tilespmem:s31+$0x4F70]  }
0x29: {  	v1 =	vld [tilespmem:s31+$0x9F70]  }
0x2a: {  	v2 =	vld [tilespmem:s31+$0x4F00]  }
0x2b: {  	v3 =	vld [tilespmem:s31+$0x9F00]  }
0x2c: {  	v4 =	vld [tilespmem:s31+$0x4F10]  }
0x2d: {  	v5 =	vld [tilespmem:s31+$0x9F10]  }
0x2e: {  	v6 =	vld [tilespmem:s31+$0x4F20]  }
0x2f: {  	v7 =	vld [tilespmem:s31+$0x4F30]  }
0x30: {  	v0 =	vadd.f32 v1, v0;
	v1 =	vld [tilespmem:s31+$0x9F20]  }
0x31: {  	v8 =	vld [tilespmem:s31+$0x9F30]  }
0x32: {  	v9 =	vld [tilespmem:s31+$0x9F40];
	v2 =	vadd.f32 v3, v2  }
0x33: {  	[tilespmem:s31+$0xEF70] =	vst v0;
	v0 =	vadd.f32 v5, v4;
	v5 =	vld [tilespmem:s31+$0x4F40]  }
0x34: {  	v3 =	vld [tilespmem:s31+$0x9F50];
	[tilespmem:s31+$0xEF00] =	vst v2  }
0x35: {  	v2 =	vld [tilespmem:s31+$0x4F50];
	[tilespmem:s31+$0xEF10] =	vst v0;
	v0 =	vadd.f32 v1, v6  }
0x36: {  	v4 =	vld [tilespmem:s31+$0x9F60];
	v6 =	vadd.f32 v8, v7  }
0x37: {  	s1 =	simm.s32 $0x80;
	[tilespmem:s31+$0xEF20] =	vst v0;
	v0 =	vld [tilespmem:s31+$0x4F60]  }
0x38: {  	s0 =	simm.s32 $0x400;
	v5 =	vadd.f32 v9, v5;
	v1 =	vld [tilespmem:s1+$0x4F70];
	[tilespmem:s31+$0xEF30] =	vst v6  }
.LBB2_3:
0x39: {  	p1 =	sne.s32 s0, $0x9E00;
	v6 =	vld [tilespmem:s1+$0x9F70]  }
0x3a: {  	v7 =	vld [tilespmem:s1+$0x4F00];
	[tilespmem:s31+$0xEF40] =	vst v5;
	v2 =	vadd.f32 v3, v2  }
0x3b: {  	v3 =	vld [tilespmem:s1+$0x9F00]  }
0x3c: {  	v5 =	vld [tilespmem:s1+$0x4F10];
	[tilespmem:s31+$0xEF50] =	vst v2;
	v0 =	vadd.f32 v4, v0  }
0x3d: {  	v2 =	vld [tilespmem:s1+$0x9F10]  }
0x3e: {  	v4 =	vld [tilespmem:s1+$0x4F20];
	v1 =	vadd.f32 v6, v1;
	[tilespmem:s31+$0xEF60] =	vst v0;
	s31 =	smov.u32 s1  }
0x3f: {  	v0 =	vld [tilespmem:s31+$0x9F20]  }
0x40: {  	v3 =	vadd.f32 v3, v7;
	v6 =	vld [tilespmem:s31+$0x4F30];
	[tilespmem:s31+$0xEF70] =	vst v1  }
0x41: {  	v1 =	vld [tilespmem:s31+$0x9F30]  }
0x42: {  	[tilespmem:s31+$0xEF00] =	vst v3;
	v2 =	vadd.f32 v2, v5;
	v5 =	vld [tilespmem:s31+$0x4F40]  }
0x43: {  	v7 =	vld [tilespmem:s31+$0x9F40]  }
.Ltmp0:
0x44: {  	[tilespmem:s31+$0xEF10] =	vst v2;
	v0 =	vadd.f32 v0, v4;
	v2 =	vld [tilespmem:s31+$0x4F50];
	(pc) =	sbr.rel @p1 .LBB2_3-.Ltmp0, $4  }
0x45: {  	v3 =	vld [tilespmem:s31+$0x9F50]  }
0x46: {  	[tilespmem:s31+$0xEF20] =	vst v0;
	v6 =	vadd.f32 v1, v6;
	v0 =	vld [tilespmem:s31+$0x4F60]  }
0x47: {  	s1 =	sshra.s32 s0, $0x2;
	v4 =	vld [tilespmem:s31+$0x9F60]  }
0x48: {  	s0 =	sadd.s32 $0x200, s0;
	v1 =	vld [tilespmem:s1+$0x4F70];
	[tilespmem:s31+$0xEF30] =	vst v6;
	v5 =	vadd.f32 v7, v5  }
0x49: {  	v6 =	vld [tilespmem:s1+$0x9F70]  }
0x4a: {  	v7 =	vld [tilespmem:s1+$0x4F00];
	[tilespmem:s31+$0xEF40] =	vst v5;
	v2 =	vadd.f32 v3, v2  }
0x4b: {  	v3 =	vld [tilespmem:s1+$0x9F00]  }
0x4c: {  	v5 =	vld [tilespmem:s1+$0x4F10];
	[tilespmem:s31+$0xEF50] =	vst v2;
	v0 =	vadd.f32 v4, v0  }
0x4d: {  	v2 =	vld [tilespmem:s1+$0x9F10]  }
0x4e: {  	v4 =	vld [tilespmem:s1+$0x4F20];
	[tilespmem:s31+$0xEF60] =	vst v0  }
0x4f: {  	v0 =	vadd.f32 v6, v1;
	v1 =	vld [tilespmem:s1+$0x9F20]  }
0x50: {  	v6 =	vld [tilespmem:s1+$0x4F30]  }
0x51: {  	v3 =	vadd.f32 v3, v7;
	[tilespmem:s1+$0xEF70] =	vst v0;
	v0 =	vld [tilespmem:s1+$0x9F30]  }
0x52: {  	v7 =	vld [tilespmem:s1+$0x9F60]  }
0x53: {  	[tilespmem:s1+$0xEF00] =	vst v3;
	v2 =	vadd.f32 v2, v5;
	v3 =	vld [tilespmem:s1+$0x4F40]  }
0x54: {  	v5 =	vld [tilespmem:s1+$0x9F40]  }
0x55: {  	[tilespmem:s1+$0xEF10] =	vst v2;
	v1 =	vadd.f32 v1, v4;
	v2 =	vld [tilespmem:s1+$0x4F50]  }
0x56: {  	v4 =	vld [tilespmem:s1+$0x9F50]  }
0x57: {  	[tilespmem:s1+$0xEF20] =	vst v1;
	v1 =	vld [tilespmem:s1+$0x4F60];
	_ =	sdelay $0x1  }
0x58: {  	v0 =	vadd.f32 v0, v6  }
0x59: {  	v3 =	vadd.f32 v5, v3  }
0x5a: {  	[tilespmem:s1+$0xEF30] =	vst v0;
	v0 =	vadd.f32 v4, v2  }
0x5b: {  	s0 =	sadd.s32 s4, s30;
	[tilespmem:s1+$0xEF40] =	vst v3;
	v1 =	vadd.f32 v7, v1  }
0x5c: {  	s0 =	sshll.u32 s0, $0x4;
	[tilespmem:s1+$0xEF50] =	vst v0  }
0x5d: {  	s0 =	sadd.s32 s6, s0;
	[tilespmem:s1+$0xEF60] =	vst v1  }
0x5e: {  	[hbm4b:s0+s3] =	stream.linear.scatter [tilespmem:s20], [sflag:$0x5], $0x2800, $0x38;
	[tilespmem:$0x13F00] =	vst v63  }
0x5f: {  	s1 =	sadd.s32 $0xA0, s30  }
0x60: {  	[tilespmem:s14], [sflag:$0x1] =	stream.indirect.gather [hbm4b:s2+s13], $0x80, s1, s13, $0xb8;
	[tilespmem:$0x13F00] =	vst v63  }
0x61: {  	s31 =	sadd.s32 $0x2820, s30  }
0x62: {  	[tilespmem:s15], [sflag:$0x3] =	stream.indirect.gather [hbm4b:s5+s13], $0x80, s31, s13, $0xb8;
	[tilespmem:$0x13F00] =	vst v63  }
0x63: {  	_ =	swait.ge [sflag:s21], $0x2800  }
0x64: {  	[sflag:s21] =	ssyncset.done $0x0  }
0x65: {  	[sflag:s21] =	ssyncadd.s32 $0xFFFFD800  }
0x66: {  	_ =	swait.ge [sflag:s22], $0x2800  }
0x67: {  	[sflag:s22] =	ssyncset.done $0x0  }
0x68: {  	s0 =	simm.s32 @!p0 $0x6;
	[sflag:s22] =	ssyncadd.s32 $0xFFFFD800  }
0x69: {  	_ =	swait.ge @!p0 [sflag:s0], $0x2800  }
0x6a: {  	[sflag:s0] =	ssyncset.done @!p0 $0x0  }
0x6b: {  	s30 =	simm.s32 $0x0;
	[sflag:s0] =	ssyncadd.s32 @!p0 $0xFFFFD800  }
0x6c: {  	v0 =	vld [tilespmem:s30+$0x7770]  }
0x6d: {  	v1 =	vld [tilespmem:s30+$0xC770]  }
0x6e: {  	v2 =	vld [tilespmem:s30+$0x7700]  }
0x6f: {  	v3 =	vld [tilespmem:s30+$0xC700]  }
0x70: {  	v4 =	vld [tilespmem:s30+$0x7710]  }
0x71: {  	v5 =	vld [tilespmem:s30+$0xC710]  }
0x72: {  	v6 =	vld [tilespmem:s30+$0x7720]  }
0x73: {  	v7 =	vld [tilespmem:s30+$0x7730]  }
0x74: {  	v0 =	vadd.f32 v1, v0;
	v1 =	vld [tilespmem:s30+$0xC720]  }
0x75: {  	v8 =	vld [tilespmem:s30+$0xC730]  }
0x76: {  	v9 =	vld [tilespmem:s30+$0xC740];
	v2 =	vadd.f32 v3, v2  }
0x77: {  	[tilespmem:s30+$0x11770] =	vst v0;
	v0 =	vadd.f32 v5, v4;
	v5 =	vld [tilespmem:s30+$0x7740]  }
0x78: {  	v3 =	vld [tilespmem:s30+$0xC750];
	[tilespmem:s30+$0x11700] =	vst v2  }
0x79: {  	v2 =	vld [tilespmem:s30+$0x7750];
	[tilespmem:s30+$0x11710] =	vst v0;
	v0 =	vadd.f32 v1, v6  }
0x7a: {  	v4 =	vld [tilespmem:s30+$0xC760];
	v6 =	vadd.f32 v8, v7  }
0x7b: {  	s1 =	simm.s32 $0x80;
	[tilespmem:s30+$0x11720] =	vst v0;
	v0 =	vld [tilespmem:s30+$0x7760]  }
0x7c: {  	s0 =	simm.s32 $0x400;
	v5 =	vadd.f32 v9, v5;
	v1 =	vld [tilespmem:s1+$0x7770];
	[tilespmem:s30+$0x11730] =	vst v6  }
.LBB2_5:
0x7d: {  	p0 =	sne.s32 s0, $0x9E00;
	v6 =	vld [tilespmem:s1+$0xC770]  }
0x7e: {  	v7 =	vld [tilespmem:s1+$0x7700];
	[tilespmem:s30+$0x11740] =	vst v5;
	v2 =	vadd.f32 v3, v2  }
0x7f: {  	v3 =	vld [tilespmem:s1+$0xC700]  }
0x80: {  	v5 =	vld [tilespmem:s1+$0x7710];
	[tilespmem:s30+$0x11750] =	vst v2;
	v0 =	vadd.f32 v4, v0  }
0x81: {  	v2 =	vld [tilespmem:s1+$0xC710]  }
0x82: {  	v4 =	vld [tilespmem:s1+$0x7720];
	v1 =	vadd.f32 v6, v1;
	[tilespmem:s30+$0x11760] =	vst v0;
	s30 =	smov.u32 s1  }
0x83: {  	v0 =	vld [tilespmem:s30+$0xC720]  }
0x84: {  	v3 =	vadd.f32 v3, v7;
	v6 =	vld [tilespmem:s30+$0x7730];
	[tilespmem:s30+$0x11770] =	vst v1  }
0x85: {  	v1 =	vld [tilespmem:s30+$0xC730]  }
0x86: {  	[tilespmem:s30+$0x11700] =	vst v3;
	v2 =	vadd.f32 v2, v5;
	v5 =	vld [tilespmem:s30+$0x7740]  }
0x87: {  	v7 =	vld [tilespmem:s30+$0xC740]  }
.Ltmp1:
0x88: {  	[tilespmem:s30+$0x11710] =	vst v2;
	v0 =	vadd.f32 v0, v4;
	v2 =	vld [tilespmem:s30+$0x7750];
	(pc) =	sbr.rel @p0 .LBB2_5-.Ltmp1, $4  }
0x89: {  	v3 =	vld [tilespmem:s30+$0xC750]  }
0x8a: {  	[tilespmem:s30+$0x11720] =	vst v0;
	v6 =	vadd.f32 v1, v6;
	v0 =	vld [tilespmem:s30+$0x7760]  }
0x8b: {  	s1 =	sshra.s32 s0, $0x2;
	v4 =	vld [tilespmem:s30+$0xC760]  }
0x8c: {  	s0 =	sadd.s32 $0x200, s0;
	v1 =	vld [tilespmem:s1+$0x7770];
	[tilespmem:s30+$0x11730] =	vst v6;
	v5 =	vadd.f32 v7, v5  }
0x8d: {  	v6 =	vld [tilespmem:s1+$0xC770]  }
0x8e: {  	v7 =	vld [tilespmem:s1+$0x7700];
	[tilespmem:s30+$0x11740] =	vst v5;
	v2 =	vadd.f32 v3, v2  }
0x8f: {  	v51 =	vld [tilespmem:s1+$0xC700]  }
0x90: {  	v5 =	vld [tilespmem:s1+$0x7710];
	[tilespmem:s30+$0x11750] =	vst v2;
	v0 =	vadd.f32 v4, v0  }
0x91: {  	v2 =	vld [tilespmem:s1+$0xC710]  }
0x92: {  	v52 =	vld [tilespmem:s1+$0x7720];
	[tilespmem:s30+$0x11760] =	vst v0  }
0x93: {  	v54 =	vld [tilespmem:s1+$0xC720]  }
0x94: {  	v55 =	vld [tilespmem:s1+$0x7730]  }
0x95: {  	v56 =	vld [tilespmem:s1+$0xC730]  }
0x96: {  	v57 =	vld [tilespmem:s1+$0x7740]  }
0x97: {  	v58 =	vld [tilespmem:s1+$0xC740]  }
0x98: {  	v59 =	vld [tilespmem:s1+$0x7750]  }
0x99: {  	v53 =	vadd.f32 v6, v1;
	v60 =	vld [tilespmem:s1+$0xC750]  }
0x9a: {  	v61 =	vld [tilespmem:s1+$0x7760];
	v3 =	vadd.f32 v51, v7  }
0x9b: {  	v62 =	vld [tilespmem:s1+$0xC760];
	[tilespmem:s1+$0x11770] =	vst v53;
	v2 =	vadd.f32 v2, v5  }
0x9c: {  	[tilespmem:s1+$0x11700] =	vst v3;
	v1 =	vadd.f32 v54, v52  }
0x9d: {  	s28 =	sadd.s32 $0x1, s28;
	[tilespmem:s1+$0x11710] =	vst v2;
	v0 =	vadd.f32 v56, v55  }
0x9e: {  	p0 =	sne.s32 s28, $0x3E;
	v3 =	vadd.f32 v58, v57;
	[tilespmem:s1+$0x11720] =	vst v1  }
.Ltmp2:
0x9f: {  	v63 =	vadd.f32 v60, v59;
	[tilespmem:s1+$0x11730] =	vst v0;
	(pc) =	sbr.rel @p0 .LBB2_2-.Ltmp2, $4  }
0xa0: {  	s0 =	sadd.s32 s4, s29;
	[tilespmem:s1+$0x11740] =	vst v3;
	v1 =	vadd.f32 v62, v61  }
0xa1: {  	s0 =	sshll.u32 s0, $0x4;
	[tilespmem:s1+$0x11750] =	vst v63  }
0xa2: {  	s0 =	sadd.s32 s6, s0;
	[tilespmem:s1+$0x11760] =	vst v1  }
0xa3: {  	[hbm4b:s0+s3] =	stream.linear.scatter [tilespmem:s23], [sflag:$0x6], $0x2800, $0x38;
	[tilespmem:$0x13F00] =	vst v63  }
0xa4: {  	_ =	swait.ge [sflag:s18], $0x2800  }
0xa5: {  	[sflag:s18] =	ssyncset.done $0x0  }
0xa6: {  	[sflag:s18] =	ssyncadd.s32 $0xFFFFD800  }
0xa7: {  	_ =	swait.ge [sflag:s19], $0x2800  }
0xa8: {  	[sflag:s19] =	ssyncset.done $0x0  }
0xa9: {  	[sflag:s19] =	ssyncadd.s32 $0xFFFFD800  }
0xaa: {  	_ =	swait.ge [sflag:s24], $0x2800  }
0xab: {  	[sflag:s24] =	ssyncset.done $0x0  }
0xac: {  	s28 =	simm.s32 $0x0;
	[sflag:s24] =	ssyncadd.s32 $0xFFFFD800  }
0xad: {  	v0 =	vld [tilespmem:s28+$0x4F70]  }
0xae: {  	v1 =	vld [tilespmem:s28+$0x9F70]  }
0xaf: {  	v2 =	vld [tilespmem:s28+$0x4F00]  }
0xb0: {  	v3 =	vld [tilespmem:s28+$0x9F00]  }
0xb1: {  	v4 =	vld [tilespmem:s28+$0x4F10]  }
0xb2: {  	v5 =	vld [tilespmem:s28+$0x9F10]  }
0xb3: {  	v6 =	vld [tilespmem:s28+$0x4F20]  }
0xb4: {  	v7 =	vld [tilespmem:s28+$0x4F30]  }
0xb5: {  	v0 =	vadd.f32 v1, v0;
	v1 =	vld [tilespmem:s28+$0x9F20]  }
0xb6: {  	v8 =	vld [tilespmem:s28+$0x9F30]  }
0xb7: {  	v9 =	vld [tilespmem:s28+$0x9F40];
	v2 =	vadd.f32 v3, v2  }
0xb8: {  	[tilespmem:s28+$0xEF70] =	vst v0;
	v0 =	vadd.f32 v5, v4;
	v5 =	vld [tilespmem:s28+$0x4F40]  }
0xb9: {  	v3 =	vld [tilespmem:s28+$0x9F50];
	[tilespmem:s28+$0xEF00] =	vst v2  }
0xba: {  	v2 =	vld [tilespmem:s28+$0x4F50];
	[tilespmem:s28+$0xEF10] =	vst v0;
	v0 =	vadd.f32 v1, v6  }
0xbb: {  	v4 =	vld [tilespmem:s28+$0x9F60];
	v6 =	vadd.f32 v8, v7  }
0xbc: {  	s1 =	simm.s32 $0x80;
	[tilespmem:s28+$0xEF20] =	vst v0;
	v0 =	vld [tilespmem:s28+$0x4F60]  }
0xbd: {  	s0 =	simm.s32 $0x400;
	v5 =	vadd.f32 v9, v5;
	v1 =	vld [tilespmem:s1+$0x4F70];
	[tilespmem:s28+$0xEF30] =	vst v6  }
.LBB2_8:
0xbe: {  	p0 =	sne.s32 s0, $0x9E00;
	v6 =	vld [tilespmem:s1+$0x9F70]  }
0xbf: {  	v7 =	vld [tilespmem:s1+$0x4F00];
	[tilespmem:s28+$0xEF40] =	vst v5;
	v2 =	vadd.f32 v3, v2  }
0xc0: {  	v3 =	vld [tilespmem:s1+$0x9F00]  }
0xc1: {  	v5 =	vld [tilespmem:s1+$0x4F10];
	[tilespmem:s28+$0xEF50] =	vst v2;
	v0 =	vadd.f32 v4, v0  }
0xc2: {  	v2 =	vld [tilespmem:s1+$0x9F10]  }
0xc3: {  	v4 =	vld [tilespmem:s1+$0x4F20];
	v1 =	vadd.f32 v6, v1;
	[tilespmem:s28+$0xEF60] =	vst v0;
	s28 =	smov.u32 s1  }
0xc4: {  	v0 =	vld [tilespmem:s28+$0x9F20]  }
0xc5: {  	v3 =	vadd.f32 v3, v7;
	v6 =	vld [tilespmem:s28+$0x4F30];
	[tilespmem:s28+$0xEF70] =	vst v1  }
0xc6: {  	v1 =	vld [tilespmem:s28+$0x9F30]  }
0xc7: {  	[tilespmem:s28+$0xEF00] =	vst v3;
	v2 =	vadd.f32 v2, v5;
	v5 =	vld [tilespmem:s28+$0x4F40]  }
0xc8: {  	v7 =	vld [tilespmem:s28+$0x9F40]  }
.Ltmp3:
0xc9: {  	[tilespmem:s28+$0xEF10] =	vst v2;
	v0 =	vadd.f32 v0, v4;
	v2 =	vld [tilespmem:s28+$0x4F50];
	(pc) =	sbr.rel @p0 .LBB2_8-.Ltmp3, $4  }
0xca: {  	v3 =	vld [tilespmem:s28+$0x9F50]  }
0xcb: {  	[tilespmem:s28+$0xEF20] =	vst v0;
	v6 =	vadd.f32 v1, v6;
	v0 =	vld [tilespmem:s28+$0x4F60]  }
0xcc: {  	s1 =	sshra.s32 s0, $0x2;
	v4 =	vld [tilespmem:s28+$0x9F60]  }
0xcd: {  	s0 =	sadd.s32 $0x200, s0;
	v1 =	vld [tilespmem:s1+$0x4F70];
	[tilespmem:s28+$0xEF30] =	vst v6;
	v5 =	vadd.f32 v7, v5  }
0xce: {  	v6 =	vld [tilespmem:s1+$0x9F70]  }
0xcf: {  	v7 =	vld [tilespmem:s1+$0x4F00];
	[tilespmem:s28+$0xEF40] =	vst v5;
	v2 =	vadd.f32 v3, v2  }
0xd0: {  	v51 =	vld [tilespmem:s1+$0x9F00]  }
0xd1: {  	v5 =	vld [tilespmem:s1+$0x4F10];
	[tilespmem:s28+$0xEF50] =	vst v2;
	v0 =	vadd.f32 v4, v0  }
0xd2: {  	v2 =	vld [tilespmem:s1+$0x9F10]  }
0xd3: {  	v52 =	vld [tilespmem:s1+$0x4F20];
	[tilespmem:s28+$0xEF60] =	vst v0  }
0xd4: {  	v54 =	vld [tilespmem:s1+$0x9F20]  }
0xd5: {  	v55 =	vld [tilespmem:s1+$0x4F30]  }
0xd6: {  	v56 =	vld [tilespmem:s1+$0x9F30]  }
0xd7: {  	v57 =	vld [tilespmem:s1+$0x4F40]  }
0xd8: {  	v58 =	vld [tilespmem:s1+$0x9F40]  }
0xd9: {  	v59 =	vld [tilespmem:s1+$0x4F50]  }
0xda: {  	v53 =	vadd.f32 v6, v1;
	v60 =	vld [tilespmem:s1+$0x9F50]  }
0xdb: {  	v61 =	vld [tilespmem:s1+$0x4F60];
	v3 =	vadd.f32 v51, v7  }
0xdc: {  	v62 =	vld [tilespmem:s1+$0x9F60];
	[tilespmem:s1+$0xEF70] =	vst v53;
	v2 =	vadd.f32 v2, v5  }
0xdd: {  	[tilespmem:s1+$0xEF00] =	vst v3;
	v1 =	vadd.f32 v54, v52  }
0xde: {  	[tilespmem:s1+$0xEF10] =	vst v2;
	v0 =	vadd.f32 v56, v55  }
0xdf: {  	v3 =	vadd.f32 v58, v57;
	[tilespmem:s1+$0xEF20] =	vst v1  }
0xe0: {  	v63 =	vadd.f32 v60, v59;
	[tilespmem:s1+$0xEF30] =	vst v0  }
0xe1: {  	[tilespmem:s1+$0xEF40] =	vst v3;
	v1 =	vadd.f32 v62, v61  }
0xe2: {  	[tilespmem:s1+$0xEF50] =	vst v63  }
0xe3: {  	s26 =	sadd.s32 $0x1, s26;
	[tilespmem:s1+$0xEF60] =	vst v1  }
0xe4: {  	[hbm4b:s9+s3] =	stream.linear.scatter [tilespmem:s20], [sflag:$0x5], $0x2800, $0x38;
	[tilespmem:$0x13F00] =	vst v63  }
0xe5: {  	p0 =	sne.s32 s26, s10;
	_ =	swait.ge [sflag:s25], $0x2800  }
.Ltmp4:
0xe6: {  	[sflag:s25] =	ssyncset.done $0x0;
	(pc) =	sbr.rel @p0 .LBB2_1-.Ltmp4, $4  }
0xe7: {  	[sflag:s25] =	ssyncadd.s32 $0xFFFFD800  }
0xe8: {  	_ =	swait.ge [sflag:s24], $0x2800  }
0xe9: {  	[sflag:s24] =	ssyncset.done $0x0  }
0xea: {  	[sflag:s24] =	ssyncadd.s32 $0xFFFFD800  }
0xeb: {  	_ =	sfence.sel $0x180000  }
0xec: {  	[bflag:$0x0] =	sbarrier.arrive $0xFFFF  }
0xed: {  	_ =	strace $0x9000004A  }
0xee: {  	s0 =	stileid.u32;
	[bflag:$0x2] =	sbarrier.arrive $0xFFFF  }
0xef: {  	p0 =	sne.s32 s0, $0x0;
	s0 =	rddreg [dreg:$0x2]  }
0xf0: {  	s0 =	sadd.s32 @!p0 $0x100000, s0  }
0xf1: {  	[sflag:s0] =	ssyncadd.tile.s32 @!p0 $0x1;
	_ =	shalt  }
.Lfunc_end2:
_tile_overlayer_lowered:
.L_overlay_start_2:
0xf2: {  	(tag) =	ssettag $0x2  }
0xf3: {  	s0 =	rddreg [dreg:$0x0];
	s2 =	stileid.u32  }
0xf4: {  	s1 =	rddreg [dreg:$0x1];
	p0 =	sne.s32 s2, $0x0  }
0xf5: {  	s3 =	rddreg [dreg:$0x2];
	[bflag:$0x3] =	sbarrier.arrive $0xFFFF;
	s2 =	simm.s32 @!p0 $0x1C07  }
0xf6: {  	[timem:s3], [sflag:s2] =	dma.local @!p0 [hbm:s0], s1  }
0xf7: {  	s0 =	simm.s32 @!p0 $0x7  }
0xf8: {  	_ =	swait.ge @!p0 [sflag:s0], s1  }
0xf9: {  	s1 =	ssub.s32 @!p0 $0x0, s1;
	[sflag:s0] =	ssyncset.done @!p0 $0x0  }
0xfa: {  	[sflag:s0] =	ssyncadd.s32 @!p0 s1  }
0xfb: {  	[bflag:$0x3] =	sbarrier.arrive $0xFFFF  }
0xfc: {  	_ =	shalt  }

// kernel: kernel.14.cloned.1.call-start
scs
__scs_entry_jumppad:
0x0: {  	(pc) =	sbr.rel $0x88, $3  }
0x1: {  	(tag) =	ssettag $0x0;
	lr =	simm.s32 $0x1  }
0x2: {  	[smem:$0x3F90] =	sst lr;
	_ =	strace $0xD0000000  }
0x3: {  	_ = 	snop  }
0x4: {  	_ = 	snop  }
0x5: {  	_ = 	snop  }
0x6: {  	_ = 	snop  }
0x7: {  	_ = 	snop  }
__scs_overlays_trampoline_lowered:
0x8: {  	[smem:$0x3F9F] =	sst s0  }
0x9: {  	[smem:$0x3FA0] =	sst s1  }
0xa: {  	[smem:$0x3FA1] =	sst s2  }
0xb: {  	[smem:$0x3FA2] =	sst s3  }
0xc: {  	[smem:$0x3FA3] =	sst s4  }
0xd: {  	[smem:$0x3FA4] =	sst s5  }
0xe: {  	[smem:$0x3FA5] =	sst s6  }
0xf: {  	[smem:$0x3FA6] =	sst s7  }
0x10: {  	[smem:$0x3FA7] =	sst s8  }
0x11: {  	[smem:$0x3FA8] =	sst s9;
	s0 =	simm.s32 @!p0 $0x0  }
0x12: {  	s1 =	sld [smem:$0x3F8E];
	s0 =	simm.s32 @p0 $0x1  }
0x13: {  	[smem:$0x3FA9] =	sst s0;
	s0 =	simm.s32 @!p1 $0x0  }
0x14: {  	s2 =	sld [smem:$0x3F8D];
	s0 =	simm.s32 @p1 $0x1  }
0x15: {  	[smem:$0x3FAA] =	sst s0;
	s0 =	simm.s32 @!p2 $0x0  }
0x16: {  	s3 =	sld [smem:$0x3FDB];
	s0 =	simm.s32 @p2 $0x1  }
0x17: {  	s4 =	simm.s32 $0x1BF5;
	[smem:$0x3FAC] =	sst s0  }
0x18: {  	s0 =	sld [smem:$0x3F8F];
	_ =	swait.ge [sflag:s4], $0x0  }
0x19: {  	s7 =	sld [smem:$0x3F90]  }
0x1a: {  	s8 =	sadd.s32 $0xFFFFE003, lr  }
0x1b: {  	s9 =	sadd.s32 $0xFFFFFEF7, lr;
	s5 =	simm.s32 $0xFFFFFFFF;
	p2 =	slt.u32 s8, $0xFFFFF086  }
0x1c: {  	p1 =	slt.u32 s9, $0xF7A;
	s5 =	simm.s32 @!p2 $0x0  }
0x1d: {  	s5 =	simm.s32 @p1 $0x1;
	p0 =	seq.s32 s7, s2  }
0x1e: {  	s7 =	smul.u32 @!p0 $0xF7A, s2;
	p2 =	seq.s32 @!p0 s5, $0x0  }
0x1f: {  	s9 =	smul.u32 $0xF7A, s1;
	s8 =	simm.s32 @!p0 $0x1BF5;
	p2 =	por !p2, p0  }
0x20: {  	[sflag:s8] =	ssyncset.s32 @!p0 $0xFFFFF086;
	s6 =	sadd.s32 @!p0 s3, s7;
	s7 =	simm.s32 @!p0 $0x108  }
0x21: {  	s3 =	sadd.s32 s3, s9;
	s6 =	sadd.s32 @!p0 $0x88, s6;
	s7 =	simm.s32 @p2 $0x1082  }
0x22: {  	[simem:s7], [sflag:s8] =	dma.local @!p0 [hbm:s6], $0xF7A  }
0x23: {  	s9 =	sor.u32 $0xD0000000, s2;
	s6 =	simm.s32 $0x108;
	_ =	swait.ge @!p0 [sflag:s8], $0x0  }
0x24: {  	s3 =	sadd.s32 $0x88, s3;
	s6 =	simm.s32 @!p1 $0x1082;
	[sflag:s4] =	ssyncset.s32 $0xFFFFF086  }
0x25: {  	[simem:s6], [sflag:s4] =	dma.local [hbm:s3], $0xF7A  }
0x26: {  	[smem:$0x3F90] =	sst s1;
	(tag) =	ssettag s2;
	_ =	strace s9  }
0x27: {  	s1 =	sld [smem:$0x3FA0]  }
0x28: {  	s2 =	sld [smem:$0x3FA1]  }
0x29: {  	s4 =	sld [smem:$0x3FA3]  }
0x2a: {  	p0 =	seq.s32 s5, $0x0;
	s5 =	sld [smem:$0x3FA4]  }
0x2b: {  	s6 =	sld [smem:$0x3FA5]  }
0x2c: {  	s7 =	sld [smem:$0x3FA6]  }
0x2d: {  	s3 =	simm.s32 $0x108;
	s8 =	sld [smem:$0x3FA7]  }
0x2e: {  	s3 =	simm.s32 @!p0 $0x1082;
	s9 =	sld [smem:$0x3FA8]  }
0x2f: {  	lr =	sadd.s32 s0, s3;
	s0 =	sld [smem:$0x3F9F]  }
0x30: {  	s3 =	sld [smem:$0x3FA2]  }
0x31: {  	[smem:$0x3FAB] =	sst s10  }
0x32: {  	s10 =	sld [smem:$0x3FA9];
	_ =	sdelay $0x3  }
0x33: {  	p0 =	seq.s32 s10, $0x1;
	s10 =	sld [smem:$0x3FAB];
	_ =	sdelay $0x3  }
0x34: {  	[smem:$0x3FAB] =	sst s10  }
0x35: {  	s10 =	sld [smem:$0x3FAA];
	_ =	sdelay $0x3  }
0x36: {  	p1 =	seq.s32 s10, $0x1;
	s10 =	sld [smem:$0x3FAB];
	_ =	sdelay $0x3  }
0x37: {  	[smem:$0x3FAB] =	sst s10  }
0x38: {  	s10 =	sld [smem:$0x3FAC]  }
0x39: {  	_ = 	snop;
	(pc) =	sbr.ind lr, $3  }
0x3a: {  	_ = 	snop  }
0x3b: {  	_ = 	snop  }
0x3c: {  	p2 =	seq.s32 s10, $0x1;
	s10 =	sld [smem:$0x3FAB]  }
0x3d: {  	_ =	shalt  }
0x3e: {  	_ =	shalt  }
0x3f: {  	_ =	shalt  }
0x40: {  	_ =	shalt  }
0x41: {  	_ =	shalt  }
0x42: {  	_ =	shalt  }
0x43: {  	_ =	shalt  }
0x44: {  	_ =	shalt  }
0x45: {  	_ =	shalt  }
0x46: {  	_ =	shalt  }
0x47: {  	_ =	shalt  }
0x48: {  	_ =	shalt  }
0x49: {  	_ =	shalt  }
0x4a: {  	_ =	shalt  }
0x4b: {  	_ =	shalt  }
0x4c: {  	_ =	shalt  }
0x4d: {  	_ =	shalt  }
0x4e: {  	_ =	shalt  }
0x4f: {  	_ =	shalt  }
0x50: {  	_ =	shalt  }
0x51: {  	_ =	shalt  }
0x52: {  	_ =	shalt  }
0x53: {  	_ =	shalt  }
0x54: {  	_ =	shalt  }
0x55: {  	_ =	shalt  }
0x56: {  	_ =	shalt  }
0x57: {  	_ =	shalt  }
0x58: {  	_ =	shalt  }
0x59: {  	_ =	shalt  }
0x5a: {  	_ =	shalt  }
0x5b: {  	_ =	shalt  }
0x5c: {  	_ =	shalt  }
0x5d: {  	_ =	shalt  }
0x5e: {  	_ =	shalt  }
0x5f: {  	_ =	shalt  }
0x60: {  	_ =	shalt  }
0x61: {  	_ =	shalt  }
0x62: {  	_ =	shalt  }
0x63: {  	_ =	shalt  }
0x64: {  	_ =	shalt  }
0x65: {  	_ =	shalt  }
0x66: {  	_ =	shalt  }
0x67: {  	_ =	shalt  }
0x68: {  	_ =	shalt  }
0x69: {  	_ =	shalt  }
0x6a: {  	_ =	shalt  }
0x6b: {  	_ =	shalt  }
0x6c: {  	_ =	shalt  }
0x6d: {  	_ =	shalt  }
0x6e: {  	_ =	shalt  }
0x6f: {  	_ =	shalt  }
0x70: {  	_ =	shalt  }
0x71: {  	_ =	shalt  }
0x72: {  	_ =	shalt  }
0x73: {  	_ =	shalt  }
0x74: {  	_ =	shalt  }
0x75: {  	_ =	shalt  }
0x76: {  	_ =	shalt  }
0x77: {  	_ =	shalt  }
0x78: {  	_ =	shalt  }
0x79: {  	_ =	shalt  }
0x7a: {  	_ =	shalt  }
0x7b: {  	_ =	shalt  }
0x7c: {  	_ =	shalt  }
0x7d: {  	_ =	shalt  }
0x7e: {  	_ =	shalt  }
0x7f: {  	_ =	shalt  }
0x80: {  	_ =	shalt  }
0x81: {  	_ =	shalt  }
0x82: {  	_ =	shalt  }
0x83: {  	_ =	shalt  }
0x84: {  	_ =	shalt  }
0x85: {  	_ =	shalt  }
0x86: {  	_ =	shalt  }
0x87: {  	_ =	shalt  }
.Lfunc_end0:
.L_simem_size_0:
called_computation.2_lowered:
.L_overlay_start_0:
0x88: {  	s2 =	sld [smem:$0x3FD9]  }
0x89: {  	s3 =	sld [smem:$0x3FFE];
	_ =	sdelay $0x1  }
0x8a: {  	s1 =	srdreg.scid  }
0x8b: {  	s0 =	sand.u32 $0x1, s1  }
0x8c: {  	s16 =	sshll.u32 s0, $0xA;
	s2 =	sadd.s32 s3, s2  }
0x8d: {  	s2 =	sadd.s32 s2, s16  }
0x8e: {  	[smem:$0x3FB7] =	sst s2  }
0x8f: {  	_ = 	snop  }
0x90: {  	(tm) =	ssettm $0x1  }
0x91: {  	s17 =	sld [smem:$0x3FFB];
	_ =	sdelay $0x3  }
0x92: {  	_ =	strace s17  }
0x93: {  	s2 =	sld [smem:$0x3FFC];
	_ =	sdelay $0x3  }
0x94: {  	_ =	strace s2  }
0x95: {  	s2 =	sld [smem:$0x3FFD];
	_ =	sdelay $0x3  }
0x96: {  	_ =	strace s2  }
0x97: {  	_ =	strace $0x8FFFFFFF  }
0x98: {  	s18 =	sld [smem:$0x3FDB];
	_ =	sdelay $0x1  }
0x99: {  	s19 =	simm.s32 $_scs_section_size  }
0x9a: {  	s4 =	simm.s32 $_size__tile_overlayer_lowered;
	s5 =	simm.s32 $_tile_overlayer_lowered  }
0x9b: {  	s22 =	simm.s32 $0x1BFF;
	s21 =	sshll.u32 s5, $0x1;
	s2 =	sadd.s32 s19, s18  }
0x9c: {  	s6 =	simm.s32 $0x0;
	s20 =	sshll.u32 s4, $0x1;
	s4 =	sadd.s32 s21, s2  }
0x9d: {  	[timem:s6], [sflag:s22] =	dma.local [hbm:s4], s20  }
0x9e: {  	_ =	swait.ge [sflag:s22], s20  }
0x9f: {  	s3 =	ssub.s32 $0x0, s20;
	[sflag:s22] =	ssyncset.done $0x0  }
0xa0: {  	[sflag:s22] =	ssyncadd.s32 s3;
	_ =	sdelay $0x1  }
0xa1: {  	s23 =	simm.s32 $0x1B8B  }
0xa2: {  	_ =	swait.ge [sflag:s23], $0x1  }
0xa3: {  	[sflag:s23] =	ssyncset.done $0x0  }
0xa4: {  	s25 =	simm.s32 $0x1B8E;
	s24 =	sld [smem:$0x3FFE];
	[sflag:s23] =	ssyncadd.s32 $0xFFFFFFFF  }
0xa5: {  	s26 =	simm.s32 $execute0_lowered;
	[smem:$0x3FD2] =	sst s25  }
0xa6: {  	s4 =	sshll.u32 s26, $0x1;
	_ =	strace $0x8000004C;
	[dreg:$0x1] =	wrdreg $0xFFFFFFFF  }
0xa7: {  	s28 =	simm.s32 $_size_execute0_lowered;
	s2 =	sadd.s32 s2, s4;
	[dreg:$0x0] =	wrdreg $0x0  }
0xa8: {  	s4 =	sshll.u32 s28, $0x1;
	[dreg:$0x2] =	wrdreg s2  }
0xa9: {  	[dreg:$0x3] =	wrdreg s4  }
0xaa: {  	[dreg:$0x4] =	wrdreg $0xC0  }
0xab: {  	_ =	task [dreg:s6], $0x5FFFF  }
0xac: {  	[dreg:$0x1] =	wrdreg $0xFFFFFFFF  }
0xad: {  	[dreg:$0x0] =	wrdreg $0x60  }
0xae: {  	[dreg:$0x2] =	wrdreg s24  }
0xaf: {  	[dreg:$0x3] =	wrdreg $0x85000  }
0xb0: {  	[dreg:$0x4] =	wrdreg $0x9  }
0xb1: {  	_ =	task.clear_ibuf [dreg:s6], $0x5FFFF;
	_ =	strace $0x9000004C  }
0xb2: {  	s29 =	simm.s32 $0x9;
	_ =	strace $0x8000004E  }
0xb3: {  	_ =	swait.ge [sflag:s29], $0x1  }
0xb4: {  	[sflag:s29] =	ssyncadd.s32 $0xFFFFFFFF  }
0xb5: {  	_ =	strace $0x9000004E  }
0xb6: {  	_ =	sfence  }
0xb7: {  	s30 =	sld [smem:$0x0];
	_ =	sdelay $0x2  }
0xb8: {  	s31 =	sshll.u32 s1, $0xD;
	s1 =	sshrl.u32 s1, $0x2  }
0xb9: {  	s3 =	sand.u32 $0x4000, s31;
	s1 =	sadd.s32 s1, s30  }
0xba: {  	s0 =	sor.u32 s3, s0;
	s1 =	sshll.u32 s1, $0x11  }
0xbb: {  	s0 =	sor.u32 s1, s0  }
0xbc: {  	s0 =	sadd.s32 $0x8F2B, s0  }
0xbd: {  	[sflag:s0] =	ssyncadd.remote.s32 $0x1  }
0xbe: {  	_ =	sfence.sel $0xFFFF  }
0xbf: {  	[dreg:$0x0] =	wrdreg $0xFFFFFFFF;
	(pc) =	sbr.abs _section_cstart, $3  }
0xc0: {  	[dreg:$0x1] =	wrdreg $0xFFFFFFFF  }
0xc1: {  	_ =	task.clear_ibuf [dreg:s6], $0x2FFFF;
	_ =	strace $0x9FFFFFFF  }
0xc2: {  	(tm) =	ssettm $0x7FFFFFFF  }
0xc3: {  	_ =	shalt  }
tec
execute0_lowered:
.L_overlay_start_1:
0x0: {  	(tag) =	ssettag $0x1  }
0x1: {  	s0 =	rddreg [dreg:$0x0]  }
0x2: {  	s1 =	rddreg [dreg:$0x1];
	s2 =	simm.s32 $0x0;
	s3 =	srdreg.scid  }
0x3: {  	s8 =	stileid.u32;
	s28 =	simm.s32 $0x80;
	s29 =	simm.s32 $0x2900  }
0x4: {  	s30 =	simm.s32 $0x1;
	s31 =	simm.s32 $0x3;
	s9 =	smul.u32 $0x2710, s8  }
0x5: {  	[smem:$0x7FF] =	sst s2;
	s5 =	sand.u32 $0x1, s3;
	s13 =	smul.u32 $0x270, s8  }
0x6: {  	s15 =	sadd.s32 $0x529E00, s0;
	s3 =	sadd.s32 $0x3E000, s0;
	s11 =	smul.u32 $0x4E000, s8  }
0x7: {  	p0 =	sne.s32 s8, $0x0;
	s6 =	smul.u32 $0x27100, s5;
	s4 =	ssub.s32 $0x2, s5  }
0x8: {  	_ =	strace $0x8000004D;
	s5 =	smul.u32 $0x271000, s5;
	s7 =	sshrl.u32 s4, $0x1  }
0x9: {  	s20 =	sshrl.u32 s11, $0x2;
	s16 =	sadd.s32 $0x68, s13;
	s0 =	sadd.s32 s6, s0  }
0xa: {  	s10 =	ssub.s32 s4, s7;
	s4 =	sadd.s32 $0x138000, s1;
	s6 =	sadd.s32 s9, s6  }
0xb: {  	s21 =	sshll.u32 s16, $0x7;
	s26 =	sshll.u32 s16, $0x4;
	s5 =	sadd.s32 s5, s15  }
0xc: {  	s17 =	sshrl.u32 s6, $0x3;
	s9 =	sshll.u32 s6, $0x4;
	s19 =	smax.u32 s10, $0x1  }
0xd: {  	s10 =	sadd.s32 s21, s1;
	s21 =	smul.u32 $0x2700, s8;
	s16 =	sadd.s32 $0xA0, s6  }
0xe: {  	s7 =	sadd.s32 s3, s17;
	s18 =	sadd.s32 s15, s9;
	[dreg:$0x5] =	wrdreg s19  }
0xf: {  	s9 =	sadd.s32 s20, s1;
	s17 =	sadd.s32 $0xD0, s13;
	[dreg:$0x3] =	wrdreg s7  }
0x10: {  	s19 =	sadd.s32 $0x1A0, s13;
	s20 =	sadd.s32 $0x208, s13;
	[dreg:$0x4] =	wrdreg s18  }
0x11: {  	s7 =	sadd.s32 $0x47E00, s0;
	s22 =	sshll.u32 s17, $0x7;
	s18 =	sadd.s32 $0x138, s13  }
0x12: {  	s24 =	sshll.u32 s19, $0x7;
	s25 =	sshll.u32 s20, $0x7;
	s20 =	sshll.u32 s20, $0x4  }
0x13: {  	s11 =	sadd.s32 s22, s1;
	s23 =	sshll.u32 s18, $0x7;
	s13 =	sadd.s32 s24, s1  }
0x14: {  	s14 =	sadd.s32 s25, s1;
	s22 =	sshll.u32 s17, $0x4;
	s17 =	smul.u32 $0x27100, s8  }
0x15: {  	s24 =	sshll.u32 s19, $0x4;
	s21 =	sadd.s32 s21, s7;
	s0 =	sadd.s32 s26, s7  }
0x16: {  	s26 =	sadd.s32 s20, s7;
	s8 =	simm.s32 $0x0;
	s12 =	sadd.s32 s23, s1  }
0x17: {  	s23 =	sshll.u32 s18, $0x4;
	s18 =	sadd.s32 $0x50, s6;
	[dreg:$0x6] =	wrdreg s21  }
0x18: {  	[dreg:$0x7] =	wrdreg s0;
	s22 =	sadd.s32 s22, s7;
	s25 =	sadd.s32 s24, s7  }
0x19: {  	[dreg:$0xb] =	wrdreg s26;
	s26 =	simm.s32 $0x100;
	s0 =	simm.s32 $0x50  }
0x1a: {  	s6 =	simm.s32 $0x4;
	s5 =	sadd.s32 s17, s5;
	s19 =	sshrl.u32 s18, $0x3  }
0x1b: {  	s18 =	simm.s32 $0x5100;
	[dreg:$0x8] =	wrdreg s22;
	s23 =	sadd.s32 s23, s7  }
0x1c: {  	[dreg:$0xa] =	wrdreg s25;
	s15 =	sadd.s32 $0xA00, s5;
	s17 =	sadd.s32 s19, s3  }
0x1d: {  	v0 =	vimm.f32 $0.0e+00;
	s19 =	simm.s32 $0x5;
	[dreg:$0x9] =	wrdreg s23;
	s5 =	simm.s32 $0x2  }
.LBB2_1:
0x1e: {  	s20 =	simm.s32 $0x0;
	s21 =	simm.s32 $0x200  }
.LBB2_2:
0x1f: {  	p1 =	sne.s32 s21, $0xCE00;
	[tilespmem:s20+$0x5170] =	vst v0  }
0x20: {  	[tilespmem:s20+$0x5100] =	vst v0  }
0x21: {  	[tilespmem:s20+$0x5110] =	vst v0  }
.Ltmp0:
0x22: {  	[tilespmem:s20+$0x5120] =	vst v0;
	(pc) =	sbr.rel @p1 .LBB2_2-.Ltmp0, $4  }
0x23: {  	[tilespmem:s20+$0x5130] =	vst v0  }
0x24: {  	[tilespmem:s20+$0x5140] =	vst v0  }
0x25: {  	[tilespmem:s20+$0x5150] =	vst v0  }
0x26: {  	[tilespmem:s20+$0x5160] =	vst v0;
	s20 =	sshra.s32 s21, $0x2;
	s21 =	sadd.s32 $0x200, s21  }
0x27: {  	[tilespmem:s20+$0x5170] =	vst v0  }
0x28: {  	[tilespmem:s20+$0x5100] =	vst v0  }
0x29: {  	[tilespmem:s20+$0x5110] =	vst v0  }
0x2a: {  	[tilespmem:s20+$0x5120] =	vst v0  }
0x2b: {  	[tilespmem:s20+$0x5130] =	vst v0  }
0x2c: {  	[tilespmem:s20+$0x5140] =	vst v0  }
0x2d: {  	[tilespmem:s20+$0x5150] =	vst v0  }
0x2e: {  	[tilespmem:s20+$0x5160] =	vst v0  }
0x2f: {  	[spmem:s9] =	stream.linear.scatter [tilespmem:s18], [sflag:$0x5], $0x3400, $0x38;
	[tilespmem:$0x1BD80] =	vst v63  }
0x30: {  	_ =	swait.ge [sflag:s19], $0x3400  }
0x31: {  	[sflag:s19] =	ssyncset.done $0x0  }
0x32: {  	[sflag:s19] =	ssyncadd.s32 $0xFFFFCC00  }
0x33: {  	[spmem:s10] =	stream.linear.scatter [tilespmem:s18], [sflag:$0x5], $0x3400, $0x38;
	[tilespmem:$0x1BD80] =	vst v63  }
0x34: {  	_ =	swait.ge [sflag:s19], $0x3400  }
0x35: {  	[sflag:s19] =	ssyncset.done $0x0  }
0x36: {  	[sflag:s19] =	ssyncadd.s32 $0xFFFFCC00  }
0x37: {  	[spmem:s11] =	stream.linear.scatter [tilespmem:s18], [sflag:$0x5], $0x3400, $0x38;
	[tilespmem:$0x1BD80] =	vst v63  }
0x38: {  	_ =	swait.ge [sflag:s19], $0x3400  }
0x39: {  	[sflag:s19] =	ssyncset.done $0x0  }
0x3a: {  	[sflag:s19] =	ssyncadd.s32 $0xFFFFCC00  }
0x3b: {  	[spmem:s12] =	stream.linear.scatter [tilespmem:s18], [sflag:$0x5], $0x3400, $0x38;
	[tilespmem:$0x1BD80] =	vst v63  }
0x3c: {  	_ =	swait.ge [sflag:s19], $0x3400  }
0x3d: {  	[sflag:s19] =	ssyncset.done $0x0  }
0x3e: {  	[sflag:s19] =	ssyncadd.s32 $0xFFFFCC00  }
0x3f: {  	[spmem:s13] =	stream.linear.scatter [tilespmem:s18], [sflag:$0x5], $0x3400, $0x38;
	[tilespmem:$0x1BD80] =	vst v63  }
0x40: {  	_ =	swait.ge [sflag:s19], $0x3400  }
0x41: {  	[sflag:s19] =	ssyncset.done $0x0  }
0x42: {  	[sflag:s19] =	ssyncadd.s32 $0xFFFFCC00  }
0x43: {  	[spmem:s14] =	stream.linear.scatter [tilespmem:s18], [sflag:$0x5], $0x3400, $0x38;
	[tilespmem:$0x1BD80] =	vst v63  }
0x44: {  	_ =	swait.ge [sflag:s19], $0x3400  }
0x45: {  	[sflag:s19] =	ssyncset.done $0x0  }
0x46: {  	s20 =	simm.s32 @!p0 $0x5100;
	[sflag:s19] =	ssyncadd.s32 $0xFFFFCC00  }
0x47: {  	[spmem:s4] =	stream.linear.scatter @!p0 [tilespmem:s20], [sflag:$0x5], $0x800, $0x38;
	[tilespmem:$0x1BD80] =	vst v63  }
0x48: {  	s20 =	simm.s32 @!p0 $0x5  }
0x49: {  	_ =	swait.ge @!p0 [sflag:s20], $0x800  }
0x4a: {  	[sflag:s20] =	ssyncset.done @!p0 $0x0  }
0x4b: {  	[sflag:s20] =	ssyncadd.s32 @!p0 $0xFFFFF800  }
0x4c: {  	[bflag:$0x0] =	sbarrier.arrive $0xFFFF  }
0x4d: {  	s25 =	simm.s32 $0x0;
	s21 =	rddreg [dreg:$0x3]  }
0x4e: {  	[tilespmem:s25], [sflag:$0x1] =	stream.linear.gather [hbm4b:s21+s25], $0x50, $0x38;
	[tilespmem:$0x1BD80] =	vst v63  }
0x4f: {  	s22 =	rddreg [dreg:$0x4]  }
0x50: {  	[tilespmem:s26], [sflag:$0x3] =	stream.linear.gather [hbm4b:s22+s25], $0x2800, $0x38;
	[tilespmem:$0x1BD80] =	vst v63  }
0x51: {  	s23 =	sadd.s32 $0x0, s17  }
0x52: {  	[tilespmem:s28], [sflag:$0x2] =	stream.linear.gather [hbm4b:s23+s2], $0x50, $0x38;
	[tilespmem:$0x1BD80] =	vst v63  }
0x53: {  	s24 =	sadd.s32 $0xFFFFFB00, s15  }
0x54: {  	[tilespmem:s29], [sflag:$0x4] =	stream.linear.gather [hbm4b:s24+s2], $0x2800, $0x38;
	[tilespmem:$0x1BD80] =	vst v63  }
0x55: {  	_ =	swait.ge [sflag:s30], $0x50  }
0x56: {  	[sflag:s30] =	ssyncset.done $0x0  }
0x57: {  	[sflag:s30] =	ssyncadd.s32 $0xFFFFFFB0  }
0x58: {  	_ =	swait.ge [sflag:s31], $0x2800  }
0x59: {  	[sflag:s31] =	ssyncset.done $0x0  }
0x5a: {  	[sflag:s31] =	ssyncadd.s32 $0xFFFFD800  }
0x5b: {  	[spmem:s1] =	stream.indirect.scatter.add.f32 [tilespmem:s26], [sflag:$0x5], $0x80, s2, s0, $0xb8;
	[tilespmem:$0x1BD80] =	vst v63  }
0x5c: {  	_ =	swait.ge [sflag:s19], $0x2800  }
0x5d: {  	s25 =	sshrl.u32 s16, $0x3;
	[sflag:s19] =	ssyncset.done $0x0  }
0x5e: {  	s20 =	sadd.s32 s3, s25;
	[sflag:s19] =	ssyncadd.s32 $0xFFFFD800  }
0x5f: {  	[tilespmem:s2], [sflag:$0x1] =	stream.linear.gather [hbm4b:s20+s2], $0x50, $0x38;
	[tilespmem:$0x1BD80] =	vst v63  }
0x60: {  	_ = 	snop  }
0x61: {  	[tilespmem:s26], [sflag:$0x3] =	stream.linear.gather [hbm4b:s15+s2], $0x2800, $0x38;
	[tilespmem:$0x1BD80] =	vst v63  }
0x62: {  	_ =	swait.ge [sflag:s5], $0x50  }
0x63: {  	[sflag:s5] =	ssyncset.done $0x0  }
0x64: {  	[sflag:s5] =	ssyncadd.s32 $0xFFFFFFB0  }
0x65: {  	_ =	swait.ge [sflag:s6], $0x2800  }
0x66: {  	[sflag:s6] =	ssyncset.done $0x0  }
0x67: {  	[sflag:s6] =	ssyncadd.s32 $0xFFFFD800  }
0x68: {  	[spmem:s1] =	stream.indirect.scatter.add.f32 [tilespmem:s29], [sflag:$0x5], $0x80, s28, s0, $0xb8;
	[tilespmem:$0x1BD80] =	vst v63  }
0x69: {  	s21 =	sadd.s32 $0xA0, s16;
	s22 =	simm.s32 $0x14;
	_ =	swait.ge [sflag:s19], $0x2800  }
0x6a: {  	s23 =	simm.s32 $0x28;
	s20 =	sadd.s32 $0xA00, s15;
	[sflag:s19] =	ssyncset.done $0x0  }
.LBB2_4:
0x6b: {  	s24 =	sadd.s32 s22, s17  }
0x6c: {  	[sflag:s19] =	ssyncadd.s32 $0xFFFFD800;
	s22 =	smov.u32 s23;
	s25 =	sadd.s32 $0x14, s23  }
0x6d: {  	[tilespmem:s28], [sflag:$0x2] =	stream.linear.gather [hbm4b:s24+s2], $0x50, $0x38;
	[tilespmem:$0x1BD80] =	vst v63  }
0x6e: {  	p1 =	sne.s32 s23, $0x4C4;
	s23 =	sadd.s32 $0xFFFFFB00, s20  }
0x6f: {  	[tilespmem:s29], [sflag:$0x4] =	stream.linear.gather [hbm4b:s23+s2], $0x2800, $0x38;
	[tilespmem:$0x1BD80] =	vst v63  }
0x70: {  	_ =	swait.ge [sflag:s30], $0x50  }
0x71: {  	[sflag:s30] =	ssyncset.done $0x0  }
0x72: {  	[sflag:s30] =	ssyncadd.s32 $0xFFFFFFB0  }
0x73: {  	_ =	swait.ge [sflag:s31], $0x2800  }
0x74: {  	[sflag:s31] =	ssyncset.done $0x0  }
0x75: {  	[sflag:s31] =	ssyncadd.s32 $0xFFFFD800  }
0x76: {  	[spmem:s1] =	stream.indirect.scatter.add.f32 [tilespmem:s26], [sflag:$0x5], $0x80, s2, s0, $0xb8;
	[tilespmem:$0x1BD80] =	vst v63  }
0x77: {  	_ =	swait.ge [sflag:s19], $0x2800  }
0x78: {  	s23 =	sshrl.u32 s21, $0x3;
	[sflag:s19] =	ssyncset.done $0x0  }
0x79: {  	s23 =	sadd.s32 s3, s23;
	[sflag:s19] =	ssyncadd.s32 $0xFFFFD800  }
0x7a: {  	[tilespmem:s2], [sflag:$0x1] =	stream.linear.gather [hbm4b:s23+s2], $0x50, $0x38;
	[tilespmem:$0x1BD80] =	vst v63  }
0x7b: {  	_ = 	snop  }
0x7c: {  	[tilespmem:s26], [sflag:$0x3] =	stream.linear.gather [hbm4b:s20+s2], $0x2800, $0x38;
	[tilespmem:$0x1BD80] =	vst v63  }
0x7d: {  	_ =	swait.ge [sflag:s5], $0x50  }
0x7e: {  	[sflag:s5] =	ssyncset.done $0x0  }
0x7f: {  	[sflag:s5] =	ssyncadd.s32 $0xFFFFFFB0  }
0x80: {  	_ =	swait.ge [sflag:s6], $0x2800  }
.Ltmp1:
0x81: {  	[sflag:s6] =	ssyncset.done $0x0;
	(pc) =	sbr.rel @p1 .LBB2_4-.Ltmp1, $4  }
0x82: {  	[sflag:s6] =	ssyncadd.s32 $0xFFFFD800  }
0x83: {  	[spmem:s1] =	stream.indirect.scatter.add.f32 [tilespmem:s29], [sflag:$0x5], $0x80, s28, s0, $0xb8;
	[tilespmem:$0x1BD80] =	vst v63  }
0x84: {  	s21 =	sadd.s32 $0xA0, s21;
	_ =	swait.ge [sflag:s19], $0x2800  }
0x85: {  	s23 =	smov.u32 s25;
	s20 =	sadd.s32 $0xA00, s20;
	[sflag:s19] =	ssyncset.done $0x0  }
0x86: {  	s22 =	sadd.s32 s22, s17;
	[sflag:s19] =	ssyncadd.s32 $0xFFFFD800  }
0x87: {  	[tilespmem:s28], [sflag:$0x2] =	stream.linear.gather [hbm4b:s22+s2], $0x50, $0x38;
	[tilespmem:$0x1BD80] =	vst v63  }
0x88: {  	s23 =	sadd.s32 $0xFFFFFB00, s20  }
0x89: {  	[tilespmem:s29], [sflag:$0x4] =	stream.linear.gather [hbm4b:s23+s2], $0x2800, $0x38;
	[tilespmem:$0x1BD80] =	vst v63  }
0x8a: {  	_ =	swait.ge [sflag:s30], $0x50  }
0x8b: {  	[sflag:s30] =	ssyncset.done $0x0  }
0x8c: {  	[sflag:s30] =	ssyncadd.s32 $0xFFFFFFB0  }
0x8d: {  	_ =	swait.ge [sflag:s31], $0x2800  }
0x8e: {  	[sflag:s31] =	ssyncset.done $0x0  }
0x8f: {  	[sflag:s31] =	ssyncadd.s32 $0xFFFFD800  }
0x90: {  	[spmem:s1] =	stream.indirect.scatter.add.f32 [tilespmem:s26], [sflag:$0x5], $0x80, s2, s0, $0xb8;
	[tilespmem:$0x1BD80] =	vst v63  }
0x91: {  	_ =	swait.ge [sflag:s19], $0x2800  }
0x92: {  	s21 =	sshrl.u32 s21, $0x3;
	[sflag:s19] =	ssyncset.done $0x0  }
0x93: {  	s21 =	sadd.s32 s3, s21;
	[sflag:s19] =	ssyncadd.s32 $0xFFFFD800  }
0x94: {  	[tilespmem:s2], [sflag:$0x1] =	stream.linear.gather [hbm4b:s21+s2], $0x50, $0x38;
	[tilespmem:$0x1BD80] =	vst v63  }
0x95: {  	_ = 	snop  }
0x96: {  	[tilespmem:s26], [sflag:$0x3] =	stream.linear.gather [hbm4b:s20+s2], $0x2800, $0x38;
	[tilespmem:$0x1BD80] =	vst v63  }
0x97: {  	_ =	swait.ge [sflag:s5], $0x50  }
0x98: {  	[sflag:s5] =	ssyncset.done $0x0  }
0x99: {  	[sflag:s5] =	ssyncadd.s32 $0xFFFFFFB0  }
0x9a: {  	_ =	swait.ge [sflag:s6], $0x2800  }
0x9b: {  	[sflag:s6] =	ssyncset.done $0x0  }
0x9c: {  	[sflag:s6] =	ssyncadd.s32 $0xFFFFD800  }
0x9d: {  	[spmem:s1] =	stream.indirect.scatter.add.f32 [tilespmem:s29], [sflag:$0x5], $0x80, s28, s0, $0xb8;
	[tilespmem:$0x1BD80] =	vst v63  }
0x9e: {  	_ =	swait.ge [sflag:s19], $0x2800  }
0x9f: {  	[sflag:s19] =	ssyncset.done $0x0  }
0xa0: {  	[sflag:s19] =	ssyncadd.s32 $0xFFFFD800  }
0xa1: {  	_ =	swait.ge [sflag:s30], $0x50  }
0xa2: {  	[sflag:s30] =	ssyncset.done $0x0  }
0xa3: {  	[sflag:s30] =	ssyncadd.s32 $0xFFFFFFB0  }
0xa4: {  	_ =	swait.ge [sflag:s31], $0x2800  }
0xa5: {  	[sflag:s31] =	ssyncset.done $0x0  }
0xa6: {  	[sflag:s31] =	ssyncadd.s32 $0xFFFFD800  }
0xa7: {  	[spmem:s1] =	stream.indirect.scatter.add.f32 [tilespmem:s26], [sflag:$0x5], $0x80, s2, s0, $0xb8;
	[tilespmem:$0x1BD80] =	vst v63  }
0xa8: {  	_ =	swait.ge [sflag:s19], $0x2800  }
0xa9: {  	[sflag:s19] =	ssyncset.done $0x0  }
0xaa: {  	[sflag:s19] =	ssyncadd.s32 $0xFFFFD800  }
0xab: {  	[bflag:$0x0] =	sbarrier.arrive $0xFFFF  }
0xac: {  	[tilespmem:s18], [sflag:$0x5] =	stream.linear.gather [spmem:s9], $0x3400, $0x38;
	[tilespmem:$0x1BD80] =	vst v63  }
0xad: {  	_ =	swait.ge [sflag:s19], $0x3400  }
0xae: {  	[sflag:s19] =	ssyncset.done $0x0  }
0xaf: {  	s24 =	rddreg [dreg:$0x6];
	[sflag:s19] =	ssyncadd.s32 $0xFFFFCC00  }
0xb0: {  	[hbm4b:s24+s2] =	stream.linear.scatter [tilespmem:s18], [sflag:$0x5], $0x3400, $0x38;
	[tilespmem:$0x1BD80] =	vst v63  }
0xb1: {  	_ =	swait.ge [sflag:s19], $0x3400  }
0xb2: {  	[sflag:s19] =	ssyncset.done $0x0  }
0xb3: {  	[sflag:s19] =	ssyncadd.s32 $0xFFFFCC00  }
0xb4: {  	[tilespmem:s18], [sflag:$0x5] =	stream.linear.gather [spmem:s10], $0x3400, $0x38;
	[tilespmem:$0x1BD80] =	vst v63  }
0xb5: {  	_ =	swait.ge [sflag:s19], $0x3400  }
0xb6: {  	[sflag:s19] =	ssyncset.done $0x0  }
0xb7: {  	s25 =	rddreg [dreg:$0x7];
	[sflag:s19] =	ssyncadd.s32 $0xFFFFCC00  }
0xb8: {  	[hbm4b:s25+s2] =	stream.linear.scatter [tilespmem:s18], [sflag:$0x5], $0x3400, $0x38;
	[tilespmem:$0x1BD80] =	vst v63  }
0xb9: {  	_ =	swait.ge [sflag:s19], $0x3400  }
0xba: {  	[sflag:s19] =	ssyncset.done $0x0  }
0xbb: {  	[sflag:s19] =	ssyncadd.s32 $0xFFFFCC00  }
0xbc: {  	[tilespmem:s18], [sflag:$0x5] =	stream.linear.gather [spmem:s11], $0x3400, $0x38;
	[tilespmem:$0x1BD80] =	vst v63  }
0xbd: {  	_ =	swait.ge [sflag:s19], $0x3400  }
0xbe: {  	[sflag:s19] =	ssyncset.done $0x0  }
0xbf: {  	s21 =	rddreg [dreg:$0x8];
	[sflag:s19] =	ssyncadd.s32 $0xFFFFCC00  }
0xc0: {  	[hbm4b:s21+s2] =	stream.linear.scatter [tilespmem:s18], [sflag:$0x5], $0x3400, $0x38;
	[tilespmem:$0x1BD80] =	vst v63  }
0xc1: {  	_ =	swait.ge [sflag:s19], $0x3400  }
0xc2: {  	[sflag:s19] =	ssyncset.done $0x0  }
0xc3: {  	[sflag:s19] =	ssyncadd.s32 $0xFFFFCC00  }
0xc4: {  	[tilespmem:s18], [sflag:$0x5] =	stream.linear.gather [spmem:s12], $0x3400, $0x38;
	[tilespmem:$0x1BD80] =	vst v63  }
0xc5: {  	_ =	swait.ge [sflag:s19], $0x3400  }
0xc6: {  	[sflag:s19] =	ssyncset.done $0x0  }
0xc7: {  	s22 =	rddreg [dreg:$0x9];
	[sflag:s19] =	ssyncadd.s32 $0xFFFFCC00  }
0xc8: {  	[hbm4b:s22+s2] =	stream.linear.scatter [tilespmem:s18], [sflag:$0x5], $0x3400, $0x38;
	[tilespmem:$0x1BD80] =	vst v63  }
0xc9: {  	_ =	swait.ge [sflag:s19], $0x3400  }
0xca: {  	[sflag:s19] =	ssyncset.done $0x0  }
0xcb: {  	[sflag:s19] =	ssyncadd.s32 $0xFFFFCC00  }
0xcc: {  	[tilespmem:s18], [sflag:$0x5] =	stream.linear.gather [spmem:s13], $0x3400, $0x38;
	[tilespmem:$0x1BD80] =	vst v63  }
0xcd: {  	_ =	swait.ge [sflag:s19], $0x3400  }
0xce: {  	[sflag:s19] =	ssyncset.done $0x0  }
0xcf: {  	s23 =	rddreg [dreg:$0xa];
	[sflag:s19] =	ssyncadd.s32 $0xFFFFCC00  }
0xd0: {  	[hbm4b:s23+s2] =	stream.linear.scatter [tilespmem:s18], [sflag:$0x5], $0x3400, $0x38;
	[tilespmem:$0x1BD80] =	vst v63  }
0xd1: {  	_ =	swait.ge [sflag:s19], $0x3400  }
0xd2: {  	[sflag:s19] =	ssyncset.done $0x0  }
0xd3: {  	[sflag:s19] =	ssyncadd.s32 $0xFFFFCC00  }
0xd4: {  	[tilespmem:s18], [sflag:$0x5] =	stream.linear.gather [spmem:s14], $0x3400, $0x38;
	[tilespmem:$0x1BD80] =	vst v63  }
0xd5: {  	_ =	swait.ge [sflag:s19], $0x3400  }
0xd6: {  	[sflag:s19] =	ssyncset.done $0x0  }
0xd7: {  	s24 =	rddreg [dreg:$0xb];
	[sflag:s19] =	ssyncadd.s32 $0xFFFFCC00  }
0xd8: {  	[hbm4b:s24+s2] =	stream.linear.scatter [tilespmem:s18], [sflag:$0x5], $0x3400, $0x38;
	[tilespmem:$0x1BD80] =	vst v63  }
0xd9: {  	_ =	swait.ge [sflag:s19], $0x3400  }
0xda: {  	[sflag:s19] =	ssyncset.done $0x0  }
0xdb: {  	s20 =	simm.s32 @!p0 $0x100;
	s21 =	simm.s32 @!p0 $0x5;
	[sflag:s19] =	ssyncadd.s32 $0xFFFFCC00  }
0xdc: {  	[tilespmem:s20], [sflag:$0x5] =	stream.linear.gather @!p0 [spmem:s4], $0x800, $0x38;
	[tilespmem:$0x1BD80] =	vst v63  }
0xdd: {  	_ =	swait.ge @!p0 [sflag:s21], $0x800  }
0xde: {  	[sflag:s21] =	ssyncset.done @!p0 $0x0  }
0xdf: {  	s22 =	sadd.s32 @!p0 $0x27000, s7;
	s23 =	simm.s32 @!p0 $0x0;
	[sflag:s21] =	ssyncadd.s32 @!p0 $0xFFFFF800  }
0xe0: {  	[hbm4b:s22+s23] =	stream.linear.scatter @!p0 [tilespmem:s20], [sflag:$0x5], $0x800, $0x38;
	[tilespmem:$0x1BD80] =	vst v63  }
0xe1: {  	_ =	swait.ge @!p0 [sflag:s21], $0x800  }
0xe2: {  	s8 =	sadd.s32 $0x1, s8;
	s25 =	rddreg [dreg:$0x5]  }
0xe3: {  	p1 =	sne.s32 s8, s25  }
.Ltmp2:
0xe4: {  	_ = 	snop;
	(pc) =	sbr.rel @p1 .LBB2_1-.Ltmp2, $3  }
0xe5: {  	_ =	sdelay $0x1  }
0xe6: {  	[sflag:s21] =	ssyncset.done @!p0 $0x0  }
0xe7: {  	[sflag:s21] =	ssyncadd.s32 @!p0 $0xFFFFF800  }
0xe8: {  	_ =	sfence.sel $0x180000  }
0xe9: {  	[bflag:$0x0] =	sbarrier.arrive $0xFFFF  }
0xea: {  	_ =	strace $0x9000004D  }
0xeb: {  	[bflag:$0x2] =	sbarrier.arrive $0xFFFF  }
0xec: {  	s0 =	rddreg [dreg:$0x2]  }
0xed: {  	s0 =	sadd.s32 @!p0 $0x100000, s0  }
0xee: {  	[sflag:s0] =	ssyncadd.tile.s32 @!p0 $0x1;
	_ =	shalt  }
.Lfunc_end2:
_tile_overlayer_lowered:
.L_overlay_start_2:
0xef: {  	(tag) =	ssettag $0x2  }
0xf0: {  	s0 =	rddreg [dreg:$0x0];
	s2 =	stileid.u32  }
0xf1: {  	s1 =	rddreg [dreg:$0x1];
	p0 =	sne.s32 s2, $0x0  }
0xf2: {  	s3 =	rddreg [dreg:$0x2];
	[bflag:$0x3] =	sbarrier.arrive $0xFFFF;
	s2 =	simm.s32 @!p0 $0x1C05  }
0xf3: {  	[timem:s3], [sflag:s2] =	dma.local @!p0 [hbm:s0], s1  }
0xf4: {  	s0 =	simm.s32 @!p0 $0x5  }
0xf5: {  	_ =	swait.ge @!p0 [sflag:s0], s1  }
0xf6: {  	s1 =	ssub.s32 @!p0 $0x0, s1;
	[sflag:s0] =	ssyncset.done @!p0 $0x0  }
0xf7: {  	[sflag:s0] =	ssyncadd.s32 @!p0 s1  }
0xf8: {  	[bflag:$0x3] =	sbarrier.arrive $0xFFFF  }
0xf9: {  	_ =	shalt  }

// kernel: kernel.8.cloned.1.call-start
scs
__scs_entry_jumppad:
0x0: {  	(pc) =	sbr.rel $0x88, $3  }
0x1: {  	(tag) =	ssettag $0x0;
	lr =	simm.s32 $0x1  }
0x2: {  	[smem:$0x3F90] =	sst lr;
	_ =	strace $0xD0000000  }
0x3: {  	_ = 	snop  }
0x4: {  	_ = 	snop  }
0x5: {  	_ = 	snop  }
0x6: {  	_ = 	snop  }
0x7: {  	_ = 	snop  }
__scs_overlays_trampoline_lowered:
0x8: {  	[smem:$0x3F9F] =	sst s0  }
0x9: {  	[smem:$0x3FA0] =	sst s1  }
0xa: {  	[smem:$0x3FA1] =	sst s2  }
0xb: {  	[smem:$0x3FA2] =	sst s3  }
0xc: {  	[smem:$0x3FA3] =	sst s4  }
0xd: {  	[smem:$0x3FA4] =	sst s5  }
0xe: {  	[smem:$0x3FA5] =	sst s6  }
0xf: {  	[smem:$0x3FA6] =	sst s7  }
0x10: {  	[smem:$0x3FA7] =	sst s8  }
0x11: {  	[smem:$0x3FA8] =	sst s9;
	s0 =	simm.s32 @!p0 $0x0  }
0x12: {  	s1 =	sld [smem:$0x3F8E];
	s0 =	simm.s32 @p0 $0x1  }
0x13: {  	[smem:$0x3FA9] =	sst s0;
	s0 =	simm.s32 @!p1 $0x0  }
0x14: {  	s2 =	sld [smem:$0x3F8D];
	s0 =	simm.s32 @p1 $0x1  }
0x15: {  	[smem:$0x3FAA] =	sst s0;
	s0 =	simm.s32 @!p2 $0x0  }
0x16: {  	s3 =	sld [smem:$0x3FDB];
	s0 =	simm.s32 @p2 $0x1  }
0x17: {  	s4 =	simm.s32 $0x1BF5;
	[smem:$0x3FAC] =	sst s0  }
0x18: {  	s0 =	sld [smem:$0x3F8F];
	_ =	swait.ge [sflag:s4], $0x0  }
0x19: {  	s7 =	sld [smem:$0x3F90]  }
0x1a: {  	s8 =	sadd.s32 $0xFFFFE003, lr  }
0x1b: {  	s9 =	sadd.s32 $0xFFFFFEF7, lr;
	s5 =	simm.s32 $0xFFFFFFFF;
	p2 =	slt.u32 s8, $0xFFFFF086  }
0x1c: {  	p1 =	slt.u32 s9, $0xF7A;
	s5 =	simm.s32 @!p2 $0x0  }
0x1d: {  	s5 =	simm.s32 @p1 $0x1;
	p0 =	seq.s32 s7, s2  }
0x1e: {  	s7 =	smul.u32 @!p0 $0xF7A, s2;
	p2 =	seq.s32 @!p0 s5, $0x0  }
0x1f: {  	s9 =	smul.u32 $0xF7A, s1;
	s8 =	simm.s32 @!p0 $0x1BF5;
	p2 =	por !p2, p0  }
0x20: {  	[sflag:s8] =	ssyncset.s32 @!p0 $0xFFFFF086;
	s6 =	sadd.s32 @!p0 s3, s7;
	s7 =	simm.s32 @!p0 $0x108  }
0x21: {  	s3 =	sadd.s32 s3, s9;
	s6 =	sadd.s32 @!p0 $0x88, s6;
	s7 =	simm.s32 @p2 $0x1082  }
0x22: {  	[simem:s7], [sflag:s8] =	dma.local @!p0 [hbm:s6], $0xF7A  }
0x23: {  	s9 =	sor.u32 $0xD0000000, s2;
	s6 =	simm.s32 $0x108;
	_ =	swait.ge @!p0 [sflag:s8], $0x0  }
0x24: {  	s3 =	sadd.s32 $0x88, s3;
	s6 =	simm.s32 @!p1 $0x1082;
	[sflag:s4] =	ssyncset.s32 $0xFFFFF086  }
0x25: {  	[simem:s6], [sflag:s4] =	dma.local [hbm:s3], $0xF7A  }
0x26: {  	[smem:$0x3F90] =	sst s1;
	(tag) =	ssettag s2;
	_ =	strace s9  }
0x27: {  	s1 =	sld [smem:$0x3FA0]  }
0x28: {  	s2 =	sld [smem:$0x3FA1]  }
0x29: {  	s4 =	sld [smem:$0x3FA3]  }
0x2a: {  	p0 =	seq.s32 s5, $0x0;
	s5 =	sld [smem:$0x3FA4]  }
0x2b: {  	s6 =	sld [smem:$0x3FA5]  }
0x2c: {  	s7 =	sld [smem:$0x3FA6]  }
0x2d: {  	s3 =	simm.s32 $0x108;
	s8 =	sld [smem:$0x3FA7]  }
0x2e: {  	s3 =	simm.s32 @!p0 $0x1082;
	s9 =	sld [smem:$0x3FA8]  }
0x2f: {  	lr =	sadd.s32 s0, s3;
	s0 =	sld [smem:$0x3F9F]  }
0x30: {  	s3 =	sld [smem:$0x3FA2]  }
0x31: {  	[smem:$0x3FAB] =	sst s10  }
0x32: {  	s10 =	sld [smem:$0x3FA9];
	_ =	sdelay $0x3  }
0x33: {  	p0 =	seq.s32 s10, $0x1;
	s10 =	sld [smem:$0x3FAB];
	_ =	sdelay $0x3  }
0x34: {  	[smem:$0x3FAB] =	sst s10  }
0x35: {  	s10 =	sld [smem:$0x3FAA];
	_ =	sdelay $0x3  }
0x36: {  	p1 =	seq.s32 s10, $0x1;
	s10 =	sld [smem:$0x3FAB];
	_ =	sdelay $0x3  }
0x37: {  	[smem:$0x3FAB] =	sst s10  }
0x38: {  	s10 =	sld [smem:$0x3FAC]  }
0x39: {  	_ = 	snop;
	(pc) =	sbr.ind lr, $3  }
0x3a: {  	_ = 	snop  }
0x3b: {  	_ = 	snop  }
0x3c: {  	p2 =	seq.s32 s10, $0x1;
	s10 =	sld [smem:$0x3FAB]  }
0x3d: {  	_ =	shalt  }
0x3e: {  	_ =	shalt  }
0x3f: {  	_ =	shalt  }
0x40: {  	_ =	shalt  }
0x41: {  	_ =	shalt  }
0x42: {  	_ =	shalt  }
0x43: {  	_ =	shalt  }
0x44: {  	_ =	shalt  }
0x45: {  	_ =	shalt  }
0x46: {  	_ =	shalt  }
0x47: {  	_ =	shalt  }
0x48: {  	_ =	shalt  }
0x49: {  	_ =	shalt  }
0x4a: {  	_ =	shalt  }
0x4b: {  	_ =	shalt  }
0x4c: {  	_ =	shalt  }
0x4d: {  	_ =	shalt  }
0x4e: {  	_ =	shalt  }
0x4f: {  	_ =	shalt  }
0x50: {  	_ =	shalt  }
0x51: {  	_ =	shalt  }
0x52: {  	_ =	shalt  }
0x53: {  	_ =	shalt  }
0x54: {  	_ =	shalt  }
0x55: {  	_ =	shalt  }
0x56: {  	_ =	shalt  }
0x57: {  	_ =	shalt  }
0x58: {  	_ =	shalt  }
0x59: {  	_ =	shalt  }
0x5a: {  	_ =	shalt  }
0x5b: {  	_ =	shalt  }
0x5c: {  	_ =	shalt  }
0x5d: {  	_ =	shalt  }
0x5e: {  	_ =	shalt  }
0x5f: {  	_ =	shalt  }
0x60: {  	_ =	shalt  }
0x61: {  	_ =	shalt  }
0x62: {  	_ =	shalt  }
0x63: {  	_ =	shalt  }
0x64: {  	_ =	shalt  }
0x65: {  	_ =	shalt  }
0x66: {  	_ =	shalt  }
0x67: {  	_ =	shalt  }
0x68: {  	_ =	shalt  }
0x69: {  	_ =	shalt  }
0x6a: {  	_ =	shalt  }
0x6b: {  	_ =	shalt  }
0x6c: {  	_ =	shalt  }
0x6d: {  	_ =	shalt  }
0x6e: {  	_ =	shalt  }
0x6f: {  	_ =	shalt  }
0x70: {  	_ =	shalt  }
0x71: {  	_ =	shalt  }
0x72: {  	_ =	shalt  }
0x73: {  	_ =	shalt  }
0x74: {  	_ =	shalt  }
0x75: {  	_ =	shalt  }
0x76: {  	_ =	shalt  }
0x77: {  	_ =	shalt  }
0x78: {  	_ =	shalt  }
0x79: {  	_ =	shalt  }
0x7a: {  	_ =	shalt  }
0x7b: {  	_ =	shalt  }
0x7c: {  	_ =	shalt  }
0x7d: {  	_ =	shalt  }
0x7e: {  	_ =	shalt  }
0x7f: {  	_ =	shalt  }
0x80: {  	_ =	shalt  }
0x81: {  	_ =	shalt  }
0x82: {  	_ =	shalt  }
0x83: {  	_ =	shalt  }
0x84: {  	_ =	shalt  }
0x85: {  	_ =	shalt  }
0x86: {  	_ =	shalt  }
0x87: {  	_ =	shalt  }
.Lfunc_end0:
.L_simem_size_0:
called_computation_lowered:
.L_overlay_start_0:
0x88: {  	s2 =	sld [smem:$0x3FD9]  }
0x89: {  	s3 =	sld [smem:$0x3FFE];
	_ =	sdelay $0x1  }
0x8a: {  	s1 =	srdreg.scid  }
0x8b: {  	s0 =	sand.u32 $0x1, s1  }
0x8c: {  	s14 =	sshll.u32 s0, $0xA;
	s2 =	sadd.s32 s3, s2  }
0x8d: {  	s2 =	sadd.s32 s2, s14  }
0x8e: {  	[smem:$0x3FB7] =	sst s2  }
0x8f: {  	_ = 	snop  }
0x90: {  	s2 =	sld [smem:$0x3FD0];
	_ =	sdelay $0x2  }
0x91: {  	s15 =	simm.s32 $0xB;
	s4 =	simm.s32 $0x10  }
0x92: {  	[smem:s4], [sflag:s15] =	dma.local [hbm:s2], $0x1  }
0x93: {  	_ =	swait.eq [sflag:s15], $0x1  }
0x94: {  	[sflag:s15] =	ssyncset.done $0x0  }
0x95: {  	[sflag:s15] =	ssyncadd.s32 $0xFFFFFFFF  }
0x96: {  	s16 =	sld [smem:$0x11];
	(tm) =	ssettm $0x1  }
0x97: {  	s17 =	sld [smem:$0x3FFB];
	_ =	sdelay $0x3  }
0x98: {  	_ =	strace s17  }
0x99: {  	s3 =	sld [smem:$0x3FFC];
	_ =	sdelay $0x3  }
0x9a: {  	_ =	strace s3  }
0x9b: {  	s3 =	sld [smem:$0x3FFD];
	_ =	sdelay $0x3  }
0x9c: {  	_ =	strace s3  }
0x9d: {  	_ =	strace $0x8FFFFFFF  }
0x9e: {  	s18 =	sld [smem:$0x3FDB];
	_ =	sdelay $0x1  }
0x9f: {  	s19 =	simm.s32 $_scs_section_size  }
0xa0: {  	s5 =	simm.s32 $_size__tile_overlayer_lowered;
	s6 =	simm.s32 $_tile_overlayer_lowered  }
0xa1: {  	s22 =	simm.s32 $0x1BFF;
	s21 =	sshll.u32 s6, $0x1;
	s3 =	sadd.s32 s19, s18  }
0xa2: {  	s7 =	simm.s32 $0x0;
	s20 =	sshll.u32 s5, $0x1;
	s5 =	sadd.s32 s21, s3  }
0xa3: {  	[timem:s7], [sflag:s22] =	dma.local [hbm:s5], s20  }
0xa4: {  	_ =	swait.ge [sflag:s22], s20  }
0xa5: {  	s4 =	ssub.s32 $0x0, s20;
	[sflag:s22] =	ssyncset.done $0x0  }
0xa6: {  	[sflag:s22] =	ssyncadd.s32 s4;
	_ =	sdelay $0x1  }
0xa7: {  	s23 =	simm.s32 $0x1B8B  }
0xa8: {  	_ =	swait.ge [sflag:s23], $0x1  }
0xa9: {  	[sflag:s23] =	ssyncset.done $0x0  }
0xaa: {  	s25 =	simm.s32 $0x1B8E;
	s24 =	sld [smem:$0x3FFE];
	[sflag:s23] =	ssyncadd.s32 $0xFFFFFFFF  }
0xab: {  	s26 =	simm.s32 $execute0_lowered;
	[smem:$0x3FD2] =	sst s25  }
0xac: {  	s5 =	sshll.u32 s26, $0x1;
	_ =	strace $0x80000046;
	[dreg:$0x1] =	wrdreg $0xFFFFFFFF  }
0xad: {  	s28 =	simm.s32 $_size_execute0_lowered;
	s3 =	sadd.s32 s3, s5;
	[dreg:$0x0] =	wrdreg $0x0  }
0xae: {  	s5 =	sshll.u32 s28, $0x1;
	[dreg:$0x2] =	wrdreg s3  }
0xaf: {  	[dreg:$0x3] =	wrdreg s5  }
0xb0: {  	[dreg:$0x4] =	wrdreg $0xC0  }
0xb1: {  	_ =	task [dreg:s7], $0x5FFFF  }
0xb2: {  	[dreg:$0x1] =	wrdreg $0xFFFFFFFF  }
0xb3: {  	[dreg:$0x0] =	wrdreg $0x60  }
0xb4: {  	[dreg:$0x2] =	wrdreg s24  }
0xb5: {  	[dreg:$0x3] =	wrdreg s16  }
0xb6: {  	[dreg:$0x4] =	wrdreg $0x9  }
0xb7: {  	_ =	task.clear_ibuf [dreg:s7], $0x5FFFF;
	_ =	strace $0x90000046  }
0xb8: {  	s29 =	simm.s32 $0x9;
	_ =	strace $0x80000048  }
0xb9: {  	_ =	swait.ge [sflag:s29], $0x1  }
0xba: {  	[sflag:s29] =	ssyncadd.s32 $0xFFFFFFFF  }
0xbb: {  	_ =	strace $0x90000048  }
0xbc: {  	_ =	sfence  }
0xbd: {  	s30 =	sld [smem:$0x0];
	_ =	sdelay $0x2  }
0xbe: {  	s31 =	sshll.u32 s1, $0xD;
	s1 =	sshrl.u32 s1, $0x2  }
0xbf: {  	s3 =	sand.u32 $0x4000, s31;
	s1 =	sadd.s32 s1, s30  }
0xc0: {  	s0 =	sor.u32 s3, s0;
	s1 =	sshll.u32 s1, $0x11  }
0xc1: {  	s0 =	sor.u32 s1, s0  }
0xc2: {  	s0 =	sadd.s32 $0x8F2B, s0  }
0xc3: {  	[sflag:s0] =	ssyncadd.remote.s32 $0x1  }
0xc4: {  	_ =	sfence.sel $0xFFFF  }
0xc5: {  	[dreg:$0x0] =	wrdreg $0xFFFFFFFF;
	(pc) =	sbr.abs _section_cstart, $3  }
0xc6: {  	[dreg:$0x1] =	wrdreg $0xFFFFFFFF  }
0xc7: {  	_ =	task.clear_ibuf [dreg:s7], $0x2FFFF;
	_ =	strace $0x9FFFFFFF  }
0xc8: {  	(tm) =	ssettm $0x7FFFFFFF  }
0xc9: {  	_ =	shalt  }
tec
execute0_lowered:
.L_overlay_start_1:
0x0: {  	(tag) =	ssettag $0x1  }
0x1: {  	s0 =	rddreg [dreg:$0x0]  }
0x2: {  	s2 =	rddreg [dreg:$0x1]  }
0x3: {  	s4 =	srdreg.scid;
	s1 =	stileid.u32;
	s3 =	simm.s32 $0x0  }
0x4: {  	s11 =	simm.s32 $0x7;
	s12 =	simm.s32 $0x2710;
	s13 =	simm.s32 $0x50  }
0x5: {  	s14 =	simm.s32 $0x4E20;
	s15 =	simm.s32 $0x5820;
	s16 =	simm.s32 $0x5320  }
0x6: {  	s17 =	simm.s32 $0x5D20;
	s18 =	simm.s32 $0x1;
	s19 =	simm.s32 $0x3  }
0x7: {  	s20 =	simm.s32 $0x6220;
	s21 =	simm.s32 $0x2;
	s22 =	simm.s32 $0x4  }
0x8: {  	s23 =	simm.s32 $0x6720;
	s6 =	sand.u32 $0x1, s4;
	s29 =	sshll.u32 s1, $0x1  }
0x9: {  	s24 =	simm.s32 $0x5;
	s25 =	simm.s32 $0x6;
	s7 =	sor.u32 s6, s29  }
0xa: {  	s26 =	simm.s32 $0x0;
	[smem:$0x7FF] =	sst s3;
	s4 =	smul.u32 $0x2710, s7  }
0xb: {  	s5 =	sadd.s32 $0x2F200, s0;
	s8 =	ssub.s32 $0x2, s6;
	s7 =	smul.u32 $0x27100, s7  }
0xc: {  	_ =	strace $0x80000047;
	s6 =	sadd.s32 $0x2A200, s0;
	s10 =	sshrl.u32 s8, $0x1  }
0xd: {  	s10 =	ssub.s32 s8, s10;
	s9 =	sshrl.u32 s4, $0x3;
	s30 =	sshrl.u32 s7, $0x3  }
0xe: {  	s10 =	smax.u32 s10, $0x1;
	s0 =	sadd.s32 s9, s0;
	s31 =	sadd.s32 s2, s30  }
0xf: {  	s7 =	sadd.s32 $0x34200, s0;
	s8 =	sadd.s32 $0x3E000, s0;
	s9 =	sadd.s32 $0x4D80, s31  }
.LBB2_1:
0x10: {  	[tilespmem:s3], [sflag:$0x7] =	stream.linear.gather [hbm4b:s7+s3], $0x2710, $0x38;
	[tilespmem:$0x6C20] =	vst v63  }
0x11: {  	_ =	swait.ge [sflag:s11], $0x2710  }
0x12: {  	[sflag:s11] =	ssyncset.done $0x0  }
0x13: {  	[sflag:s11] =	ssyncadd.s32 $0xFFFFD8F0  }
0x14: {  	[tilespmem:s12], [sflag:$0x7] =	stream.linear.gather [hbm4b:s8+s3], $0x2710, $0x38;
	[tilespmem:$0x6C20] =	vst v63  }
0x15: {  	_ =	swait.ge [sflag:s11], $0x2710  }
0x16: {  	[sflag:s11] =	ssyncset.done $0x0  }
0x17: {  	[sflag:s11] =	ssyncadd.s32 $0xFFFFD8F0  }
0x18: {  	[tilespmem:s14], [sflag:$0x1] =	stream.indirect.gather [hbm4b:s5+s13], $0x10, s3, s13, $0xb8;
	[tilespmem:$0x6C20] =	vst v63  }
0x19: {  	s28 =	simm.s32 $0x0  }
0x1a: {  	[tilespmem:s15], [sflag:$0x3] =	stream.indirect.gather [hbm4b:s6+s13], $0x10, s12, s13, $0xb8;
	[tilespmem:$0x6C20] =	vst v63  }
.LBB2_2:
0x1b: {  	s30 =	smul.u32 $0xA0, s28;
	_ =	sdelay $0x1  }
0x1c: {  	s29 =	sadd.s32 $0x50, s30  }
0x1d: {  	[tilespmem:s16], [sflag:$0x2] =	stream.indirect.gather [hbm4b:s5+s13], $0x10, s29, s13, $0xb8;
	[tilespmem:$0x6C20] =	vst v63  }
0x1e: {  	s0 =	sadd.s32 $0x2760, s30  }
0x1f: {  	[tilespmem:s17], [sflag:$0x4] =	stream.indirect.gather [hbm4b:s6+s13], $0x10, s0, s13, $0xb8;
	[tilespmem:$0x6C20] =	vst v63  }
0x20: {  	_ =	swait.ge [sflag:s18], $0x500  }
0x21: {  	[sflag:s18] =	ssyncset.done $0x0  }
0x22: {  	[sflag:s18] =	ssyncadd.s32 $0xFFFFFB00  }
0x23: {  	_ =	swait.ge [sflag:s19], $0x500  }
0x24: {  	p0 =	seq.s32 s28, $0x0;
	[sflag:s19] =	ssyncset.done $0x0  }
0x25: {  	s0 =	simm.s32 @!p0 $0x5;
	[sflag:s19] =	ssyncadd.s32 $0xFFFFFB00  }
0x26: {  	_ =	swait.ge @!p0 [sflag:s0], $0x500  }
0x27: {  	[sflag:s0] =	ssyncset.done @!p0 $0x0  }
0x28: {  	s31 =	simm.s32 $0x0;
	[sflag:s0] =	ssyncadd.s32 @!p0 $0xFFFFFB00  }
0x29: {  	v0 =	vld [tilespmem:s31+$0x4E20]  }
0x2a: {  	s0 =	simm.s32 $0x40;
	v1 =	vld [tilespmem:s31+$0x5820]  }
.LBB2_3:
0x2b: {  	_ = 	snop  }
0x2c: {  	p1 =	sne.s32 s0, $0x13C0  }
.Ltmp0:
0x2d: {  	_ = 	snop;
	(pc) =	sbr.rel @p1 .LBB2_3-.Ltmp0, $4  }
0x2e: {  	_ = 	snop  }
0x2f: {  	s1 =	sshra.s32 s0, $0x2;
	v2 =	vadd.f32 v1, v0  }
0x30: {  	v0 =	vld [tilespmem:s1+$0x4E20]  }
0x31: {  	s0 =	sadd.s32 $0x40, s0;
	v1 =	vld [tilespmem:s1+$0x5820];
	[tilespmem:s31+$0x6220] =	vst v2;
	s31 =	smov.u32 s1  }
0x32: {  	_ =	sdelay $0x3  }
0x33: {  	s0 =	sadd.s32 s4, s30;
	v0 =	vadd.f32 v1, v0  }
0x34: {  	s0 =	sshll.u32 s0, $0x1  }
0x35: {  	s0 =	sadd.s32 s2, s0;
	[tilespmem:s31+$0x6220] =	vst v0  }
0x36: {  	[hbm4b:s0+s3] =	stream.linear.scatter [tilespmem:s20], [sflag:$0x5], $0x500, $0x38;
	[tilespmem:$0x6C20] =	vst v63  }
0x37: {  	s1 =	sadd.s32 $0xA0, s30  }
0x38: {  	[tilespmem:s14], [sflag:$0x1] =	stream.indirect.gather [hbm4b:s5+s13], $0x10, s1, s13, $0xb8;
	[tilespmem:$0x6C20] =	vst v63  }
0x39: {  	s31 =	sadd.s32 $0x27B0, s30  }
0x3a: {  	[tilespmem:s15], [sflag:$0x3] =	stream.indirect.gather [hbm4b:s6+s13], $0x10, s31, s13, $0xb8;
	[tilespmem:$0x6C20] =	vst v63  }
0x3b: {  	_ =	swait.ge [sflag:s21], $0x500  }
0x3c: {  	[sflag:s21] =	ssyncset.done $0x0  }
0x3d: {  	[sflag:s21] =	ssyncadd.s32 $0xFFFFFB00  }
0x3e: {  	_ =	swait.ge [sflag:s22], $0x500  }
0x3f: {  	[sflag:s22] =	ssyncset.done $0x0  }
0x40: {  	s0 =	simm.s32 @!p0 $0x6;
	[sflag:s22] =	ssyncadd.s32 $0xFFFFFB00  }
0x41: {  	_ =	swait.ge @!p0 [sflag:s0], $0x500  }
0x42: {  	[sflag:s0] =	ssyncset.done @!p0 $0x0  }
0x43: {  	s30 =	simm.s32 $0x0;
	[sflag:s0] =	ssyncadd.s32 @!p0 $0xFFFFFB00  }
0x44: {  	v0 =	vld [tilespmem:s30+$0x5320]  }
0x45: {  	s0 =	simm.s32 $0x40;
	v1 =	vld [tilespmem:s30+$0x5D20]  }
.LBB2_5:
0x46: {  	_ = 	snop  }
0x47: {  	p0 =	sne.s32 s0, $0x13C0  }
.Ltmp1:
0x48: {  	_ = 	snop;
	(pc) =	sbr.rel @p0 .LBB2_5-.Ltmp1, $4  }
0x49: {  	_ = 	snop  }
0x4a: {  	s1 =	sshra.s32 s0, $0x2;
	v2 =	vadd.f32 v1, v0  }
0x4b: {  	v0 =	vld [tilespmem:s1+$0x5320]  }
0x4c: {  	s0 =	sadd.s32 $0x40, s0;
	v1 =	vld [tilespmem:s1+$0x5D20];
	[tilespmem:s30+$0x6720] =	vst v2;
	s30 =	smov.u32 s1  }
0x4d: {  	_ = 	snop  }
0x4e: {  	s28 =	sadd.s32 $0x1, s28  }
0x4f: {  	p0 =	sne.s32 s28, $0x3E  }
.Ltmp2:
0x50: {  	s0 =	sadd.s32 s4, s29;
	(pc) =	sbr.rel @p0 .LBB2_2-.Ltmp2, $4  }
0x51: {  	s0 =	sshll.u32 s0, $0x1;
	v0 =	vadd.f32 v1, v0  }
0x52: {  	s0 =	sand.u32 $0x1FFFFFE0, s0  }
0x53: {  	s0 =	sadd.s32 s2, s0;
	[tilespmem:s30+$0x6720] =	vst v0  }
0x54: {  	[hbm4b:s0+s3] =	stream.linear.scatter [tilespmem:s23], [sflag:$0x6], $0x500, $0x38;
	[tilespmem:$0x6C20] =	vst v63  }
0x55: {  	_ =	swait.ge [sflag:s18], $0x500  }
0x56: {  	[sflag:s18] =	ssyncset.done $0x0  }
0x57: {  	[sflag:s18] =	ssyncadd.s32 $0xFFFFFB00  }
0x58: {  	_ =	swait.ge [sflag:s19], $0x500  }
0x59: {  	[sflag:s19] =	ssyncset.done $0x0  }
0x5a: {  	[sflag:s19] =	ssyncadd.s32 $0xFFFFFB00  }
0x5b: {  	_ =	swait.ge [sflag:s24], $0x500  }
0x5c: {  	[sflag:s24] =	ssyncset.done $0x0  }
0x5d: {  	s28 =	simm.s32 $0x0;
	[sflag:s24] =	ssyncadd.s32 $0xFFFFFB00  }
0x5e: {  	v0 =	vld [tilespmem:s28+$0x4E20]  }
0x5f: {  	s0 =	simm.s32 $0x40;
	v1 =	vld [tilespmem:s28+$0x5820]  }
.LBB2_8:
0x60: {  	_ = 	snop  }
0x61: {  	p0 =	sne.s32 s0, $0x13C0  }
.Ltmp3:
0x62: {  	_ = 	snop;
	(pc) =	sbr.rel @p0 .LBB2_8-.Ltmp3, $4  }
0x63: {  	_ = 	snop  }
0x64: {  	s1 =	sshra.s32 s0, $0x2;
	v2 =	vadd.f32 v1, v0  }
0x65: {  	v0 =	vld [tilespmem:s1+$0x4E20]  }
0x66: {  	s0 =	sadd.s32 $0x40, s0;
	v1 =	vld [tilespmem:s1+$0x5820];
	[tilespmem:s28+$0x6220] =	vst v2;
	s28 =	smov.u32 s1  }
0x67: {  	_ =	sdelay $0x3  }
0x68: {  	v0 =	vadd.f32 v1, v0;
	_ =	sdelay $0x1  }
0x69: {  	s26 =	sadd.s32 $0x1, s26;
	[tilespmem:s28+$0x6220] =	vst v0  }
0x6a: {  	[hbm4b:s9+s3] =	stream.linear.scatter [tilespmem:s20], [sflag:$0x5], $0x500, $0x38;
	[tilespmem:$0x6C20] =	vst v63  }
0x6b: {  	p0 =	sne.s32 s26, s10;
	_ =	swait.ge [sflag:s25], $0x500  }
.Ltmp4:
0x6c: {  	[sflag:s25] =	ssyncset.done $0x0;
	(pc) =	sbr.rel @p0 .LBB2_1-.Ltmp4, $4  }
0x6d: {  	[sflag:s25] =	ssyncadd.s32 $0xFFFFFB00  }
0x6e: {  	_ =	swait.ge [sflag:s24], $0x500  }
0x6f: {  	[sflag:s24] =	ssyncset.done $0x0  }
0x70: {  	[sflag:s24] =	ssyncadd.s32 $0xFFFFFB00  }
0x71: {  	_ =	sfence.sel $0x180000  }
0x72: {  	[bflag:$0x0] =	sbarrier.arrive $0xFFFF  }
0x73: {  	_ =	strace $0x90000047  }
0x74: {  	s0 =	stileid.u32;
	[bflag:$0x2] =	sbarrier.arrive $0xFFFF  }
0x75: {  	p0 =	sne.s32 s0, $0x0;
	s0 =	rddreg [dreg:$0x2]  }
0x76: {  	s0 =	sadd.s32 @!p0 $0x100000, s0  }
0x77: {  	[sflag:s0] =	ssyncadd.tile.s32 @!p0 $0x1;
	_ =	shalt  }
.Lfunc_end2:
_tile_overlayer_lowered:
.L_overlay_start_2:
0x78: {  	(tag) =	ssettag $0x2  }
0x79: {  	s0 =	rddreg [dreg:$0x0];
	s2 =	stileid.u32  }
0x7a: {  	s1 =	rddreg [dreg:$0x1];
	p0 =	sne.s32 s2, $0x0  }
0x7b: {  	s3 =	rddreg [dreg:$0x2];
	[bflag:$0x3] =	sbarrier.arrive $0xFFFF;
	s2 =	simm.s32 @!p0 $0x1C07  }
0x7c: {  	[timem:s3], [sflag:s2] =	dma.local @!p0 [hbm:s0], s1  }
0x7d: {  	s0 =	simm.s32 @!p0 $0x7  }
0x7e: {  	_ =	swait.ge @!p0 [sflag:s0], s1  }
0x7f: {  	s1 =	ssub.s32 @!p0 $0x0, s1;
	[sflag:s0] =	ssyncset.done @!p0 $0x0  }
0x80: {  	[sflag:s0] =	ssyncadd.s32 @!p0 s1  }
0x81: {  	[bflag:$0x3] =	sbarrier.arrive $0xFFFF  }
0x82: {  	_ =	shalt  }

</sc_bundles>
